<compile_context>
chip_gen: v7x
topology: tpu7x:2x2x1
jax: 0.10.2.dev20260603
libtpu: 0.0.44.dev20260713+nightly
codegen_flags: <defaults>
</compile_context>

<pallas_src>
import functools

import jax
import jax.numpy as jnp
from jax import lax
from jax.experimental import pallas as pl
from jax.experimental.pallas import tpu as pltpu
from jax.experimental.pallas import tpu_sc as plsc

_GRID_W = 128
_NB = 8
_A = 4096
_CE = 256
_PD = 48
_PROWS = 4104
_ZROW = _A


def _tc_body(emb_ref, w_ref, b_ref, out_ref):
    x = emb_ref[0]
    res = jnp.dot(x, w_ref[...], preferred_element_type=jnp.float32)
    res = res + b_ref[...]
    out_ref[:_A, :] = res
    out_ref[_A:_PROWS, :] = jnp.zeros((_PROWS - _A, 64), jnp.float32)


def _tc_compute(emb, w64, bvec):
    return pl.pallas_call(
        _tc_body,
        grid=(_NB,),
        in_specs=[
            pl.BlockSpec((1, _A, _CE), lambda i: (i, 0, 0)),
            pl.BlockSpec((_CE, 64), lambda i: (0, 0)),
            pl.BlockSpec((1, 64), lambda i: (0, 0)),
        ],
        out_specs=pl.BlockSpec((_PROWS, 64), lambda i: (i, 0)),
        out_shape=jax.ShapeDtypeStruct((_NB * _PROWS, 64), jnp.float32),
    )(emb, w64, bvec)


def _sc_body(p_hbm, idx_hbm, wts_hbm, offs_hbm, img_out, wimg_out,
             idx_v, wts_v, offs_v, tbl_v, wvals_v, cflat_v, cidx_v,
             posmap_v, gbuf_v, obuf_v, wimg_v, semA):
    c = lax.axis_index("c")
    s = lax.axis_index("s")
    wid = s * 2 + c
    b = wid // 4
    q = wid % 4

    pltpu.sync_copy(idx_hbm.at[b], idx_v)
    pltpu.sync_copy(wts_hbm.at[b], wts_v)
    pltpu.sync_copy(offs_hbm, offs_v)

    lanes = lax.iota(jnp.int32, 16)
    bb = jnp.full((16,), b, jnp.int32)
    hoff = plsc.load_gather(offs_v, [bb])
    woff = plsc.load_gather(offs_v, [bb + 8])
    row0 = hoff + q * 16

    trash16 = jnp.full((16,), _A, jnp.int32)

    def _init(i, carry):
        base = i * 256
        for k in range(16):
            tbl_v[pl.ds(base + k * 16, 16)] = trash16
        return carry
    lax.fori_loop(0, 8, _init, 0)

    def _scat(i, carry):
        for k in range(4):
            off = i * 64 + k * 16
            iv = idx_v[pl.ds(off, 16)]
            gh = iv >> 7
            gw = iv & (_GRID_W - 1)
            lr = gh - row0
            valid = (lr >= 0) & (lr < 16)
            tix = jnp.where(valid, lr * _GRID_W + gw, 0)
            plsc.store_scatter(tbl_v, [tix], lanes + off, mask=valid)
        return carry
    lax.fori_loop(0, 64, _scat, 0)

    pbase = b * _PROWS

    def _patches(ii, off):
        for k in range(4):
            i = ii * 4 + k
            rl = i // 4
            ch = i % 4
            tix = rl * _GRID_W + woff + ch * 16 + lanes
            a = plsc.load_gather(tbl_v, [tix])
            wv = plsc.load_gather(wts_v, [jnp.minimum(a, _A - 1)])
            valid = a < _A
            wv = jnp.where(valid, wv, 0.0)
            wvals_v[pl.ds(rl * 64 + ch * 16, 16)] = wv
            plsc.store_compressed(cflat_v.at[pl.ds(off, 16)], pbase + a,
                                  mask=valid)
            vi = valid.astype(jnp.int32)
            pos = (off - 1) + plsc.cumsum(vi)
            pos = jnp.where(valid, pos, 1024)
            posmap_v[pl.ds(rl * 64 + ch * 16, 16)] = pos
            off = off + jnp.sum(vi)
        return off
    nval = lax.fori_loop(0, 16, _patches, jnp.int32(0))

    def _tail(i, carry):
        cflat_v[pl.ds(nval + i * 16, 16)] = jnp.full((16,), pbase + _ZROW,
                                                     jnp.int32)
        return carry
    lax.fori_loop(0, 8, _tail, 0)

    def _c2d(j, carry):
        for k in range(8):
            cidx_v[j, pl.ds(k * 16, 16)] = cflat_v[pl.ds(j * 128 + k * 16,
                                                         16)]
        return carry
    lax.fori_loop(0, 8, _c2d, 0)

    z16 = jnp.zeros((16,), jnp.float32)
    for k in range(4):
        gbuf_v[8, 0, pl.ds(k * 16, 16)] = z16

    nchunks = (nval + 127) >> 7

    def _fire(j, carry):
        pltpu.async_copy(p_hbm.at[cidx_v.at[j]], gbuf_v.at[j], semA)
        return carry
    lax.fori_loop(0, nchunks, _fire, 0)

    def _drain(j, carry):
        pltpu.make_async_copy(p_hbm.at[cidx_v.at[j]], gbuf_v.at[j],
                              semA).wait()
        return carry
    lax.fori_loop(0, nchunks, _drain, 0)

    lanes4 = lanes >> 2
    lanem3 = (lanes & 3) * 3

    def _quarter(q4, carry):
        def _xchunk(k, carry2):
            kpart = (k >> 3) * 1024 + (k & 7) * 16
            for rl_local in range(4):
                pvec = lanes4 + ((q4 * 4 + rl_local) * 64 + k * 4)
                pos = plsc.load_gather(posmap_v, [pvec])
                slotv = pos >> 7
                rowv = pos & 127
                wlv = plsc.load_gather(wvals_v, [pvec])
                for r in range(4):
                    lq = rl_local * 4 + r
                    lbase = (lq >> 3) * 2048 + (lq & 7) * 128
                    for ci in range(3):
                        x = plsc.load_gather(
                            gbuf_v, [slotv, rowv, lanem3 + (r * 12 + ci)])
                        obuf_v[pl.ds(kpart + lbase + ci * 4096, 16)] = x * wlv
            return carry2
        lax.fori_loop(0, 16, _xchunk, 0)
        for ci in range(3):
            pltpu.sync_copy(
                obuf_v.at[pl.ds(ci * 4096, 4096)],
                img_out.at[b, ci, pl.ds((q * 8 + q4 * 2) * 2048, 4096)])
        return carry
    lax.fori_loop(0, 4, _quarter, 0)

    def _wimg(ii, carry):
        for k in range(4):
            i = ii * 4 + k
            rl = i // 16
            ci = i % 16
            widx = rl * 64 + ((ci * 16 + lanes) >> 2)
            wvv = plsc.load_gather(wvals_v, [widx])
            for r in range(4):
                wimg_v[pl.ds((rl * 4 + r) * 256 + ci * 16, 16)] = wvv
        return carry
    lax.fori_loop(0, 64, _wimg, 0)
    pltpu.sync_copy(wimg_v, wimg_out.at[wid])


@functools.partial(
    pl.kernel,
    out_type=(
        jax.ShapeDtypeStruct((_NB, 3, 65536), jnp.float32),
        jax.ShapeDtypeStruct((32, 16384), jnp.float32),
    ),
    mesh=plsc.VectorSubcoreMesh(core_axis_name="c", subcore_axis_name="s"),
    compiler_params=pltpu.CompilerParams(needs_layout_passes=False,
                                         use_tc_tiling_on_sc=False),
    scratch_types=(
        pltpu.VMEM((_A,), jnp.int32),
        pltpu.VMEM((_A,), jnp.float32),
        pltpu.VMEM((128,), jnp.int32),
        pltpu.VMEM((16 * _GRID_W,), jnp.int32),
        pltpu.VMEM((1024,), jnp.float32),
        pltpu.VMEM((1168,), jnp.int32),
        pltpu.VMEM((8, 128), jnp.int32),
        pltpu.VMEM((1024,), jnp.int32),
        pltpu.VMEM((9, 128, 64), jnp.float32),
        pltpu.VMEM((12288 + 16,), jnp.float32),
        pltpu.VMEM((16384,), jnp.float32),
        pltpu.SemaphoreType.DMA,
    ),
)
def _sc_kernel(p_hbm, idx_hbm, wts_hbm, offs_hbm, img_out, wimg_out,
               idx_v, wts_v, offs_v, tbl_v, wvals_v, cflat_v, cidx_v,
               posmap_v, gbuf_v, obuf_v, wimg_v, semA):
    _sc_body(p_hbm, idx_hbm, wts_hbm, offs_hbm, img_out, wimg_out,
             idx_v, wts_v, offs_v, tbl_v, wvals_v, cflat_v, cidx_v,
             posmap_v, gbuf_v, obuf_v, wimg_v, semA)


def kernel(emb, weights, W, b, indexes, h_offset, w_offset, img_h, img_w):
    del img_h, img_w
    w64 = jnp.concatenate([W, jnp.zeros((_CE, 64 - _PD), W.dtype)], axis=1)
    b64 = jnp.concatenate([b, jnp.zeros((64 - _PD,), b.dtype)]).reshape(1, 64)
    p = _tc_compute(emb, w64, b64)
    offs = jnp.concatenate([h_offset.astype(jnp.int32),
                            w_offset.astype(jnp.int32),
                            jnp.zeros((112,), jnp.int32)])
    img4, wimg4 = _sc_kernel(p, indexes, weights, offs)
    img = (img4.reshape(_NB, 3, 32, 2, 8, 128)
           .transpose(0, 2, 4, 3, 5, 1)
           .reshape(_NB, 256, 256, 3))
    wimg = wimg4.reshape(_NB, 256, 256, 1)
    return img, wimg

# --- scband reference (transcript-rebuilt; emitter-appended) ---
"""Pipeline reference for scband-multiscale-image-reconstructor-39599598469256 (READ-ONLY COPY).

The authoritative reference and input builder live on the scoring server;
editing this copy changes nothing except your own understanding.
"""

import jax, jax.numpy as jnp
import numpy as np

MAX_SIZE = (512, 512)
PATCH = (4, 4)
GRID_H = MAX_SIZE[0] // PATCH[0]
GRID_W = MAX_SIZE[1] // PATCH[1]
NUM_INDEXES = GRID_H * GRID_W
IMG_SIZE = (256, 256)


def _get_patch_indexes(required_size, batch_size, h_offset, w_offset):
    h, w = required_size
    ah = jnp.arange(h)[None, :] + h_offset[:, None]
    aw = jnp.arange(w)[None, :] + w_offset[:, None]
    ans = (ah * GRID_W)[:, :, None] + aw[:, None, :]
    return ans.reshape(-1, h * w)


def _get_relative_indexes(available, required, N):
    bsz, A = available.shape
    B = required.shape[1]
    avail = jnp.where(available >= 0, available, N)
    avail = jnp.minimum(avail, N)
    a_idx = jnp.full((bsz, N + 1), -1, dtype=jnp.int32)
    rows = jnp.arange(bsz)[:, None]
    src = jnp.broadcast_to(jnp.arange(A, dtype=jnp.int32)[None, :], (bsz, A))
    a_idx = a_idx.at[rows, avail].set(src)
    b1 = jnp.take_along_axis(a_idx, required, axis=1)
    b2 = jnp.broadcast_to((jnp.arange(B, dtype=jnp.int32) % A)[None, :], (bsz, B))
    mask = b1 >= 0
    idx = jnp.where(mask, b1, b2)
    return idx, mask.astype(jnp.float32)


def _unpatchify(emb, img_size, patch_size):
    N, num_embed, emb_dim = emb.shape
    H, W = img_size
    h, w = patch_size
    C = emb_dim // (h * w)
    x = emb.reshape(N, H // h, W // w, h, w, C)
    x = jnp.transpose(x, (0, 1, 3, 2, 4, 5))
    return x.reshape(N, H, W, C)


def _upsample(img, u):
    if u == 1:
        return img
    b, hh, ww, c = img.shape
    img = img.reshape(b, hh, 1, ww, 1, c)
    img = jnp.broadcast_to(img, (b, hh, u, ww, u, c))
    return img.reshape(b, hh * u, ww * u, c)


def setup_inputs(seed: int = 0):
    key = jax.random.key(seed)
    k1, k2, k3, k4, k5 = jax.random.split(key, 5)
    N = 8
    num_embed = 4096
    C_emb = 256
    img_channels = 3
    emb = jax.random.normal(k1, (N, num_embed, C_emb), dtype=jnp.float32)
    rng = np.random.RandomState(0)
    indexes = jnp.asarray(np.stack([rng.permutation(NUM_INDEXES)[:num_embed] for _ in range(N)]).astype(np.int32))
    weights = jax.random.uniform(k2, (N, num_embed), dtype=jnp.float32)
    max_off = GRID_H - 256 // PATCH[0]
    h_offset = jax.random.randint(k3, (N,), 0, max_off + 1)
    w_offset = jax.random.randint(k4, (N,), 0, max_off + 1)
    W = jax.random.normal(k5, (C_emb, img_channels * PATCH[0] * PATCH[1]), dtype=jnp.float32) * 0.02
    b = jnp.zeros((img_channels * PATCH[0] * PATCH[1],), dtype=jnp.float32)
    return {"emb": emb, "weights": weights, "W": W, "b": b, "indexes": indexes, "h_offset": h_offset, "w_offset": w_offset, "img_h": 256, "img_w": 256}


def reference(emb, weights, W, b, indexes, h_offset, w_offset, img_h, img_w):
    N = emb.shape[0]
    hp = IMG_SIZE[0] // PATCH[0]
    wp = IMG_SIZE[1] // PATCH[1]
    h_offset = h_offset + img_h * 0
    w_offset = w_offset + img_w * 0
    required = _get_patch_indexes((hp, wp), N, h_offset, w_offset)
    rel, mask = _get_relative_indexes(indexes, required, NUM_INDEXES)
    g_emb = jnp.take_along_axis(emb, rel[:, :, None], axis=1)
    g_w = jnp.take_along_axis(weights, rel, axis=1) * mask
    patches = (g_emb @ W + b) * g_w[:, :, None]
    img = _unpatchify(patches, IMG_SIZE, PATCH)
    wimg = _upsample(g_w.reshape(N, hp, wp, 1), PATCH[0])
    return img, wimg

if __name__ == "__main__":
    import jax
    _d = setup_inputs()
    print(jax.jit(kernel)(*tuple(_d.values())))

</pallas_src>

<mosaic_0001>
#map = affine_map<(d0, d1) -> (0, 0)>
#map1 = affine_map<(d0, d1) -> (0)>
#map2 = affine_map<(d0, d1) -> (0, 0, 0)>
module attributes {stable_mosaic.version = 14 : i64} {
  func.func @_sc_kernel(%arg0: i32, %arg1: i32, %arg2: memref<32832x64xf32, #tpu.memory_space<hbm>>, %arg3: memref<8x4096xi32, #tpu.memory_space<hbm>>, %arg4: memref<8x4096xf32, #tpu.memory_space<hbm>>, %arg5: memref<128xi32, #tpu.memory_space<hbm>>, %arg6: memref<8x3x65536xf32, #tpu.memory_space<hbm>>, %arg7: memref<32x16384xf32, #tpu.memory_space<hbm>>, %arg8: memref<4096xi32, #tpu.memory_space<vmem>>, %arg9: memref<4096xf32, #tpu.memory_space<vmem>>, %arg10: memref<128xi32, #tpu.memory_space<vmem>>, %arg11: memref<2048xi32, #tpu.memory_space<vmem>>, %arg12: memref<1024xf32, #tpu.memory_space<vmem>>, %arg13: memref<1168xi32, #tpu.memory_space<vmem>>, %arg14: memref<8x128xi32, #tpu.memory_space<vmem>>, %arg15: memref<1024xi32, #tpu.memory_space<vmem>>, %arg16: memref<9x128x64xf32, #tpu.memory_space<vmem>>, %arg17: memref<12304xf32, #tpu.memory_space<vmem>>, %arg18: memref<16384xf32, #tpu.memory_space<vmem>>, %arg19: memref<!tpu.dma_semaphore, #tpu.memory_space<semaphore_mem>>) attributes {dimension_semantics = [#tpu.dimension_semantics<core_parallel>, #tpu.dimension_semantics<subcore_parallel>], iteration_bounds = array<i64: 2, 16>, scalar_prefetch = 0 : i64, scratch_operands = 12 : i64, tpu.core_type = #tpu.core_type<sc_vector_subcore>, window_params = [{transform_indices = #map}, {transform_indices = #map}, {transform_indices = #map}, {transform_indices = #map1}, {transform_indices = #map2}, {transform_indices = #map}]} {
    %mul3A = arith.constant 2 : i32
    %mul3A_0 = arith.muli %arg1, %mul3A : i32
    %add3A = arith.addi %mul3A_0, %arg0 : i32
    %jit3A = arith.constant 4 : i32
    %div3A = arith.divsi %add3A, %jit3A : i32
    %sign3A = arith.constant 0 : i32
    %sign3A_1 = arith.cmpi sgt, %add3A, %sign3A : i32
    %sign3A_2 = arith.extui %sign3A_1 : i1 to i32
    %sign3A_3 = arith.constant 0 : i32
    %sign3A_4 = arith.cmpi slt, %add3A, %sign3A_3 : i32
    %sign3A_5 = arith.extui %sign3A_4 : i1 to i32
    %sign3A_6 = arith.subi %sign3A_2, %sign3A_5 : i32
    %sign3A_7 = arith.constant 0 : i32
    %sign3A_8 = arith.cmpi sgt, %jit3A, %sign3A_7 : i32
    %sign3A_9 = arith.extui %sign3A_8 : i1 to i32
    %sign3A_10 = arith.constant 0 : i32
    %sign3A_11 = arith.cmpi slt, %jit3A, %sign3A_10 : i32
    %sign3A_12 = arith.extui %sign3A_11 : i1 to i32
    %sign3A_13 = arith.subi %sign3A_9, %sign3A_12 : i32
    %ne3A = arith.cmpi ne, %sign3A_6, %sign3A_13 : i32
    %rem3A = arith.remsi %add3A, %jit3A : i32
    %ne3A_14 = arith.constant 0 : i32
    %ne3A_15 = arith.cmpi ne, %rem3A, %ne3A_14 : i32
    %and3A = arith.andi %ne3A, %ne3A_15 : i1
    %sub3A = arith.constant 1 : i32
    %sub3A_16 = arith.subi %div3A, %sub3A : i32
    %select_n3A = arith.select %and3A, %sub3A_16, %div3A : i32
    %jit3A_17 = arith.constant 4 : i32
    %eq3A = arith.constant 0 : i32
    %eq3A_18 = arith.cmpi eq, %jit3A_17, %eq3A : i32
    %jit3A_19 = arith.constant 1 : i32
    %select_n3A_20 = arith.select %eq3A_18, %jit3A_19, %jit3A_17 : i32
    %rem3A_21 = arith.remsi %add3A, %select_n3A_20 : i32
    %ne3A_22 = arith.constant 0 : i32
    %ne3A_23 = arith.cmpi ne, %rem3A_21, %ne3A_22 : i32
    %lt3A = arith.constant 0 : i32
    %lt3A_24 = arith.cmpi slt, %rem3A_21, %lt3A : i32
    %lt3A_25 = arith.constant 0 : i32
    %lt3A_26 = arith.cmpi slt, %select_n3A_20, %lt3A_25 : i32
    %ne3A_27 = arith.xori %lt3A_24, %lt3A_26 : i1
    %and3A_28 = arith.andi %ne3A_27, %ne3A_23 : i1
    %add3A_29 = arith.addi %rem3A_21, %select_n3A_20 : i32
    %select_n3A_30 = arith.select %and3A_28, %add3A_29, %rem3A_21 : i32
    "tpu.region"() ({
      %run_scoped3A = tpu.sem_alloc : memref<!tpu.dma_semaphore, #tpu.memory_space<semaphore_mem>>
      %dma_start3A = arith.constant 0 : i32
      %dma_start3A_141 = tpu.memref_slice %arg3[%select_n3A, %dma_start3A] : memref<8x4096xi32, #tpu.memory_space<hbm>> -> memref<1x4096xi32, #tpu.memory_space<hbm>>
      %dma_start3A_142 = tpu.memref_squeeze %dma_start3A_141 : memref<1x4096xi32, #tpu.memory_space<hbm>> -> memref<4096xi32, #tpu.memory_space<hbm>>
      %dma_start3A_143 = arith.constant 0 : i32
      %dma_start3A_144 = tpu.memref_slice %arg3[%select_n3A, %dma_start3A_143] : memref<8x4096xi32, #tpu.memory_space<hbm>> -> memref<1x4096xi32, #tpu.memory_space<hbm>>
      %dma_start3A_145 = tpu.memref_squeeze %dma_start3A_144 : memref<1x4096xi32, #tpu.memory_space<hbm>> -> memref<4096xi32, #tpu.memory_space<hbm>>
      tpu.enqueue_dma source(%dma_start3A_145 : memref<4096xi32, #tpu.memory_space<hbm>>) target(%arg8 : memref<4096xi32, #tpu.memory_space<vmem>>) target_semaphore(%run_scoped3A : memref<!tpu.dma_semaphore, #tpu.memory_space<semaphore_mem>>)
      %dma_wait3A = arith.constant 0 : i32
      %dma_wait3A_146 = tpu.memref_slice %arg3[%select_n3A, %dma_wait3A] : memref<8x4096xi32, #tpu.memory_space<hbm>> -> memref<1x4096xi32, #tpu.memory_space<hbm>>
      %dma_wait3A_147 = tpu.memref_squeeze %dma_wait3A_146 : memref<1x4096xi32, #tpu.memory_space<hbm>> -> memref<4096xi32, #tpu.memory_space<hbm>>
      %dma_wait3A_148 = arith.constant 0 : i32
      %dma_wait3A_149 = tpu.memref_slice %arg3[%select_n3A, %dma_wait3A_148] : memref<8x4096xi32, #tpu.memory_space<hbm>> -> memref<1x4096xi32, #tpu.memory_space<hbm>>
      %dma_wait3A_150 = tpu.memref_squeeze %dma_wait3A_149 : memref<1x4096xi32, #tpu.memory_space<hbm>> -> memref<4096xi32, #tpu.memory_space<hbm>>
      tpu.wait_dma2 semaphore(%run_scoped3A : memref<!tpu.dma_semaphore, #tpu.memory_space<semaphore_mem>>) src(%dma_wait3A_150 : memref<4096xi32, #tpu.memory_space<hbm>>) dst(%arg8 : memref<4096xi32, #tpu.memory_space<vmem>>)
      tpu.yield
    }) : () -> ()
    "tpu.region"() ({
      %run_scoped3A = tpu.sem_alloc : memref<!tpu.dma_semaphore, #tpu.memory_space<semaphore_mem>>
      %dma_start3A = arith.constant 0 : i32
      %dma_start3A_141 = tpu.memref_slice %arg4[%select_n3A, %dma_start3A] : memref<8x4096xf32, #tpu.memory_space<hbm>> -> memref<1x4096xf32, #tpu.memory_space<hbm>>
      %dma_start3A_142 = tpu.memref_squeeze %dma_start3A_141 : memref<1x4096xf32, #tpu.memory_space<hbm>> -> memref<4096xf32, #tpu.memory_space<hbm>>
      %dma_start3A_143 = arith.constant 0 : i32
      %dma_start3A_144 = tpu.memref_slice %arg4[%select_n3A, %dma_start3A_143] : memref<8x4096xf32, #tpu.memory_space<hbm>> -> memref<1x4096xf32, #tpu.memory_space<hbm>>
      %dma_start3A_145 = tpu.memref_squeeze %dma_start3A_144 : memref<1x4096xf32, #tpu.memory_space<hbm>> -> memref<4096xf32, #tpu.memory_space<hbm>>
      tpu.enqueue_dma source(%dma_start3A_145 : memref<4096xf32, #tpu.memory_space<hbm>>) target(%arg9 : memref<4096xf32, #tpu.memory_space<vmem>>) target_semaphore(%run_scoped3A : memref<!tpu.dma_semaphore, #tpu.memory_space<semaphore_mem>>)
      %dma_wait3A = arith.constant 0 : i32
      %dma_wait3A_146 = tpu.memref_slice %arg4[%select_n3A, %dma_wait3A] : memref<8x4096xf32, #tpu.memory_space<hbm>> -> memref<1x4096xf32, #tpu.memory_space<hbm>>
      %dma_wait3A_147 = tpu.memref_squeeze %dma_wait3A_146 : memref<1x4096xf32, #tpu.memory_space<hbm>> -> memref<4096xf32, #tpu.memory_space<hbm>>
      %dma_wait3A_148 = arith.constant 0 : i32
      %dma_wait3A_149 = tpu.memref_slice %arg4[%select_n3A, %dma_wait3A_148] : memref<8x4096xf32, #tpu.memory_space<hbm>> -> memref<1x4096xf32, #tpu.memory_space<hbm>>
      %dma_wait3A_150 = tpu.memref_squeeze %dma_wait3A_149 : memref<1x4096xf32, #tpu.memory_space<hbm>> -> memref<4096xf32, #tpu.memory_space<hbm>>
      tpu.wait_dma2 semaphore(%run_scoped3A : memref<!tpu.dma_semaphore, #tpu.memory_space<semaphore_mem>>) src(%dma_wait3A_150 : memref<4096xf32, #tpu.memory_space<hbm>>) dst(%arg9 : memref<4096xf32, #tpu.memory_space<vmem>>)
      tpu.yield
    }) : () -> ()
    "tpu.region"() ({
      %run_scoped3A = tpu.sem_alloc : memref<!tpu.dma_semaphore, #tpu.memory_space<semaphore_mem>>
      tpu.enqueue_dma source(%arg5 : memref<128xi32, #tpu.memory_space<hbm>>) target(%arg10 : memref<128xi32, #tpu.memory_space<vmem>>) target_semaphore(%run_scoped3A : memref<!tpu.dma_semaphore, #tpu.memory_space<semaphore_mem>>)
      tpu.wait_dma2 semaphore(%run_scoped3A : memref<!tpu.dma_semaphore, #tpu.memory_space<semaphore_mem>>) src(%arg5 : memref<128xi32, #tpu.memory_space<hbm>>) dst(%arg10 : memref<128xi32, #tpu.memory_space<vmem>>)
      tpu.yield
    }) : () -> ()
    %iota3A = tpu.iota {dimensions = array<i32: 0>} : vector<16xi32>
    %broadcast_in_dim3A = vector.broadcast %select_n3A : i32 to vector<16xi32>
    %gather3A = tpu.vector_load_idx %arg10[%broadcast_in_dim3A] : memref<128xi32, #tpu.memory_space<vmem>>[vector<16xi32>], vector<16xi32>,
    %add3A_31 = arith.constant 8 : i32
    %add3A_32 = vector.broadcast %add3A_31 : i32 to vector<16xi32>
    %add3A_33 = arith.addi %broadcast_in_dim3A, %add3A_32 : vector<16xi32>
    %gather3A_34 = tpu.vector_load_idx %arg10[%add3A_33] : memref<128xi32, #tpu.memory_space<vmem>>[vector<16xi32>], vector<16xi32>,
    %mul3A_35 = arith.constant 16 : i32
    %mul3A_36 = arith.muli %select_n3A_30, %mul3A_35 : i32
    %add3A_37 = vector.broadcast %mul3A_36 : i32 to vector<16xi32>
    %add3A_38 = arith.addi %gather3A, %add3A_37 : vector<16xi32>
    %broadcast_in_dim3A_39 = arith.constant 4096 : i32
    %broadcast_in_dim3A_40 = vector.broadcast %broadcast_in_dim3A_39 : i32 to vector<16xi32>
    %scan3A = arith.constant 0 : i32
    %scan3A_41 = arith.constant 0 : i32
    %scan3A_42 = arith.constant 8 : i32
    %scan3A_43 = arith.addi %scan3A_41, %scan3A_42 : i32
    %scan3A_44 = arith.constant 1 : i32
    scf.for %scan3A_141 = %scan3A_41 to %scan3A_43 step %scan3A_44  : i32 {
      %mul3A_142 = arith.constant 256 : i32
      %mul3A_143 = arith.muli %scan3A_141, %mul3A_142 : i32
      %add3A_144 = arith.constant 0 : i32
      %add3A_145 = arith.addi %mul3A_143, %add3A_144 : i32
      %swap3A_146 = arith.index_cast %add3A_145 : i32 to index
      %swap3A_147 = tpu.vector_load %arg11[%swap3A_146] {strides = array<i32>} : memref<2048xi32, #tpu.memory_space<vmem>>, vector<16xi32>,
      tpu.vector_store %arg11[%swap3A_146], %broadcast_in_dim3A_40 {strides = array<i32>} : memref<2048xi32, #tpu.memory_space<vmem>>, vector<16xi32>,
      %add3A_148 = arith.constant 16 : i32
      %add3A_149 = arith.addi %mul3A_143, %add3A_148 : i32
      %swap3A_150 = arith.index_cast %add3A_149 : i32 to index
      %swap3A_151 = tpu.vector_load %arg11[%swap3A_150] {strides = array<i32>} : memref<2048xi32, #tpu.memory_space<vmem>>, vector<16xi32>,
      tpu.vector_store %arg11[%swap3A_150], %broadcast_in_dim3A_40 {strides = array<i32>} : memref<2048xi32, #tpu.memory_space<vmem>>, vector<16xi32>,
      %add3A_152 = arith.constant 32 : i32
      %add3A_153 = arith.addi %mul3A_143, %add3A_152 : i32
      %swap3A_154 = arith.index_cast %add3A_153 : i32 to index
      %swap3A_155 = tpu.vector_load %arg11[%swap3A_154] {strides = array<i32>} : memref<2048xi32, #tpu.memory_space<vmem>>, vector<16xi32>,
      tpu.vector_store %arg11[%swap3A_154], %broadcast_in_dim3A_40 {strides = array<i32>} : memref<2048xi32, #tpu.memory_space<vmem>>, vector<16xi32>,
      %add3A_156 = arith.constant 48 : i32
      %add3A_157 = arith.addi %mul3A_143, %add3A_156 : i32
      %swap3A_158 = arith.index_cast %add3A_157 : i32 to index
      %swap3A_159 = tpu.vector_load %arg11[%swap3A_158] {strides = array<i32>} : memref<2048xi32, #tpu.memory_space<vmem>>, vector<16xi32>,
      tpu.vector_store %arg11[%swap3A_158], %broadcast_in_dim3A_40 {strides = array<i32>} : memref<2048xi32, #tpu.memory_space<vmem>>, vector<16xi32>,
      %add3A_160 = arith.constant 64 : i32
      %add3A_161 = arith.addi %mul3A_143, %add3A_160 : i32
      %swap3A_162 = arith.index_cast %add3A_161 : i32 to index
      %swap3A_163 = tpu.vector_load %arg11[%swap3A_162] {strides = array<i32>} : memref<2048xi32, #tpu.memory_space<vmem>>, vector<16xi32>,
      tpu.vector_store %arg11[%swap3A_162], %broadcast_in_dim3A_40 {strides = array<i32>} : memref<2048xi32, #tpu.memory_space<vmem>>, vector<16xi32>,
      %add3A_164 = arith.constant 80 : i32
      %add3A_165 = arith.addi %mul3A_143, %add3A_164 : i32
      %swap3A_166 = arith.index_cast %add3A_165 : i32 to index
      %swap3A_167 = tpu.vector_load %arg11[%swap3A_166] {strides = array<i32>} : memref<2048xi32, #tpu.memory_space<vmem>>, vector<16xi32>,
      tpu.vector_store %arg11[%swap3A_166], %broadcast_in_dim3A_40 {strides = array<i32>} : memref<2048xi32, #tpu.memory_space<vmem>>, vector<16xi32>,
      %add3A_168 = arith.constant 96 : i32
      %add3A_169 = arith.addi %mul3A_143, %add3A_168 : i32
      %swap3A_170 = arith.index_cast %add3A_169 : i32 to index
      %swap3A_171 = tpu.vector_load %arg11[%swap3A_170] {strides = array<i32>} : memref<2048xi32, #tpu.memory_space<vmem>>, vector<16xi32>,
      tpu.vector_store %arg11[%swap3A_170], %broadcast_in_dim3A_40 {strides = array<i32>} : memref<2048xi32, #tpu.memory_space<vmem>>, vector<16xi32>,
      %add3A_172 = arith.constant 112 : i32
      %add3A_173 = arith.addi %mul3A_143, %add3A_172 : i32
      %swap3A_174 = arith.index_cast %add3A_173 : i32 to index
      %swap3A_175 = tpu.vector_load %arg11[%swap3A_174] {strides = array<i32>} : memref<2048xi32, #tpu.memory_space<vmem>>, vector<16xi32>,
      tpu.vector_store %arg11[%swap3A_174], %broadcast_in_dim3A_40 {strides = array<i32>} : memref<2048xi32, #tpu.memory_space<vmem>>, vector<16xi32>,
      %add3A_176 = arith.constant 128 : i32
      %add3A_177 = arith.addi %mul3A_143, %add3A_176 : i32
      %swap3A_178 = arith.index_cast %add3A_177 : i32 to index
      %swap3A_179 = tpu.vector_load %arg11[%swap3A_178] {strides = array<i32>} : memref<2048xi32, #tpu.memory_space<vmem>>, vector<16xi32>,
      tpu.vector_store %arg11[%swap3A_178], %broadcast_in_dim3A_40 {strides = array<i32>} : memref<2048xi32, #tpu.memory_space<vmem>>, vector<16xi32>,
      %add3A_180 = arith.constant 144 : i32
      %add3A_181 = arith.addi %mul3A_143, %add3A_180 : i32
      %swap3A_182 = arith.index_cast %add3A_181 : i32 to index
      %swap3A_183 = tpu.vector_load %arg11[%swap3A_182] {strides = array<i32>} : memref<2048xi32, #tpu.memory_space<vmem>>, vector<16xi32>,
      tpu.vector_store %arg11[%swap3A_182], %broadcast_in_dim3A_40 {strides = array<i32>} : memref<2048xi32, #tpu.memory_space<vmem>>, vector<16xi32>,
      %add3A_184 = arith.constant 160 : i32
      %add3A_185 = arith.addi %mul3A_143, %add3A_184 : i32
      %swap3A_186 = arith.index_cast %add3A_185 : i32 to index
      %swap3A_187 = tpu.vector_load %arg11[%swap3A_186] {strides = array<i32>} : memref<2048xi32, #tpu.memory_space<vmem>>, vector<16xi32>,
      tpu.vector_store %arg11[%swap3A_186], %broadcast_in_dim3A_40 {strides = array<i32>} : memref<2048xi32, #tpu.memory_space<vmem>>, vector<16xi32>,
      %add3A_188 = arith.constant 176 : i32
      %add3A_189 = arith.addi %mul3A_143, %add3A_188 : i32
      %swap3A_190 = arith.index_cast %add3A_189 : i32 to index
      %swap3A_191 = tpu.vector_load %arg11[%swap3A_190] {strides = array<i32>} : memref<2048xi32, #tpu.memory_space<vmem>>, vector<16xi32>,
      tpu.vector_store %arg11[%swap3A_190], %broadcast_in_dim3A_40 {strides = array<i32>} : memref<2048xi32, #tpu.memory_space<vmem>>, vector<16xi32>,
      %add3A_192 = arith.constant 192 : i32
      %add3A_193 = arith.addi %mul3A_143, %add3A_192 : i32
      %swap3A_194 = arith.index_cast %add3A_193 : i32 to index
      %swap3A_195 = tpu.vector_load %arg11[%swap3A_194] {strides = array<i32>} : memref<2048xi32, #tpu.memory_space<vmem>>, vector<16xi32>,
      tpu.vector_store %arg11[%swap3A_194], %broadcast_in_dim3A_40 {strides = array<i32>} : memref<2048xi32, #tpu.memory_space<vmem>>, vector<16xi32>,
      %add3A_196 = arith.constant 208 : i32
      %add3A_197 = arith.addi %mul3A_143, %add3A_196 : i32
      %swap3A_198 = arith.index_cast %add3A_197 : i32 to index
      %swap3A_199 = tpu.vector_load %arg11[%swap3A_198] {strides = array<i32>} : memref<2048xi32, #tpu.memory_space<vmem>>, vector<16xi32>,
      tpu.vector_store %arg11[%swap3A_198], %broadcast_in_dim3A_40 {strides = array<i32>} : memref<2048xi32, #tpu.memory_space<vmem>>, vector<16xi32>,
      %add3A_200 = arith.constant 224 : i32
      %add3A_201 = arith.addi %mul3A_143, %add3A_200 : i32
      %swap3A_202 = arith.index_cast %add3A_201 : i32 to index
      %swap3A_203 = tpu.vector_load %arg11[%swap3A_202] {strides = array<i32>} : memref<2048xi32, #tpu.memory_space<vmem>>, vector<16xi32>,
      tpu.vector_store %arg11[%swap3A_202], %broadcast_in_dim3A_40 {strides = array<i32>} : memref<2048xi32, #tpu.memory_space<vmem>>, vector<16xi32>,
      %add3A_204 = arith.constant 240 : i32
      %add3A_205 = arith.addi %mul3A_143, %add3A_204 : i32
      %swap3A_206 = arith.index_cast %add3A_205 : i32 to index
      %swap3A_207 = tpu.vector_load %arg11[%swap3A_206] {strides = array<i32>} : memref<2048xi32, #tpu.memory_space<vmem>>, vector<16xi32>,
      tpu.vector_store %arg11[%swap3A_206], %broadcast_in_dim3A_40 {strides = array<i32>} : memref<2048xi32, #tpu.memory_space<vmem>>, vector<16xi32>,
    }
    %scan3A_45 = arith.constant 8 : i32
    %scan3A_46 = arith.constant 0 : i32
    %scan3A_47 = arith.constant 0 : i32
    %scan3A_48 = arith.constant 64 : i32
    %scan3A_49 = arith.addi %scan3A_47, %scan3A_48 : i32
    %scan3A_50 = arith.constant 1 : i32
    scf.for %scan3A_141 = %scan3A_47 to %scan3A_49 step %scan3A_50  : i32 {
      %mul3A_142 = arith.constant 64 : i32
      %mul3A_143 = arith.muli %scan3A_141, %mul3A_142 : i32
      %add3A_144 = arith.constant 0 : i32
      %add3A_145 = arith.addi %mul3A_143, %add3A_144 : i32
      %get3A = arith.index_cast %add3A_145 : i32 to index
      %get3A_146 = tpu.vector_load %arg8[%get3A] {strides = array<i32>} : memref<4096xi32, #tpu.memory_space<vmem>>, vector<16xi32>,
      %shift_right_arithmetic3A_147 = arith.constant 7 : i32
      %shift_right_arithmetic3A_148 = vector.broadcast %shift_right_arithmetic3A_147 : i32 to vector<16xi32>
      %shift_right_arithmetic3A_149 = arith.shrsi %get3A_146, %shift_right_arithmetic3A_148 : vector<16xi32>
      %and3A_150 = arith.constant 127 : i32
      %and3A_151 = vector.broadcast %and3A_150 : i32 to vector<16xi32>
      %and3A_152 = arith.andi %get3A_146, %and3A_151 : vector<16xi32>
      %sub3A_153 = arith.subi %shift_right_arithmetic3A_149, %add3A_38 : vector<16xi32>
      %ge3A = arith.constant 0 : i32
      %ge3A_154 = vector.broadcast %ge3A : i32 to vector<16xi32>
      %ge3A_155 = arith.cmpi sge, %sub3A_153, %ge3A_154 : vector<16xi32>
      %lt3A_156 = arith.constant 16 : i32
      %lt3A_157 = vector.broadcast %lt3A_156 : i32 to vector<16xi32>
      %lt3A_158 = arith.cmpi slt, %sub3A_153, %lt3A_157 : vector<16xi32>
      %and3A_159 = arith.andi %ge3A_155, %lt3A_158 : vector<16xi1>
      %mul3A_160 = arith.constant 128 : i32
      %mul3A_161 = vector.broadcast %mul3A_160 : i32 to vector<16xi32>
      %mul3A_162 = arith.muli %sub3A_153, %mul3A_161 : vector<16xi32>
      %add3A_163 = arith.addi %mul3A_162, %and3A_152 : vector<16xi32>
      %jit3A_164 = arith.constant 0 : i32
      %broadcast_in_dim3A_165 = vector.broadcast %jit3A_164 : i32 to vector<16xi32>
      %select_n3A_166 = arith.select %and3A_159, %add3A_163, %broadcast_in_dim3A_165 : vector<16xi1>, vector<16xi32>
      %add3A_167 = vector.broadcast %add3A_145 : i32 to vector<16xi32>
      %add3A_168 = arith.addi %iota3A, %add3A_167 : vector<16xi32>
      tpu.vector_store_idx %arg11[%select_n3A_166], %add3A_168 masked %and3A_159 : memref<2048xi32, #tpu.memory_space<vmem>>[vector<16xi32>], vector<16xi32>, vector<16xi1>
      %mul3A_169 = arith.constant 64 : i32
      %mul3A_170 = arith.muli %scan3A_141, %mul3A_169 : i32
      %add3A_171 = arith.constant 16 : i32
      %add3A_172 = arith.addi %mul3A_170, %add3A_171 : i32
      %get3A_173 = arith.index_cast %add3A_172 : i32 to index
      %get3A_174 = tpu.vector_load %arg8[%get3A_173] {strides = array<i32>} : memref<4096xi32, #tpu.memory_space<vmem>>, vector<16xi32>,
      %shift_right_arithmetic3A_175 = arith.constant 7 : i32
      %shift_right_arithmetic3A_176 = vector.broadcast %shift_right_arithmetic3A_175 : i32 to vector<16xi32>
      %shift_right_arithmetic3A_177 = arith.shrsi %get3A_174, %shift_right_arithmetic3A_176 : vector<16xi32>
      %and3A_178 = arith.constant 127 : i32
      %and3A_179 = vector.broadcast %and3A_178 : i32 to vector<16xi32>
      %and3A_180 = arith.andi %get3A_174, %and3A_179 : vector<16xi32>
      %sub3A_181 = arith.subi %shift_right_arithmetic3A_177, %add3A_38 : vector<16xi32>
      %ge3A_182 = arith.constant 0 : i32
      %ge3A_183 = vector.broadcast %ge3A_182 : i32 to vector<16xi32>
      %ge3A_184 = arith.cmpi sge, %sub3A_181, %ge3A_183 : vector<16xi32>
      %lt3A_185 = arith.constant 16 : i32
      %lt3A_186 = vector.broadcast %lt3A_185 : i32 to vector<16xi32>
      %lt3A_187 = arith.cmpi slt, %sub3A_181, %lt3A_186 : vector<16xi32>
      %and3A_188 = arith.andi %ge3A_184, %lt3A_187 : vector<16xi1>
      %mul3A_189 = arith.constant 128 : i32
      %mul3A_190 = vector.broadcast %mul3A_189 : i32 to vector<16xi32>
      %mul3A_191 = arith.muli %sub3A_181, %mul3A_190 : vector<16xi32>
      %add3A_192 = arith.addi %mul3A_191, %and3A_180 : vector<16xi32>
      %jit3A_193 = arith.constant 0 : i32
      %broadcast_in_dim3A_194 = vector.broadcast %jit3A_193 : i32 to vector<16xi32>
      %select_n3A_195 = arith.select %and3A_188, %add3A_192, %broadcast_in_dim3A_194 : vector<16xi1>, vector<16xi32>
      %add3A_196 = vector.broadcast %add3A_172 : i32 to vector<16xi32>
      %add3A_197 = arith.addi %iota3A, %add3A_196 : vector<16xi32>
      tpu.vector_store_idx %arg11[%select_n3A_195], %add3A_197 masked %and3A_188 : memref<2048xi32, #tpu.memory_space<vmem>>[vector<16xi32>], vector<16xi32>, vector<16xi1>
      %mul3A_198 = arith.constant 64 : i32
      %mul3A_199 = arith.muli %scan3A_141, %mul3A_198 : i32
      %add3A_200 = arith.constant 32 : i32
      %add3A_201 = arith.addi %mul3A_199, %add3A_200 : i32
      %get3A_202 = arith.index_cast %add3A_201 : i32 to index
      %get3A_203 = tpu.vector_load %arg8[%get3A_202] {strides = array<i32>} : memref<4096xi32, #tpu.memory_space<vmem>>, vector<16xi32>,
      %shift_right_arithmetic3A_204 = arith.constant 7 : i32
      %shift_right_arithmetic3A_205 = vector.broadcast %shift_right_arithmetic3A_204 : i32 to vector<16xi32>
      %shift_right_arithmetic3A_206 = arith.shrsi %get3A_203, %shift_right_arithmetic3A_205 : vector<16xi32>
      %and3A_207 = arith.constant 127 : i32
      %and3A_208 = vector.broadcast %and3A_207 : i32 to vector<16xi32>
      %and3A_209 = arith.andi %get3A_203, %and3A_208 : vector<16xi32>
      %sub3A_210 = arith.subi %shift_right_arithmetic3A_206, %add3A_38 : vector<16xi32>
      %ge3A_211 = arith.constant 0 : i32
      %ge3A_212 = vector.broadcast %ge3A_211 : i32 to vector<16xi32>
      %ge3A_213 = arith.cmpi sge, %sub3A_210, %ge3A_212 : vector<16xi32>
      %lt3A_214 = arith.constant 16 : i32
      %lt3A_215 = vector.broadcast %lt3A_214 : i32 to vector<16xi32>
      %lt3A_216 = arith.cmpi slt, %sub3A_210, %lt3A_215 : vector<16xi32>
      %and3A_217 = arith.andi %ge3A_213, %lt3A_216 : vector<16xi1>
      %mul3A_218 = arith.constant 128 : i32
      %mul3A_219 = vector.broadcast %mul3A_218 : i32 to vector<16xi32>
      %mul3A_220 = arith.muli %sub3A_210, %mul3A_219 : vector<16xi32>
      %add3A_221 = arith.addi %mul3A_220, %and3A_209 : vector<16xi32>
      %jit3A_222 = arith.constant 0 : i32
      %broadcast_in_dim3A_223 = vector.broadcast %jit3A_222 : i32 to vector<16xi32>
      %select_n3A_224 = arith.select %and3A_217, %add3A_221, %broadcast_in_dim3A_223 : vector<16xi1>, vector<16xi32>
      %add3A_225 = vector.broadcast %add3A_201 : i32 to vector<16xi32>
      %add3A_226 = arith.addi %iota3A, %add3A_225 : vector<16xi32>
      tpu.vector_store_idx %arg11[%select_n3A_224], %add3A_226 masked %and3A_217 : memref<2048xi32, #tpu.memory_space<vmem>>[vector<16xi32>], vector<16xi32>, vector<16xi1>
      %mul3A_227 = arith.constant 64 : i32
      %mul3A_228 = arith.muli %scan3A_141, %mul3A_227 : i32
      %add3A_229 = arith.constant 48 : i32
      %add3A_230 = arith.addi %mul3A_228, %add3A_229 : i32
      %get3A_231 = arith.index_cast %add3A_230 : i32 to index
      %get3A_232 = tpu.vector_load %arg8[%get3A_231] {strides = array<i32>} : memref<4096xi32, #tpu.memory_space<vmem>>, vector<16xi32>,
      %shift_right_arithmetic3A_233 = arith.constant 7 : i32
      %shift_right_arithmetic3A_234 = vector.broadcast %shift_right_arithmetic3A_233 : i32 to vector<16xi32>
      %shift_right_arithmetic3A_235 = arith.shrsi %get3A_232, %shift_right_arithmetic3A_234 : vector<16xi32>
      %and3A_236 = arith.constant 127 : i32
      %and3A_237 = vector.broadcast %and3A_236 : i32 to vector<16xi32>
      %and3A_238 = arith.andi %get3A_232, %and3A_237 : vector<16xi32>
      %sub3A_239 = arith.subi %shift_right_arithmetic3A_235, %add3A_38 : vector<16xi32>
      %ge3A_240 = arith.constant 0 : i32
      %ge3A_241 = vector.broadcast %ge3A_240 : i32 to vector<16xi32>
      %ge3A_242 = arith.cmpi sge, %sub3A_239, %ge3A_241 : vector<16xi32>
      %lt3A_243 = arith.constant 16 : i32
      %lt3A_244 = vector.broadcast %lt3A_243 : i32 to vector<16xi32>
      %lt3A_245 = arith.cmpi slt, %sub3A_239, %lt3A_244 : vector<16xi32>
      %and3A_246 = arith.andi %ge3A_242, %lt3A_245 : vector<16xi1>
      %mul3A_247 = arith.constant 128 : i32
      %mul3A_248 = vector.broadcast %mul3A_247 : i32 to vector<16xi32>
      %mul3A_249 = arith.muli %sub3A_239, %mul3A_248 : vector<16xi32>
      %add3A_250 = arith.addi %mul3A_249, %and3A_238 : vector<16xi32>
      %jit3A_251 = arith.constant 0 : i32
      %broadcast_in_dim3A_252 = vector.broadcast %jit3A_251 : i32 to vector<16xi32>
      %select_n3A_253 = arith.select %and3A_246, %add3A_250, %broadcast_in_dim3A_252 : vector<16xi1>, vector<16xi32>
      %add3A_254 = vector.broadcast %add3A_230 : i32 to vector<16xi32>
      %add3A_255 = arith.addi %iota3A, %add3A_254 : vector<16xi32>
      tpu.vector_store_idx %arg11[%select_n3A_253], %add3A_255 masked %and3A_246 : memref<2048xi32, #tpu.memory_space<vmem>>[vector<16xi32>], vector<16xi32>, vector<16xi1>
    }
    %scan3A_51 = arith.constant 64 : i32
    %mul3A_52 = arith.constant 4104 : i32
    %mul3A_53 = arith.muli %select_n3A, %mul3A_52 : i32
    %scan3A_54 = arith.constant 0 : i32
    %scan3A_55 = arith.constant 0 : i32
    %scan3A_56 = arith.constant 16 : i32
    %scan3A_57 = arith.addi %scan3A_55, %scan3A_56 : i32
    %scan3A_58 = arith.constant 1 : i32
    %scan3A_59 = scf.for %scan3A_141 = %scan3A_55 to %scan3A_57 step %scan3A_58 iter_args(%scan3A_142 = %scan3A_54) -> (i32)  : i32 {
      %mul3A_143 = arith.constant 4 : i32
      %mul3A_144 = arith.muli %scan3A_141, %mul3A_143 : i32
      %add3A_145 = arith.constant 0 : i32
      %add3A_146 = arith.addi %mul3A_144, %add3A_145 : i32
      %jit3A_147 = arith.constant 4 : i32
      %div3A_148 = arith.divsi %add3A_146, %jit3A_147 : i32
      %sign3A_149 = arith.constant 0 : i32
      %sign3A_150 = arith.cmpi sgt, %add3A_146, %sign3A_149 : i32
      %sign3A_151 = arith.extui %sign3A_150 : i1 to i32
      %sign3A_152 = arith.constant 0 : i32
      %sign3A_153 = arith.cmpi slt, %add3A_146, %sign3A_152 : i32
      %sign3A_154 = arith.extui %sign3A_153 : i1 to i32
      %sign3A_155 = arith.subi %sign3A_151, %sign3A_154 : i32
      %sign3A_156 = arith.constant 0 : i32
      %sign3A_157 = arith.cmpi sgt, %jit3A_147, %sign3A_156 : i32
      %sign3A_158 = arith.extui %sign3A_157 : i1 to i32
      %sign3A_159 = arith.constant 0 : i32
      %sign3A_160 = arith.cmpi slt, %jit3A_147, %sign3A_159 : i32
      %sign3A_161 = arith.extui %sign3A_160 : i1 to i32
      %sign3A_162 = arith.subi %sign3A_158, %sign3A_161 : i32
      %ne3A_163 = arith.cmpi ne, %sign3A_155, %sign3A_162 : i32
      %rem3A_164 = arith.remsi %add3A_146, %jit3A_147 : i32
      %ne3A_165 = arith.constant 0 : i32
      %ne3A_166 = arith.cmpi ne, %rem3A_164, %ne3A_165 : i32
      %and3A_167 = arith.andi %ne3A_163, %ne3A_166 : i1
      %sub3A_168 = arith.constant 1 : i32
      %sub3A_169 = arith.subi %div3A_148, %sub3A_168 : i32
      %select_n3A_170 = arith.select %and3A_167, %sub3A_169, %div3A_148 : i32
      %jit3A_171 = arith.constant 4 : i32
      %eq3A_172 = arith.constant 0 : i32
      %eq3A_173 = arith.cmpi eq, %jit3A_171, %eq3A_172 : i32
      %jit3A_174 = arith.constant 1 : i32
      %select_n3A_175 = arith.select %eq3A_173, %jit3A_174, %jit3A_171 : i32
      %rem3A_176 = arith.remsi %add3A_146, %select_n3A_175 : i32
      %ne3A_177 = arith.constant 0 : i32
      %ne3A_178 = arith.cmpi ne, %rem3A_176, %ne3A_177 : i32
      %lt3A_179 = arith.constant 0 : i32
      %lt3A_180 = arith.cmpi slt, %rem3A_176, %lt3A_179 : i32
      %lt3A_181 = arith.constant 0 : i32
      %lt3A_182 = arith.cmpi slt, %select_n3A_175, %lt3A_181 : i32
      %ne3A_183 = arith.xori %lt3A_180, %lt3A_182 : i1
      %and3A_184 = arith.andi %ne3A_183, %ne3A_178 : i1
      %add3A_185 = arith.addi %rem3A_176, %select_n3A_175 : i32
      %select_n3A_186 = arith.select %and3A_184, %add3A_185, %rem3A_176 : i32
      %mul3A_187 = arith.constant 128 : i32
      %mul3A_188 = arith.muli %select_n3A_170, %mul3A_187 : i32
      %add3A_189 = vector.broadcast %mul3A_188 : i32 to vector<16xi32>
      %add3A_190 = arith.addi %add3A_189, %gather3A_34 : vector<16xi32>
      %mul3A_191 = arith.constant 16 : i32
      %mul3A_192 = arith.muli %select_n3A_186, %mul3A_191 : i32
      %add3A_193 = vector.broadcast %mul3A_192 : i32 to vector<16xi32>
      %add3A_194 = arith.addi %add3A_190, %add3A_193 : vector<16xi32>
      %add3A_195 = arith.addi %add3A_194, %iota3A : vector<16xi32>
      %gather3A_196 = tpu.vector_load_idx %arg11[%add3A_195] : memref<2048xi32, #tpu.memory_space<vmem>>[vector<16xi32>], vector<16xi32>,
      %min3A = arith.constant 4095 : i32
      %min3A_197 = vector.broadcast %min3A : i32 to vector<16xi32>
      %min3A_198 = arith.minsi %gather3A_196, %min3A_197 : vector<16xi32>
      %gather3A_199 = tpu.vector_load_idx %arg9[%min3A_198] : memref<4096xf32, #tpu.memory_space<vmem>>[vector<16xi32>], vector<16xf32>,
      %lt3A_200 = arith.constant 4096 : i32
      %lt3A_201 = vector.broadcast %lt3A_200 : i32 to vector<16xi32>
      %lt3A_202 = arith.cmpi slt, %gather3A_196, %lt3A_201 : vector<16xi32>
      %jit3A_203 = arith.constant 0.000000e+00 : f32
      %broadcast_in_dim3A_204 = vector.broadcast %jit3A_203 : f32 to vector<16xf32>
      %select_n3A_205 = arith.select %lt3A_202, %gather3A_199, %broadcast_in_dim3A_204 : vector<16xi1>, vector<16xf32>
      %mul3A_206 = arith.constant 64 : i32
      %mul3A_207 = arith.muli %select_n3A_170, %mul3A_206 : i32
      %mul3A_208 = arith.constant 16 : i32
      %mul3A_209 = arith.muli %select_n3A_186, %mul3A_208 : i32
      %add3A_210 = arith.addi %mul3A_207, %mul3A_209 : i32
      %swap3A_211 = arith.index_cast %add3A_210 : i32 to index
      %swap3A_212 = tpu.vector_load %arg12[%swap3A_211] {strides = array<i32>} : memref<1024xf32, #tpu.memory_space<vmem>>, vector<16xf32>,
      tpu.vector_store %arg12[%swap3A_211], %select_n3A_205 {strides = array<i32>} : memref<1024xf32, #tpu.memory_space<vmem>>, vector<16xf32>,
      %add3A_213 = vector.broadcast %mul3A_53 : i32 to vector<16xi32>
      %add3A_214 = arith.addi %add3A_213, %gather3A_196 : vector<16xi32>
      %swap3A_215 = arith.index_cast %scan3A_142 : i32 to index
      %swap3A_216 = tpu.vector_load %arg13[%swap3A_215] masked %lt3A_202 {strides = array<i32>} : memref<1168xi32, #tpu.memory_space<vmem>>, vector<16xi32>, vector<16xi1>
      tpu.vector_store %arg13[%swap3A_215], %add3A_214 masked %lt3A_202 {strides = array<i32>} : memref<1168xi32, #tpu.memory_space<vmem>>, vector<16xi32>, vector<16xi1>
      %convert_element_type3A = arith.extui %lt3A_202 : vector<16xi1> to vector<16xi32>
      %sub3A_217 = arith.constant 1 : i32
      %sub3A_218 = arith.subi %scan3A_142, %sub3A_217 : i32
      %broadcast_in_dim3A_219 = arith.constant true
      %broadcast_in_dim3A_220 = vector.broadcast %broadcast_in_dim3A_219 : i1 to vector<16xi1>
      %masked_cumsum3A = tpu.scan <sum>, %convert_element_type3A masked %broadcast_in_dim3A_220 : vector<16xi32>, vector<16xi1> -> vector<16xi32>
      %add3A_221 = vector.broadcast %sub3A_218 : i32 to vector<16xi32>
      %add3A_222 = arith.addi %add3A_221, %masked_cumsum3A : vector<16xi32>
      %jit3A_223 = arith.constant 1024 : i32
      %broadcast_in_dim3A_224 = vector.broadcast %jit3A_223 : i32 to vector<16xi32>
      %select_n3A_225 = arith.select %lt3A_202, %add3A_222, %broadcast_in_dim3A_224 : vector<16xi1>, vector<16xi32>
      %mul3A_226 = arith.constant 64 : i32
      %mul3A_227 = arith.muli %select_n3A_170, %mul3A_226 : i32
      %mul3A_228 = arith.constant 16 : i32
      %mul3A_229 = arith.muli %select_n3A_186, %mul3A_228 : i32
      %add3A_230 = arith.addi %mul3A_227, %mul3A_229 : i32
      %swap3A_231 = arith.index_cast %add3A_230 : i32 to index
      %swap3A_232 = tpu.vector_load %arg15[%swap3A_231] {strides = array<i32>} : memref<1024xi32, #tpu.memory_space<vmem>>, vector<16xi32>,
      tpu.vector_store %arg15[%swap3A_231], %select_n3A_225 {strides = array<i32>} : memref<1024xi32, #tpu.memory_space<vmem>>, vector<16xi32>,
      %reduce_sum3A = arith.constant true
      %reduce_sum3A_233 = vector.broadcast %reduce_sum3A : i1 to vector<16xi1>
      %reduce_sum3A_234 = tpu.scan <sum>, %convert_element_type3A masked %reduce_sum3A_233 : vector<16xi32>, vector<16xi1> -> vector<16xi32>
      %reduce_sum3A_235 = vector.extract %reduce_sum3A_234[15] : i32 from vector<16xi32>
      %add3A_236 = arith.addi %scan3A_142, %reduce_sum3A_235 : i32
      %mul3A_237 = arith.constant 4 : i32
      %mul3A_238 = arith.muli %scan3A_141, %mul3A_237 : i32
      %add3A_239 = arith.constant 1 : i32
      %add3A_240 = arith.addi %mul3A_238, %add3A_239 : i32
      %jit3A_241 = arith.constant 4 : i32
      %div3A_242 = arith.divsi %add3A_240, %jit3A_241 : i32
      %sign3A_243 = arith.constant 0 : i32
      %sign3A_244 = arith.cmpi sgt, %add3A_240, %sign3A_243 : i32
      %sign3A_245 = arith.extui %sign3A_244 : i1 to i32
      %sign3A_246 = arith.constant 0 : i32
      %sign3A_247 = arith.cmpi slt, %add3A_240, %sign3A_246 : i32
      %sign3A_248 = arith.extui %sign3A_247 : i1 to i32
      %sign3A_249 = arith.subi %sign3A_245, %sign3A_248 : i32
      %sign3A_250 = arith.constant 0 : i32
      %sign3A_251 = arith.cmpi sgt, %jit3A_241, %sign3A_250 : i32
      %sign3A_252 = arith.extui %sign3A_251 : i1 to i32
      %sign3A_253 = arith.constant 0 : i32
      %sign3A_254 = arith.cmpi slt, %jit3A_241, %sign3A_253 : i32
      %sign3A_255 = arith.extui %sign3A_254 : i1 to i32
      %sign3A_256 = arith.subi %sign3A_252, %sign3A_255 : i32
      %ne3A_257 = arith.cmpi ne, %sign3A_249, %sign3A_256 : i32
      %rem3A_258 = arith.remsi %add3A_240, %jit3A_241 : i32
      %ne3A_259 = arith.constant 0 : i32
      %ne3A_260 = arith.cmpi ne, %rem3A_258, %ne3A_259 : i32
      %and3A_261 = arith.andi %ne3A_257, %ne3A_260 : i1
      %sub3A_262 = arith.constant 1 : i32
      %sub3A_263 = arith.subi %div3A_242, %sub3A_262 : i32
      %select_n3A_264 = arith.select %and3A_261, %sub3A_263, %div3A_242 : i32
      %jit3A_265 = arith.constant 4 : i32
      %eq3A_266 = arith.constant 0 : i32
      %eq3A_267 = arith.cmpi eq, %jit3A_265, %eq3A_266 : i32
      %jit3A_268 = arith.constant 1 : i32
      %select_n3A_269 = arith.select %eq3A_267, %jit3A_268, %jit3A_265 : i32
      %rem3A_270 = arith.remsi %add3A_240, %select_n3A_269 : i32
      %ne3A_271 = arith.constant 0 : i32
      %ne3A_272 = arith.cmpi ne, %rem3A_270, %ne3A_271 : i32
      %lt3A_273 = arith.constant 0 : i32
      %lt3A_274 = arith.cmpi slt, %rem3A_270, %lt3A_273 : i32
      %lt3A_275 = arith.constant 0 : i32
      %lt3A_276 = arith.cmpi slt, %select_n3A_269, %lt3A_275 : i32
      %ne3A_277 = arith.xori %lt3A_274, %lt3A_276 : i1
      %and3A_278 = arith.andi %ne3A_277, %ne3A_272 : i1
      %add3A_279 = arith.addi %rem3A_270, %select_n3A_269 : i32
      %select_n3A_280 = arith.select %and3A_278, %add3A_279, %rem3A_270 : i32
      %mul3A_281 = arith.constant 128 : i32
      %mul3A_282 = arith.muli %select_n3A_264, %mul3A_281 : i32
      %add3A_283 = vector.broadcast %mul3A_282 : i32 to vector<16xi32>
      %add3A_284 = arith.addi %add3A_283, %gather3A_34 : vector<16xi32>
      %mul3A_285 = arith.constant 16 : i32
      %mul3A_286 = arith.muli %select_n3A_280, %mul3A_285 : i32
      %add3A_287 = vector.broadcast %mul3A_286 : i32 to vector<16xi32>
      %add3A_288 = arith.addi %add3A_284, %add3A_287 : vector<16xi32>
      %add3A_289 = arith.addi %add3A_288, %iota3A : vector<16xi32>
      %gather3A_290 = tpu.vector_load_idx %arg11[%add3A_289] : memref<2048xi32, #tpu.memory_space<vmem>>[vector<16xi32>], vector<16xi32>,
      %min3A_291 = arith.constant 4095 : i32
      %min3A_292 = vector.broadcast %min3A_291 : i32 to vector<16xi32>
      %min3A_293 = arith.minsi %gather3A_290, %min3A_292 : vector<16xi32>
      %gather3A_294 = tpu.vector_load_idx %arg9[%min3A_293] : memref<4096xf32, #tpu.memory_space<vmem>>[vector<16xi32>], vector<16xf32>,
      %lt3A_295 = arith.constant 4096 : i32
      %lt3A_296 = vector.broadcast %lt3A_295 : i32 to vector<16xi32>
      %lt3A_297 = arith.cmpi slt, %gather3A_290, %lt3A_296 : vector<16xi32>
      %jit3A_298 = arith.constant 0.000000e+00 : f32
      %broadcast_in_dim3A_299 = vector.broadcast %jit3A_298 : f32 to vector<16xf32>
      %select_n3A_300 = arith.select %lt3A_297, %gather3A_294, %broadcast_in_dim3A_299 : vector<16xi1>, vector<16xf32>
      %mul3A_301 = arith.constant 64 : i32
      %mul3A_302 = arith.muli %select_n3A_264, %mul3A_301 : i32
      %mul3A_303 = arith.constant 16 : i32
      %mul3A_304 = arith.muli %select_n3A_280, %mul3A_303 : i32
      %add3A_305 = arith.addi %mul3A_302, %mul3A_304 : i32
      %swap3A_306 = arith.index_cast %add3A_305 : i32 to index
      %swap3A_307 = tpu.vector_load %arg12[%swap3A_306] {strides = array<i32>} : memref<1024xf32, #tpu.memory_space<vmem>>, vector<16xf32>,
      tpu.vector_store %arg12[%swap3A_306], %select_n3A_300 {strides = array<i32>} : memref<1024xf32, #tpu.memory_space<vmem>>, vector<16xf32>,
      %add3A_308 = vector.broadcast %mul3A_53 : i32 to vector<16xi32>
      %add3A_309 = arith.addi %add3A_308, %gather3A_290 : vector<16xi32>
      %swap3A_310 = arith.index_cast %add3A_236 : i32 to index
      %swap3A_311 = tpu.vector_load %arg13[%swap3A_310] masked %lt3A_297 {strides = array<i32>} : memref<1168xi32, #tpu.memory_space<vmem>>, vector<16xi32>, vector<16xi1>
      tpu.vector_store %arg13[%swap3A_310], %add3A_309 masked %lt3A_297 {strides = array<i32>} : memref<1168xi32, #tpu.memory_space<vmem>>, vector<16xi32>, vector<16xi1>
      %convert_element_type3A_312 = arith.extui %lt3A_297 : vector<16xi1> to vector<16xi32>
      %sub3A_313 = arith.constant 1 : i32
      %sub3A_314 = arith.subi %add3A_236, %sub3A_313 : i32
      %broadcast_in_dim3A_315 = arith.constant true
      %broadcast_in_dim3A_316 = vector.broadcast %broadcast_in_dim3A_315 : i1 to vector<16xi1>
      %masked_cumsum3A_317 = tpu.scan <sum>, %convert_element_type3A_312 masked %broadcast_in_dim3A_316 : vector<16xi32>, vector<16xi1> -> vector<16xi32>
      %add3A_318 = vector.broadcast %sub3A_314 : i32 to vector<16xi32>
      %add3A_319 = arith.addi %add3A_318, %masked_cumsum3A_317 : vector<16xi32>
      %jit3A_320 = arith.constant 1024 : i32
      %broadcast_in_dim3A_321 = vector.broadcast %jit3A_320 : i32 to vector<16xi32>
      %select_n3A_322 = arith.select %lt3A_297, %add3A_319, %broadcast_in_dim3A_321 : vector<16xi1>, vector<16xi32>
      %mul3A_323 = arith.constant 64 : i32
      %mul3A_324 = arith.muli %select_n3A_264, %mul3A_323 : i32
      %mul3A_325 = arith.constant 16 : i32
      %mul3A_326 = arith.muli %select_n3A_280, %mul3A_325 : i32
      %add3A_327 = arith.addi %mul3A_324, %mul3A_326 : i32
      %swap3A_328 = arith.index_cast %add3A_327 : i32 to index
      %swap3A_329 = tpu.vector_load %arg15[%swap3A_328] {strides = array<i32>} : memref<1024xi32, #tpu.memory_space<vmem>>, vector<16xi32>,
      tpu.vector_store %arg15[%swap3A_328], %select_n3A_322 {strides = array<i32>} : memref<1024xi32, #tpu.memory_space<vmem>>, vector<16xi32>,
      %reduce_sum3A_330 = arith.constant true
      %reduce_sum3A_331 = vector.broadcast %reduce_sum3A_330 : i1 to vector<16xi1>
      %reduce_sum3A_332 = tpu.scan <sum>, %convert_element_type3A_312 masked %reduce_sum3A_331 : vector<16xi32>, vector<16xi1> -> vector<16xi32>
      %reduce_sum3A_333 = vector.extract %reduce_sum3A_332[15] : i32 from vector<16xi32>
      %add3A_334 = arith.addi %add3A_236, %reduce_sum3A_333 : i32
      %mul3A_335 = arith.constant 4 : i32
      %mul3A_336 = arith.muli %scan3A_141, %mul3A_335 : i32
      %add3A_337 = arith.constant 2 : i32
      %add3A_338 = arith.addi %mul3A_336, %add3A_337 : i32
      %jit3A_339 = arith.constant 4 : i32
      %div3A_340 = arith.divsi %add3A_338, %jit3A_339 : i32
      %sign3A_341 = arith.constant 0 : i32
      %sign3A_342 = arith.cmpi sgt, %add3A_338, %sign3A_341 : i32
      %sign3A_343 = arith.extui %sign3A_342 : i1 to i32
      %sign3A_344 = arith.constant 0 : i32
      %sign3A_345 = arith.cmpi slt, %add3A_338, %sign3A_344 : i32
      %sign3A_346 = arith.extui %sign3A_345 : i1 to i32
      %sign3A_347 = arith.subi %sign3A_343, %sign3A_346 : i32
      %sign3A_348 = arith.constant 0 : i32
      %sign3A_349 = arith.cmpi sgt, %jit3A_339, %sign3A_348 : i32
      %sign3A_350 = arith.extui %sign3A_349 : i1 to i32
      %sign3A_351 = arith.constant 0 : i32
      %sign3A_352 = arith.cmpi slt, %jit3A_339, %sign3A_351 : i32
      %sign3A_353 = arith.extui %sign3A_352 : i1 to i32
      %sign3A_354 = arith.subi %sign3A_350, %sign3A_353 : i32
      %ne3A_355 = arith.cmpi ne, %sign3A_347, %sign3A_354 : i32
      %rem3A_356 = arith.remsi %add3A_338, %jit3A_339 : i32
      %ne3A_357 = arith.constant 0 : i32
      %ne3A_358 = arith.cmpi ne, %rem3A_356, %ne3A_357 : i32
      %and3A_359 = arith.andi %ne3A_355, %ne3A_358 : i1
      %sub3A_360 = arith.constant 1 : i32
      %sub3A_361 = arith.subi %div3A_340, %sub3A_360 : i32
      %select_n3A_362 = arith.select %and3A_359, %sub3A_361, %div3A_340 : i32
      %jit3A_363 = arith.constant 4 : i32
      %eq3A_364 = arith.constant 0 : i32
      %eq3A_365 = arith.cmpi eq, %jit3A_363, %eq3A_364 : i32
      %jit3A_366 = arith.constant 1 : i32
      %select_n3A_367 = arith.select %eq3A_365, %jit3A_366, %jit3A_363 : i32
      %rem3A_368 = arith.remsi %add3A_338, %select_n3A_367 : i32
      %ne3A_369 = arith.constant 0 : i32
      %ne3A_370 = arith.cmpi ne, %rem3A_368, %ne3A_369 : i32
      %lt3A_371 = arith.constant 0 : i32
      %lt3A_372 = arith.cmpi slt, %rem3A_368, %lt3A_371 : i32
      %lt3A_373 = arith.constant 0 : i32
      %lt3A_374 = arith.cmpi slt, %select_n3A_367, %lt3A_373 : i32
      %ne3A_375 = arith.xori %lt3A_372, %lt3A_374 : i1
      %and3A_376 = arith.andi %ne3A_375, %ne3A_370 : i1
      %add3A_377 = arith.addi %rem3A_368, %select_n3A_367 : i32
      %select_n3A_378 = arith.select %and3A_376, %add3A_377, %rem3A_368 : i32
      %mul3A_379 = arith.constant 128 : i32
      %mul3A_380 = arith.muli %select_n3A_362, %mul3A_379 : i32
      %add3A_381 = vector.broadcast %mul3A_380 : i32 to vector<16xi32>
      %add3A_382 = arith.addi %add3A_381, %gather3A_34 : vector<16xi32>
      %mul3A_383 = arith.constant 16 : i32
      %mul3A_384 = arith.muli %select_n3A_378, %mul3A_383 : i32
      %add3A_385 = vector.broadcast %mul3A_384 : i32 to vector<16xi32>
      %add3A_386 = arith.addi %add3A_382, %add3A_385 : vector<16xi32>
      %add3A_387 = arith.addi %add3A_386, %iota3A : vector<16xi32>
      %gather3A_388 = tpu.vector_load_idx %arg11[%add3A_387] : memref<2048xi32, #tpu.memory_space<vmem>>[vector<16xi32>], vector<16xi32>,
      %min3A_389 = arith.constant 4095 : i32
      %min3A_390 = vector.broadcast %min3A_389 : i32 to vector<16xi32>
      %min3A_391 = arith.minsi %gather3A_388, %min3A_390 : vector<16xi32>
      %gather3A_392 = tpu.vector_load_idx %arg9[%min3A_391] : memref<4096xf32, #tpu.memory_space<vmem>>[vector<16xi32>], vector<16xf32>,
      %lt3A_393 = arith.constant 4096 : i32
      %lt3A_394 = vector.broadcast %lt3A_393 : i32 to vector<16xi32>
      %lt3A_395 = arith.cmpi slt, %gather3A_388, %lt3A_394 : vector<16xi32>
      %jit3A_396 = arith.constant 0.000000e+00 : f32
      %broadcast_in_dim3A_397 = vector.broadcast %jit3A_396 : f32 to vector<16xf32>
      %select_n3A_398 = arith.select %lt3A_395, %gather3A_392, %broadcast_in_dim3A_397 : vector<16xi1>, vector<16xf32>
      %mul3A_399 = arith.constant 64 : i32
      %mul3A_400 = arith.muli %select_n3A_362, %mul3A_399 : i32
      %mul3A_401 = arith.constant 16 : i32
      %mul3A_402 = arith.muli %select_n3A_378, %mul3A_401 : i32
      %add3A_403 = arith.addi %mul3A_400, %mul3A_402 : i32
      %swap3A_404 = arith.index_cast %add3A_403 : i32 to index
      %swap3A_405 = tpu.vector_load %arg12[%swap3A_404] {strides = array<i32>} : memref<1024xf32, #tpu.memory_space<vmem>>, vector<16xf32>,
      tpu.vector_store %arg12[%swap3A_404], %select_n3A_398 {strides = array<i32>} : memref<1024xf32, #tpu.memory_space<vmem>>, vector<16xf32>,
      %add3A_406 = vector.broadcast %mul3A_53 : i32 to vector<16xi32>
      %add3A_407 = arith.addi %add3A_406, %gather3A_388 : vector<16xi32>
      %swap3A_408 = arith.index_cast %add3A_334 : i32 to index
      %swap3A_409 = tpu.vector_load %arg13[%swap3A_408] masked %lt3A_395 {strides = array<i32>} : memref<1168xi32, #tpu.memory_space<vmem>>, vector<16xi32>, vector<16xi1>
      tpu.vector_store %arg13[%swap3A_408], %add3A_407 masked %lt3A_395 {strides = array<i32>} : memref<1168xi32, #tpu.memory_space<vmem>>, vector<16xi32>, vector<16xi1>
      %convert_element_type3A_410 = arith.extui %lt3A_395 : vector<16xi1> to vector<16xi32>
      %sub3A_411 = arith.constant 1 : i32
      %sub3A_412 = arith.subi %add3A_334, %sub3A_411 : i32
      %broadcast_in_dim3A_413 = arith.constant true
      %broadcast_in_dim3A_414 = vector.broadcast %broadcast_in_dim3A_413 : i1 to vector<16xi1>
      %masked_cumsum3A_415 = tpu.scan <sum>, %convert_element_type3A_410 masked %broadcast_in_dim3A_414 : vector<16xi32>, vector<16xi1> -> vector<16xi32>
      %add3A_416 = vector.broadcast %sub3A_412 : i32 to vector<16xi32>
      %add3A_417 = arith.addi %add3A_416, %masked_cumsum3A_415 : vector<16xi32>
      %jit3A_418 = arith.constant 1024 : i32
      %broadcast_in_dim3A_419 = vector.broadcast %jit3A_418 : i32 to vector<16xi32>
      %select_n3A_420 = arith.select %lt3A_395, %add3A_417, %broadcast_in_dim3A_419 : vector<16xi1>, vector<16xi32>
      %mul3A_421 = arith.constant 64 : i32
      %mul3A_422 = arith.muli %select_n3A_362, %mul3A_421 : i32
      %mul3A_423 = arith.constant 16 : i32
      %mul3A_424 = arith.muli %select_n3A_378, %mul3A_423 : i32
      %add3A_425 = arith.addi %mul3A_422, %mul3A_424 : i32
      %swap3A_426 = arith.index_cast %add3A_425 : i32 to index
      %swap3A_427 = tpu.vector_load %arg15[%swap3A_426] {strides = array<i32>} : memref<1024xi32, #tpu.memory_space<vmem>>, vector<16xi32>,
      tpu.vector_store %arg15[%swap3A_426], %select_n3A_420 {strides = array<i32>} : memref<1024xi32, #tpu.memory_space<vmem>>, vector<16xi32>,
      %reduce_sum3A_428 = arith.constant true
      %reduce_sum3A_429 = vector.broadcast %reduce_sum3A_428 : i1 to vector<16xi1>
      %reduce_sum3A_430 = tpu.scan <sum>, %convert_element_type3A_410 masked %reduce_sum3A_429 : vector<16xi32>, vector<16xi1> -> vector<16xi32>
      %reduce_sum3A_431 = vector.extract %reduce_sum3A_430[15] : i32 from vector<16xi32>
      %add3A_432 = arith.addi %add3A_334, %reduce_sum3A_431 : i32
      %mul3A_433 = arith.constant 4 : i32
      %mul3A_434 = arith.muli %scan3A_141, %mul3A_433 : i32
      %add3A_435 = arith.constant 3 : i32
      %add3A_436 = arith.addi %mul3A_434, %add3A_435 : i32
      %jit3A_437 = arith.constant 4 : i32
      %div3A_438 = arith.divsi %add3A_436, %jit3A_437 : i32
      %sign3A_439 = arith.constant 0 : i32
      %sign3A_440 = arith.cmpi sgt, %add3A_436, %sign3A_439 : i32
      %sign3A_441 = arith.extui %sign3A_440 : i1 to i32
      %sign3A_442 = arith.constant 0 : i32
      %sign3A_443 = arith.cmpi slt, %add3A_436, %sign3A_442 : i32
      %sign3A_444 = arith.extui %sign3A_443 : i1 to i32
      %sign3A_445 = arith.subi %sign3A_441, %sign3A_444 : i32
      %sign3A_446 = arith.constant 0 : i32
      %sign3A_447 = arith.cmpi sgt, %jit3A_437, %sign3A_446 : i32
      %sign3A_448 = arith.extui %sign3A_447 : i1 to i32
      %sign3A_449 = arith.constant 0 : i32
      %sign3A_450 = arith.cmpi slt, %jit3A_437, %sign3A_449 : i32
      %sign3A_451 = arith.extui %sign3A_450 : i1 to i32
      %sign3A_452 = arith.subi %sign3A_448, %sign3A_451 : i32
      %ne3A_453 = arith.cmpi ne, %sign3A_445, %sign3A_452 : i32
      %rem3A_454 = arith.remsi %add3A_436, %jit3A_437 : i32
      %ne3A_455 = arith.constant 0 : i32
      %ne3A_456 = arith.cmpi ne, %rem3A_454, %ne3A_455 : i32
      %and3A_457 = arith.andi %ne3A_453, %ne3A_456 : i1
      %sub3A_458 = arith.constant 1 : i32
      %sub3A_459 = arith.subi %div3A_438, %sub3A_458 : i32
      %select_n3A_460 = arith.select %and3A_457, %sub3A_459, %div3A_438 : i32
      %jit3A_461 = arith.constant 4 : i32
      %eq3A_462 = arith.constant 0 : i32
      %eq3A_463 = arith.cmpi eq, %jit3A_461, %eq3A_462 : i32
      %jit3A_464 = arith.constant 1 : i32
      %select_n3A_465 = arith.select %eq3A_463, %jit3A_464, %jit3A_461 : i32
      %rem3A_466 = arith.remsi %add3A_436, %select_n3A_465 : i32
      %ne3A_467 = arith.constant 0 : i32
      %ne3A_468 = arith.cmpi ne, %rem3A_466, %ne3A_467 : i32
      %lt3A_469 = arith.constant 0 : i32
      %lt3A_470 = arith.cmpi slt, %rem3A_466, %lt3A_469 : i32
      %lt3A_471 = arith.constant 0 : i32
      %lt3A_472 = arith.cmpi slt, %select_n3A_465, %lt3A_471 : i32
      %ne3A_473 = arith.xori %lt3A_470, %lt3A_472 : i1
      %and3A_474 = arith.andi %ne3A_473, %ne3A_468 : i1
      %add3A_475 = arith.addi %rem3A_466, %select_n3A_465 : i32
      %select_n3A_476 = arith.select %and3A_474, %add3A_475, %rem3A_466 : i32
      %mul3A_477 = arith.constant 128 : i32
      %mul3A_478 = arith.muli %select_n3A_460, %mul3A_477 : i32
      %add3A_479 = vector.broadcast %mul3A_478 : i32 to vector<16xi32>
      %add3A_480 = arith.addi %add3A_479, %gather3A_34 : vector<16xi32>
      %mul3A_481 = arith.constant 16 : i32
      %mul3A_482 = arith.muli %select_n3A_476, %mul3A_481 : i32
      %add3A_483 = vector.broadcast %mul3A_482 : i32 to vector<16xi32>
      %add3A_484 = arith.addi %add3A_480, %add3A_483 : vector<16xi32>
      %add3A_485 = arith.addi %add3A_484, %iota3A : vector<16xi32>
      %gather3A_486 = tpu.vector_load_idx %arg11[%add3A_485] : memref<2048xi32, #tpu.memory_space<vmem>>[vector<16xi32>], vector<16xi32>,
      %min3A_487 = arith.constant 4095 : i32
      %min3A_488 = vector.broadcast %min3A_487 : i32 to vector<16xi32>
      %min3A_489 = arith.minsi %gather3A_486, %min3A_488 : vector<16xi32>
      %gather3A_490 = tpu.vector_load_idx %arg9[%min3A_489] : memref<4096xf32, #tpu.memory_space<vmem>>[vector<16xi32>], vector<16xf32>,
      %lt3A_491 = arith.constant 4096 : i32
      %lt3A_492 = vector.broadcast %lt3A_491 : i32 to vector<16xi32>
      %lt3A_493 = arith.cmpi slt, %gather3A_486, %lt3A_492 : vector<16xi32>
      %jit3A_494 = arith.constant 0.000000e+00 : f32
      %broadcast_in_dim3A_495 = vector.broadcast %jit3A_494 : f32 to vector<16xf32>
      %select_n3A_496 = arith.select %lt3A_493, %gather3A_490, %broadcast_in_dim3A_495 : vector<16xi1>, vector<16xf32>
      %mul3A_497 = arith.constant 64 : i32
      %mul3A_498 = arith.muli %select_n3A_460, %mul3A_497 : i32
      %mul3A_499 = arith.constant 16 : i32
      %mul3A_500 = arith.muli %select_n3A_476, %mul3A_499 : i32
      %add3A_501 = arith.addi %mul3A_498, %mul3A_500 : i32
      %swap3A_502 = arith.index_cast %add3A_501 : i32 to index
      %swap3A_503 = tpu.vector_load %arg12[%swap3A_502] {strides = array<i32>} : memref<1024xf32, #tpu.memory_space<vmem>>, vector<16xf32>,
      tpu.vector_store %arg12[%swap3A_502], %select_n3A_496 {strides = array<i32>} : memref<1024xf32, #tpu.memory_space<vmem>>, vector<16xf32>,
      %add3A_504 = vector.broadcast %mul3A_53 : i32 to vector<16xi32>
      %add3A_505 = arith.addi %add3A_504, %gather3A_486 : vector<16xi32>
      %swap3A_506 = arith.index_cast %add3A_432 : i32 to index
      %swap3A_507 = tpu.vector_load %arg13[%swap3A_506] masked %lt3A_493 {strides = array<i32>} : memref<1168xi32, #tpu.memory_space<vmem>>, vector<16xi32>, vector<16xi1>
      tpu.vector_store %arg13[%swap3A_506], %add3A_505 masked %lt3A_493 {strides = array<i32>} : memref<1168xi32, #tpu.memory_space<vmem>>, vector<16xi32>, vector<16xi1>
      %convert_element_type3A_508 = arith.extui %lt3A_493 : vector<16xi1> to vector<16xi32>
      %sub3A_509 = arith.constant 1 : i32
      %sub3A_510 = arith.subi %add3A_432, %sub3A_509 : i32
      %broadcast_in_dim3A_511 = arith.constant true
      %broadcast_in_dim3A_512 = vector.broadcast %broadcast_in_dim3A_511 : i1 to vector<16xi1>
      %masked_cumsum3A_513 = tpu.scan <sum>, %convert_element_type3A_508 masked %broadcast_in_dim3A_512 : vector<16xi32>, vector<16xi1> -> vector<16xi32>
      %add3A_514 = vector.broadcast %sub3A_510 : i32 to vector<16xi32>
      %add3A_515 = arith.addi %add3A_514, %masked_cumsum3A_513 : vector<16xi32>
      %jit3A_516 = arith.constant 1024 : i32
      %broadcast_in_dim3A_517 = vector.broadcast %jit3A_516 : i32 to vector<16xi32>
      %select_n3A_518 = arith.select %lt3A_493, %add3A_515, %broadcast_in_dim3A_517 : vector<16xi1>, vector<16xi32>
      %mul3A_519 = arith.constant 64 : i32
      %mul3A_520 = arith.muli %select_n3A_460, %mul3A_519 : i32
      %mul3A_521 = arith.constant 16 : i32
      %mul3A_522 = arith.muli %select_n3A_476, %mul3A_521 : i32
      %add3A_523 = arith.addi %mul3A_520, %mul3A_522 : i32
      %swap3A_524 = arith.index_cast %add3A_523 : i32 to index
      %swap3A_525 = tpu.vector_load %arg15[%swap3A_524] {strides = array<i32>} : memref<1024xi32, #tpu.memory_space<vmem>>, vector<16xi32>,
      tpu.vector_store %arg15[%swap3A_524], %select_n3A_518 {strides = array<i32>} : memref<1024xi32, #tpu.memory_space<vmem>>, vector<16xi32>,
      %reduce_sum3A_526 = arith.constant true
      %reduce_sum3A_527 = vector.broadcast %reduce_sum3A_526 : i1 to vector<16xi1>
      %reduce_sum3A_528 = tpu.scan <sum>, %convert_element_type3A_508 masked %reduce_sum3A_527 : vector<16xi32>, vector<16xi1> -> vector<16xi32>
      %reduce_sum3A_529 = vector.extract %reduce_sum3A_528[15] : i32 from vector<16xi32>
      %add3A_530 = arith.addi %add3A_432, %reduce_sum3A_529 : i32
      scf.yield %add3A_530 : i32
    }
    %scan3A_60 = arith.constant 16 : i32
    %scan3A_61 = arith.constant 0 : i32
    %scan3A_62 = arith.constant 0 : i32
    %scan3A_63 = arith.constant 8 : i32
    %scan3A_64 = arith.addi %scan3A_62, %scan3A_63 : i32
    %scan3A_65 = arith.constant 1 : i32
    scf.for %scan3A_141 = %scan3A_62 to %scan3A_64 step %scan3A_65  : i32 {
      %add3A_142 = arith.constant 4096 : i32
      %add3A_143 = arith.addi %mul3A_53, %add3A_142 : i32
      %broadcast_in_dim3A_144 = vector.broadcast %add3A_143 : i32 to vector<16xi32>
      %mul3A_145 = arith.constant 16 : i32
      %mul3A_146 = arith.muli %scan3A_141, %mul3A_145 : i32
      %add3A_147 = arith.addi %scan3A_59, %mul3A_146 : i32
      %swap3A_148 = arith.index_cast %add3A_147 : i32 to index
      %swap3A_149 = tpu.vector_load %arg13[%swap3A_148] {strides = array<i32>} : memref<1168xi32, #tpu.memory_space<vmem>>, vector<16xi32>,
      tpu.vector_store %arg13[%swap3A_148], %broadcast_in_dim3A_144 {strides = array<i32>} : memref<1168xi32, #tpu.memory_space<vmem>>, vector<16xi32>,
    }
    %scan3A_66 = arith.constant 8 : i32
    %scan3A_67 = arith.constant 0 : i32
    %scan3A_68 = arith.constant 0 : i32
    %scan3A_69 = arith.constant 8 : i32
    %scan3A_70 = arith.addi %scan3A_68, %scan3A_69 : i32
    %scan3A_71 = arith.constant 1 : i32
    scf.for %scan3A_141 = %scan3A_68 to %scan3A_70 step %scan3A_71  : i32 {
      %mul3A_142 = arith.constant 128 : i32
      %mul3A_143 = arith.muli %scan3A_141, %mul3A_142 : i32
      %add3A_144 = arith.constant 0 : i32
      %add3A_145 = arith.addi %mul3A_143, %add3A_144 : i32
      %get3A = arith.index_cast %add3A_145 : i32 to index
      %get3A_146 = tpu.vector_load %arg13[%get3A] {strides = array<i32>} : memref<1168xi32, #tpu.memory_space<vmem>>, vector<16xi32>,
      %swap3A_147 = arith.index_cast %scan3A_141 : i32 to index
      %swap3A_148 = arith.constant 0 : index
      %swap3A_149 = tpu.vector_load %arg14[%swap3A_147, %swap3A_148] {strides = array<i32>} : memref<8x128xi32, #tpu.memory_space<vmem>>, vector<16xi32>,
      tpu.vector_store %arg14[%swap3A_147, %swap3A_148], %get3A_146 {strides = array<i32>} : memref<8x128xi32, #tpu.memory_space<vmem>>, vector<16xi32>,
      %mul3A_150 = arith.constant 128 : i32
      %mul3A_151 = arith.muli %scan3A_141, %mul3A_150 : i32
      %add3A_152 = arith.constant 16 : i32
      %add3A_153 = arith.addi %mul3A_151, %add3A_152 : i32
      %get3A_154 = arith.index_cast %add3A_153 : i32 to index
      %get3A_155 = tpu.vector_load %arg13[%get3A_154] {strides = array<i32>} : memref<1168xi32, #tpu.memory_space<vmem>>, vector<16xi32>,
      %swap3A_156 = arith.index_cast %scan3A_141 : i32 to index
      %swap3A_157 = arith.constant 16 : index
      %swap3A_158 = tpu.vector_load %arg14[%swap3A_156, %swap3A_157] {strides = array<i32>} : memref<8x128xi32, #tpu.memory_space<vmem>>, vector<16xi32>,
      tpu.vector_store %arg14[%swap3A_156, %swap3A_157], %get3A_155 {strides = array<i32>} : memref<8x128xi32, #tpu.memory_space<vmem>>, vector<16xi32>,
      %mul3A_159 = arith.constant 128 : i32
      %mul3A_160 = arith.muli %scan3A_141, %mul3A_159 : i32
      %add3A_161 = arith.constant 32 : i32
      %add3A_162 = arith.addi %mul3A_160, %add3A_161 : i32
      %get3A_163 = arith.index_cast %add3A_162 : i32 to index
      %get3A_164 = tpu.vector_load %arg13[%get3A_163] {strides = array<i32>} : memref<1168xi32, #tpu.memory_space<vmem>>, vector<16xi32>,
      %swap3A_165 = arith.index_cast %scan3A_141 : i32 to index
      %swap3A_166 = arith.constant 32 : index
      %swap3A_167 = tpu.vector_load %arg14[%swap3A_165, %swap3A_166] {strides = array<i32>} : memref<8x128xi32, #tpu.memory_space<vmem>>, vector<16xi32>,
      tpu.vector_store %arg14[%swap3A_165, %swap3A_166], %get3A_164 {strides = array<i32>} : memref<8x128xi32, #tpu.memory_space<vmem>>, vector<16xi32>,
      %mul3A_168 = arith.constant 128 : i32
      %mul3A_169 = arith.muli %scan3A_141, %mul3A_168 : i32
      %add3A_170 = arith.constant 48 : i32
      %add3A_171 = arith.addi %mul3A_169, %add3A_170 : i32
      %get3A_172 = arith.index_cast %add3A_171 : i32 to index
      %get3A_173 = tpu.vector_load %arg13[%get3A_172] {strides = array<i32>} : memref<1168xi32, #tpu.memory_space<vmem>>, vector<16xi32>,
      %swap3A_174 = arith.index_cast %scan3A_141 : i32 to index
      %swap3A_175 = arith.constant 48 : index
      %swap3A_176 = tpu.vector_load %arg14[%swap3A_174, %swap3A_175] {strides = array<i32>} : memref<8x128xi32, #tpu.memory_space<vmem>>, vector<16xi32>,
      tpu.vector_store %arg14[%swap3A_174, %swap3A_175], %get3A_173 {strides = array<i32>} : memref<8x128xi32, #tpu.memory_space<vmem>>, vector<16xi32>,
      %mul3A_177 = arith.constant 128 : i32
      %mul3A_178 = arith.muli %scan3A_141, %mul3A_177 : i32
      %add3A_179 = arith.constant 64 : i32
      %add3A_180 = arith.addi %mul3A_178, %add3A_179 : i32
      %get3A_181 = arith.index_cast %add3A_180 : i32 to index
      %get3A_182 = tpu.vector_load %arg13[%get3A_181] {strides = array<i32>} : memref<1168xi32, #tpu.memory_space<vmem>>, vector<16xi32>,
      %swap3A_183 = arith.index_cast %scan3A_141 : i32 to index
      %swap3A_184 = arith.constant 64 : index
      %swap3A_185 = tpu.vector_load %arg14[%swap3A_183, %swap3A_184] {strides = array<i32>} : memref<8x128xi32, #tpu.memory_space<vmem>>, vector<16xi32>,
      tpu.vector_store %arg14[%swap3A_183, %swap3A_184], %get3A_182 {strides = array<i32>} : memref<8x128xi32, #tpu.memory_space<vmem>>, vector<16xi32>,
      %mul3A_186 = arith.constant 128 : i32
      %mul3A_187 = arith.muli %scan3A_141, %mul3A_186 : i32
      %add3A_188 = arith.constant 80 : i32
      %add3A_189 = arith.addi %mul3A_187, %add3A_188 : i32
      %get3A_190 = arith.index_cast %add3A_189 : i32 to index
      %get3A_191 = tpu.vector_load %arg13[%get3A_190] {strides = array<i32>} : memref<1168xi32, #tpu.memory_space<vmem>>, vector<16xi32>,
      %swap3A_192 = arith.index_cast %scan3A_141 : i32 to index
      %swap3A_193 = arith.constant 80 : index
      %swap3A_194 = tpu.vector_load %arg14[%swap3A_192, %swap3A_193] {strides = array<i32>} : memref<8x128xi32, #tpu.memory_space<vmem>>, vector<16xi32>,
      tpu.vector_store %arg14[%swap3A_192, %swap3A_193], %get3A_191 {strides = array<i32>} : memref<8x128xi32, #tpu.memory_space<vmem>>, vector<16xi32>,
      %mul3A_195 = arith.constant 128 : i32
      %mul3A_196 = arith.muli %scan3A_141, %mul3A_195 : i32
      %add3A_197 = arith.constant 96 : i32
      %add3A_198 = arith.addi %mul3A_196, %add3A_197 : i32
      %get3A_199 = arith.index_cast %add3A_198 : i32 to index
      %get3A_200 = tpu.vector_load %arg13[%get3A_199] {strides = array<i32>} : memref<1168xi32, #tpu.memory_space<vmem>>, vector<16xi32>,
      %swap3A_201 = arith.index_cast %scan3A_141 : i32 to index
      %swap3A_202 = arith.constant 96 : index
      %swap3A_203 = tpu.vector_load %arg14[%swap3A_201, %swap3A_202] {strides = array<i32>} : memref<8x128xi32, #tpu.memory_space<vmem>>, vector<16xi32>,
      tpu.vector_store %arg14[%swap3A_201, %swap3A_202], %get3A_200 {strides = array<i32>} : memref<8x128xi32, #tpu.memory_space<vmem>>, vector<16xi32>,
      %mul3A_204 = arith.constant 128 : i32
      %mul3A_205 = arith.muli %scan3A_141, %mul3A_204 : i32
      %add3A_206 = arith.constant 112 : i32
      %add3A_207 = arith.addi %mul3A_205, %add3A_206 : i32
      %get3A_208 = arith.index_cast %add3A_207 : i32 to index
      %get3A_209 = tpu.vector_load %arg13[%get3A_208] {strides = array<i32>} : memref<1168xi32, #tpu.memory_space<vmem>>, vector<16xi32>,
      %swap3A_210 = arith.index_cast %scan3A_141 : i32 to index
      %swap3A_211 = arith.constant 112 : index
      %swap3A_212 = tpu.vector_load %arg14[%swap3A_210, %swap3A_211] {strides = array<i32>} : memref<8x128xi32, #tpu.memory_space<vmem>>, vector<16xi32>,
      tpu.vector_store %arg14[%swap3A_210, %swap3A_211], %get3A_209 {strides = array<i32>} : memref<8x128xi32, #tpu.memory_space<vmem>>, vector<16xi32>,
    }
    %scan3A_72 = arith.constant 8 : i32
    %broadcast_in_dim3A_73 = arith.constant 0.000000e+00 : f32
    %broadcast_in_dim3A_74 = vector.broadcast %broadcast_in_dim3A_73 : f32 to vector<16xf32>
    %swap3A = arith.constant 8 : i32
    %swap3A_75 = arith.constant 0 : i32
    %swap3A_76 = arith.index_cast %swap3A : i32 to index
    %swap3A_77 = arith.index_cast %swap3A_75 : i32 to index
    %swap3A_78 = arith.constant 0 : index
    %swap3A_79 = tpu.vector_load %arg16[%swap3A_76, %swap3A_77, %swap3A_78] {strides = array<i32>} : memref<9x128x64xf32, #tpu.memory_space<vmem>>, vector<16xf32>,
    tpu.vector_store %arg16[%swap3A_76, %swap3A_77, %swap3A_78], %broadcast_in_dim3A_74 {strides = array<i32>} : memref<9x128x64xf32, #tpu.memory_space<vmem>>, vector<16xf32>,
    %swap3A_80 = arith.constant 8 : i32
    %swap3A_81 = arith.constant 0 : i32
    %swap3A_82 = arith.index_cast %swap3A_80 : i32 to index
    %swap3A_83 = arith.index_cast %swap3A_81 : i32 to index
    %swap3A_84 = arith.constant 16 : index
    %swap3A_85 = tpu.vector_load %arg16[%swap3A_82, %swap3A_83, %swap3A_84] {strides = array<i32>} : memref<9x128x64xf32, #tpu.memory_space<vmem>>, vector<16xf32>,
    tpu.vector_store %arg16[%swap3A_82, %swap3A_83, %swap3A_84], %broadcast_in_dim3A_74 {strides = array<i32>} : memref<9x128x64xf32, #tpu.memory_space<vmem>>, vector<16xf32>,
    %swap3A_86 = arith.constant 8 : i32
    %swap3A_87 = arith.constant 0 : i32
    %swap3A_88 = arith.index_cast %swap3A_86 : i32 to index
    %swap3A_89 = arith.index_cast %swap3A_87 : i32 to index
    %swap3A_90 = arith.constant 32 : index
    %swap3A_91 = tpu.vector_load %arg16[%swap3A_88, %swap3A_89, %swap3A_90] {strides = array<i32>} : memref<9x128x64xf32, #tpu.memory_space<vmem>>, vector<16xf32>,
    tpu.vector_store %arg16[%swap3A_88, %swap3A_89, %swap3A_90], %broadcast_in_dim3A_74 {strides = array<i32>} : memref<9x128x64xf32, #tpu.memory_space<vmem>>, vector<16xf32>,
    %swap3A_92 = arith.constant 8 : i32
    %swap3A_93 = arith.constant 0 : i32
    %swap3A_94 = arith.index_cast %swap3A_92 : i32 to index
    %swap3A_95 = arith.index_cast %swap3A_93 : i32 to index
    %swap3A_96 = arith.constant 48 : index
    %swap3A_97 = tpu.vector_load %arg16[%swap3A_94, %swap3A_95, %swap3A_96] {strides = array<i32>} : memref<9x128x64xf32, #tpu.memory_space<vmem>>, vector<16xf32>,
    tpu.vector_store %arg16[%swap3A_94, %swap3A_95, %swap3A_96], %broadcast_in_dim3A_74 {strides = array<i32>} : memref<9x128x64xf32, #tpu.memory_space<vmem>>, vector<16xf32>,
    %add3A_98 = arith.constant 127 : i32
    %add3A_99 = arith.addi %scan3A_59, %add3A_98 : i32
    %shift_right_arithmetic3A = arith.constant 7 : i32
    %shift_right_arithmetic3A_100 = arith.shrsi %add3A_99, %shift_right_arithmetic3A : i32
    %while3A = arith.constant 0 : i32
    %while3A_101 = arith.constant 0 : i32
    %while3A_102 = arith.subi %shift_right_arithmetic3A_100, %while3A_101 : i32
    %while3A_103 = arith.addi %while3A_101, %while3A_102 : i32
    %while3A_104 = arith.constant 1 : i32
    %while3A_105 = arith.divsi %while3A_102, %while3A_104 : i32
    %while3A_106 = arith.muli %while3A_105, %while3A_104 : i32
    %while3A_107 = arith.addi %while3A_101, %while3A_106 : i32
    %while3A_108 = arith.constant 1 : i32
    scf.for %while3A_141 = %while3A_101 to %while3A_107 step %while3A_108  : i32 {
      %dma_start3A = arith.constant 0 : i32
      %dma_start3A_142 = arith.constant 0 : i32
      %dma_start3A_143 = tpu.memref_slice %arg16[%while3A_141, %dma_start3A, %dma_start3A_142] : memref<9x128x64xf32, #tpu.memory_space<vmem>> -> memref<1x128x64xf32, #tpu.memory_space<vmem>>
      %dma_start3A_144 = tpu.memref_squeeze %dma_start3A_143 : memref<1x128x64xf32, #tpu.memory_space<vmem>> -> memref<128x64xf32, #tpu.memory_space<vmem>>
      %dma_start3A_145 = arith.constant 0 : i32
      %dma_start3A_146 = tpu.memref_slice %arg14[%while3A_141, %dma_start3A_145] : memref<8x128xi32, #tpu.memory_space<vmem>> -> memref<1x128xi32, #tpu.memory_space<vmem>>
      %dma_start3A_147 = tpu.memref_squeeze %dma_start3A_146 : memref<1x128xi32, #tpu.memory_space<vmem>> -> memref<128xi32, #tpu.memory_space<vmem>>
      %dma_start3A_148 = arith.constant 0 : i32
      %dma_start3A_149 = arith.constant 0 : i32
      %dma_start3A_150 = tpu.memref_slice %arg2[%dma_start3A_148, %dma_start3A_149] : memref<32832x64xf32, #tpu.memory_space<hbm>> -> memref<32832x64xf32, #tpu.memory_space<hbm>>
      tpu.enqueue_indirect_dma source(%dma_start3A_150 : memref<32832x64xf32, #tpu.memory_space<hbm>>) target(%dma_start3A_144 : memref<128x64xf32, #tpu.memory_space<vmem>>) offsets(%dma_start3A_147 : memref<128xi32, #tpu.memory_space<vmem>>) semaphore(%arg19 : memref<!tpu.dma_semaphore, #tpu.memory_space<semaphore_mem>>)
    }
    %while3A_109 = arith.constant 1 : i32
    scf.for %while3A_141 = %while3A_107 to %while3A_103 step %while3A_109  : i32 {
      %dma_start3A = arith.constant 0 : i32
      %dma_start3A_142 = arith.constant 0 : i32
      %dma_start3A_143 = tpu.memref_slice %arg16[%while3A_141, %dma_start3A, %dma_start3A_142] : memref<9x128x64xf32, #tpu.memory_space<vmem>> -> memref<1x128x64xf32, #tpu.memory_space<vmem>>
      %dma_start3A_144 = tpu.memref_squeeze %dma_start3A_143 : memref<1x128x64xf32, #tpu.memory_space<vmem>> -> memref<128x64xf32, #tpu.memory_space<vmem>>
      %dma_start3A_145 = arith.constant 0 : i32
      %dma_start3A_146 = tpu.memref_slice %arg14[%while3A_141, %dma_start3A_145] : memref<8x128xi32, #tpu.memory_space<vmem>> -> memref<1x128xi32, #tpu.memory_space<vmem>>
      %dma_start3A_147 = tpu.memref_squeeze %dma_start3A_146 : memref<1x128xi32, #tpu.memory_space<vmem>> -> memref<128xi32, #tpu.memory_space<vmem>>
      %dma_start3A_148 = arith.constant 0 : i32
      %dma_start3A_149 = arith.constant 0 : i32
      %dma_start3A_150 = tpu.memref_slice %arg2[%dma_start3A_148, %dma_start3A_149] : memref<32832x64xf32, #tpu.memory_space<hbm>> -> memref<32832x64xf32, #tpu.memory_space<hbm>>
      tpu.enqueue_indirect_dma source(%dma_start3A_150 : memref<32832x64xf32, #tpu.memory_space<hbm>>) target(%dma_start3A_144 : memref<128x64xf32, #tpu.memory_space<vmem>>) offsets(%dma_start3A_147 : memref<128xi32, #tpu.memory_space<vmem>>) semaphore(%arg19 : memref<!tpu.dma_semaphore, #tpu.memory_space<semaphore_mem>>)
    }
    %while3A_110 = arith.constant 0 : i32
    %while3A_111 = arith.constant 0 : i32
    %while3A_112 = arith.subi %shift_right_arithmetic3A_100, %while3A_111 : i32
    %while3A_113 = arith.addi %while3A_111, %while3A_112 : i32
    %while3A_114 = arith.constant 1 : i32
    %while3A_115 = arith.divsi %while3A_112, %while3A_114 : i32
    %while3A_116 = arith.muli %while3A_115, %while3A_114 : i32
    %while3A_117 = arith.addi %while3A_111, %while3A_116 : i32
    %while3A_118 = arith.constant 1 : i32
    scf.for %while3A_141 = %while3A_111 to %while3A_117 step %while3A_118  : i32 {
      %dma_wait3A = arith.constant 0 : i32
      %dma_wait3A_142 = arith.constant 0 : i32
      %dma_wait3A_143 = tpu.memref_slice %arg16[%while3A_141, %dma_wait3A, %dma_wait3A_142] : memref<9x128x64xf32, #tpu.memory_space<vmem>> -> memref<1x128x64xf32, #tpu.memory_space<vmem>>
      %dma_wait3A_144 = tpu.memref_squeeze %dma_wait3A_143 : memref<1x128x64xf32, #tpu.memory_space<vmem>> -> memref<128x64xf32, #tpu.memory_space<vmem>>
      %dma_wait3A_145 = arith.constant 0 : i32
      %dma_wait3A_146 = tpu.memref_slice %arg14[%while3A_141, %dma_wait3A_145] : memref<8x128xi32, #tpu.memory_space<vmem>> -> memref<1x128xi32, #tpu.memory_space<vmem>>
      %dma_wait3A_147 = tpu.memref_squeeze %dma_wait3A_146 : memref<1x128xi32, #tpu.memory_space<vmem>> -> memref<128xi32, #tpu.memory_space<vmem>>
      %dma_wait3A_148 = arith.constant 0 : i32
      %dma_wait3A_149 = arith.constant 0 : i32
      %dma_wait3A_150 = tpu.memref_slice %arg2[%dma_wait3A_148, %dma_wait3A_149] : memref<32832x64xf32, #tpu.memory_space<hbm>> -> memref<32832x64xf32, #tpu.memory_space<hbm>>
      tpu.wait_indirect_dma semaphore(%arg19 : memref<!tpu.dma_semaphore, #tpu.memory_space<semaphore_mem>>) src(%dma_wait3A_150 : memref<32832x64xf32, #tpu.memory_space<hbm>>) dst(%dma_wait3A_144 : memref<128x64xf32, #tpu.memory_space<vmem>>)
    }
    %while3A_119 = arith.constant 1 : i32
    scf.for %while3A_141 = %while3A_117 to %while3A_113 step %while3A_119  : i32 {
      %dma_wait3A = arith.constant 0 : i32
      %dma_wait3A_142 = arith.constant 0 : i32
      %dma_wait3A_143 = tpu.memref_slice %arg16[%while3A_141, %dma_wait3A, %dma_wait3A_142] : memref<9x128x64xf32, #tpu.memory_space<vmem>> -> memref<1x128x64xf32, #tpu.memory_space<vmem>>
      %dma_wait3A_144 = tpu.memref_squeeze %dma_wait3A_143 : memref<1x128x64xf32, #tpu.memory_space<vmem>> -> memref<128x64xf32, #tpu.memory_space<vmem>>
      %dma_wait3A_145 = arith.constant 0 : i32
      %dma_wait3A_146 = tpu.memref_slice %arg14[%while3A_141, %dma_wait3A_145] : memref<8x128xi32, #tpu.memory_space<vmem>> -> memref<1x128xi32, #tpu.memory_space<vmem>>
      %dma_wait3A_147 = tpu.memref_squeeze %dma_wait3A_146 : memref<1x128xi32, #tpu.memory_space<vmem>> -> memref<128xi32, #tpu.memory_space<vmem>>
      %dma_wait3A_148 = arith.constant 0 : i32
      %dma_wait3A_149 = arith.constant 0 : i32
      %dma_wait3A_150 = tpu.memref_slice %arg2[%dma_wait3A_148, %dma_wait3A_149] : memref<32832x64xf32, #tpu.memory_space<hbm>> -> memref<32832x64xf32, #tpu.memory_space<hbm>>
      tpu.wait_indirect_dma semaphore(%arg19 : memref<!tpu.dma_semaphore, #tpu.memory_space<semaphore_mem>>) src(%dma_wait3A_150 : memref<32832x64xf32, #tpu.memory_space<hbm>>) dst(%dma_wait3A_144 : memref<128x64xf32, #tpu.memory_space<vmem>>)
    }
    %shift_right_arithmetic3A_120 = arith.constant 2 : i32
    %shift_right_arithmetic3A_121 = vector.broadcast %shift_right_arithmetic3A_120 : i32 to vector<16xi32>
    %shift_right_arithmetic3A_122 = arith.shrsi %iota3A, %shift_right_arithmetic3A_121 : vector<16xi32>
    %and3A_123 = arith.constant 3 : i32
    %and3A_124 = vector.broadcast %and3A_123 : i32 to vector<16xi32>
    %and3A_125 = arith.andi %iota3A, %and3A_124 : vector<16xi32>
    %mul3A_126 = arith.constant 3 : i32
    %mul3A_127 = vector.broadcast %mul3A_126 : i32 to vector<16xi32>
    %mul3A_128 = arith.muli %and3A_125, %mul3A_127 : vector<16xi32>
    %scan3A_129 = arith.constant 0 : i32
    %scan3A_130 = arith.constant 0 : i32
    %scan3A_131 = arith.constant 4 : i32
    %scan3A_132 = arith.addi %scan3A_130, %scan3A_131 : i32
    %scan3A_133 = arith.constant 1 : i32
    scf.for %scan3A_141 = %scan3A_130 to %scan3A_132 step %scan3A_133  : i32 {
      %scan3A_142 = arith.constant 0 : i32
      %scan3A_143 = arith.constant 0 : i32
      %scan3A_144 = arith.constant 16 : i32
      %scan3A_145 = arith.addi %scan3A_143, %scan3A_144 : i32
      %scan3A_146 = arith.constant 1 : i32
      scf.for %scan3A_171 = %scan3A_143 to %scan3A_145 step %scan3A_146  : i32 {
        %shift_right_arithmetic3A_172 = arith.constant 3 : i32
        %shift_right_arithmetic3A_173 = arith.shrsi %scan3A_171, %shift_right_arithmetic3A_172 : i32
        %mul3A_174 = arith.constant 1024 : i32
        %mul3A_175 = arith.muli %shift_right_arithmetic3A_173, %mul3A_174 : i32
        %and3A_176 = arith.constant 7 : i32
        %and3A_177 = arith.andi %scan3A_171, %and3A_176 : i32
        %mul3A_178 = arith.constant 16 : i32
        %mul3A_179 = arith.muli %and3A_177, %mul3A_178 : i32
        %add3A_180 = arith.addi %mul3A_175, %mul3A_179 : i32
        %mul3A_181 = arith.constant 4 : i32
        %mul3A_182 = arith.muli %scan3A_141, %mul3A_181 : i32
        %add3A_183 = arith.constant 0 : i32
        %add3A_184 = arith.addi %mul3A_182, %add3A_183 : i32
        %mul3A_185 = arith.constant 64 : i32
        %mul3A_186 = arith.muli %add3A_184, %mul3A_185 : i32
        %mul3A_187 = arith.constant 4 : i32
        %mul3A_188 = arith.muli %scan3A_171, %mul3A_187 : i32
        %add3A_189 = arith.addi %mul3A_186, %mul3A_188 : i32
        %add3A_190 = vector.broadcast %add3A_189 : i32 to vector<16xi32>
        %add3A_191 = arith.addi %shift_right_arithmetic3A_122, %add3A_190 : vector<16xi32>
        %gather3A_192 = tpu.vector_load_idx %arg15[%add3A_191] : memref<1024xi32, #tpu.memory_space<vmem>>[vector<16xi32>], vector<16xi32>,
        %shift_right_arithmetic3A_193 = arith.constant 7 : i32
        %shift_right_arithmetic3A_194 = vector.broadcast %shift_right_arithmetic3A_193 : i32 to vector<16xi32>
        %shift_right_arithmetic3A_195 = arith.shrsi %gather3A_192, %shift_right_arithmetic3A_194 : vector<16xi32>
        %and3A_196 = arith.constant 127 : i32
        %and3A_197 = vector.broadcast %and3A_196 : i32 to vector<16xi32>
        %and3A_198 = arith.andi %gather3A_192, %and3A_197 : vector<16xi32>
        %gather3A_199 = tpu.vector_load_idx %arg12[%add3A_191] : memref<1024xf32, #tpu.memory_space<vmem>>[vector<16xi32>], vector<16xf32>,
        %add3A_200 = arith.constant 0 : i32
        %add3A_201 = vector.broadcast %add3A_200 : i32 to vector<16xi32>
        %add3A_202 = arith.addi %mul3A_128, %add3A_201 : vector<16xi32>
        %gather3A_203 = tpu.vector_load_idx %arg16[%shift_right_arithmetic3A_195, %and3A_198, %add3A_202] : memref<9x128x64xf32, #tpu.memory_space<vmem>>[vector<16xi32>, vector<16xi32>, vector<16xi32>], vector<16xf32>,
        %mul3A_204 = arith.mulf %gather3A_203, %gather3A_199 : vector<16xf32>
        %add3A_205 = arith.constant 0 : i32
        %add3A_206 = arith.addi %add3A_180, %add3A_205 : i32
        %add3A_207 = arith.constant 0 : i32
        %add3A_208 = arith.addi %add3A_206, %add3A_207 : i32
        %swap3A_209 = arith.index_cast %add3A_208 : i32 to index
        %swap3A_210 = tpu.vector_load %arg17[%swap3A_209] {strides = array<i32>} : memref<12304xf32, #tpu.memory_space<vmem>>, vector<16xf32>,
        tpu.vector_store %arg17[%swap3A_209], %mul3A_204 {strides = array<i32>} : memref<12304xf32, #tpu.memory_space<vmem>>, vector<16xf32>,
        %add3A_211 = arith.constant 1 : i32
        %add3A_212 = vector.broadcast %add3A_211 : i32 to vector<16xi32>
        %add3A_213 = arith.addi %mul3A_128, %add3A_212 : vector<16xi32>
        %gather3A_214 = tpu.vector_load_idx %arg16[%shift_right_arithmetic3A_195, %and3A_198, %add3A_213] : memref<9x128x64xf32, #tpu.memory_space<vmem>>[vector<16xi32>, vector<16xi32>, vector<16xi32>], vector<16xf32>,
        %mul3A_215 = arith.mulf %gather3A_214, %gather3A_199 : vector<16xf32>
        %add3A_216 = arith.constant 0 : i32
        %add3A_217 = arith.addi %add3A_180, %add3A_216 : i32
        %add3A_218 = arith.constant 4096 : i32
        %add3A_219 = arith.addi %add3A_217, %add3A_218 : i32
        %swap3A_220 = arith.index_cast %add3A_219 : i32 to index
        %swap3A_221 = tpu.vector_load %arg17[%swap3A_220] {strides = array<i32>} : memref<12304xf32, #tpu.memory_space<vmem>>, vector<16xf32>,
        tpu.vector_store %arg17[%swap3A_220], %mul3A_215 {strides = array<i32>} : memref<12304xf32, #tpu.memory_space<vmem>>, vector<16xf32>,
        %add3A_222 = arith.constant 2 : i32
        %add3A_223 = vector.broadcast %add3A_222 : i32 to vector<16xi32>
        %add3A_224 = arith.addi %mul3A_128, %add3A_223 : vector<16xi32>
        %gather3A_225 = tpu.vector_load_idx %arg16[%shift_right_arithmetic3A_195, %and3A_198, %add3A_224] : memref<9x128x64xf32, #tpu.memory_space<vmem>>[vector<16xi32>, vector<16xi32>, vector<16xi32>], vector<16xf32>,
        %mul3A_226 = arith.mulf %gather3A_225, %gather3A_199 : vector<16xf32>
        %add3A_227 = arith.constant 0 : i32
        %add3A_228 = arith.addi %add3A_180, %add3A_227 : i32
        %add3A_229 = arith.constant 8192 : i32
        %add3A_230 = arith.addi %add3A_228, %add3A_229 : i32
        %swap3A_231 = arith.index_cast %add3A_230 : i32 to index
        %swap3A_232 = tpu.vector_load %arg17[%swap3A_231] {strides = array<i32>} : memref<12304xf32, #tpu.memory_space<vmem>>, vector<16xf32>,
        tpu.vector_store %arg17[%swap3A_231], %mul3A_226 {strides = array<i32>} : memref<12304xf32, #tpu.memory_space<vmem>>, vector<16xf32>,
        %add3A_233 = arith.constant 12 : i32
        %add3A_234 = vector.broadcast %add3A_233 : i32 to vector<16xi32>
        %add3A_235 = arith.addi %mul3A_128, %add3A_234 : vector<16xi32>
        %gather3A_236 = tpu.vector_load_idx %arg16[%shift_right_arithmetic3A_195, %and3A_198, %add3A_235] : memref<9x128x64xf32, #tpu.memory_space<vmem>>[vector<16xi32>, vector<16xi32>, vector<16xi32>], vector<16xf32>,
        %mul3A_237 = arith.mulf %gather3A_236, %gather3A_199 : vector<16xf32>
        %add3A_238 = arith.constant 128 : i32
        %add3A_239 = arith.addi %add3A_180, %add3A_238 : i32
        %add3A_240 = arith.constant 0 : i32
        %add3A_241 = arith.addi %add3A_239, %add3A_240 : i32
        %swap3A_242 = arith.index_cast %add3A_241 : i32 to index
        %swap3A_243 = tpu.vector_load %arg17[%swap3A_242] {strides = array<i32>} : memref<12304xf32, #tpu.memory_space<vmem>>, vector<16xf32>,
        tpu.vector_store %arg17[%swap3A_242], %mul3A_237 {strides = array<i32>} : memref<12304xf32, #tpu.memory_space<vmem>>, vector<16xf32>,
        %add3A_244 = arith.constant 13 : i32
        %add3A_245 = vector.broadcast %add3A_244 : i32 to vector<16xi32>
        %add3A_246 = arith.addi %mul3A_128, %add3A_245 : vector<16xi32>
        %gather3A_247 = tpu.vector_load_idx %arg16[%shift_right_arithmetic3A_195, %and3A_198, %add3A_246] : memref<9x128x64xf32, #tpu.memory_space<vmem>>[vector<16xi32>, vector<16xi32>, vector<16xi32>], vector<16xf32>,
        %mul3A_248 = arith.mulf %gather3A_247, %gather3A_199 : vector<16xf32>
        %add3A_249 = arith.constant 128 : i32
        %add3A_250 = arith.addi %add3A_180, %add3A_249 : i32
        %add3A_251 = arith.constant 4096 : i32
        %add3A_252 = arith.addi %add3A_250, %add3A_251 : i32
        %swap3A_253 = arith.index_cast %add3A_252 : i32 to index
        %swap3A_254 = tpu.vector_load %arg17[%swap3A_253] {strides = array<i32>} : memref<12304xf32, #tpu.memory_space<vmem>>, vector<16xf32>,
        tpu.vector_store %arg17[%swap3A_253], %mul3A_248 {strides = array<i32>} : memref<12304xf32, #tpu.memory_space<vmem>>, vector<16xf32>,
        %add3A_255 = arith.constant 14 : i32
        %add3A_256 = vector.broadcast %add3A_255 : i32 to vector<16xi32>
        %add3A_257 = arith.addi %mul3A_128, %add3A_256 : vector<16xi32>
        %gather3A_258 = tpu.vector_load_idx %arg16[%shift_right_arithmetic3A_195, %and3A_198, %add3A_257] : memref<9x128x64xf32, #tpu.memory_space<vmem>>[vector<16xi32>, vector<16xi32>, vector<16xi32>], vector<16xf32>,
        %mul3A_259 = arith.mulf %gather3A_258, %gather3A_199 : vector<16xf32>
        %add3A_260 = arith.constant 128 : i32
        %add3A_261 = arith.addi %add3A_180, %add3A_260 : i32
        %add3A_262 = arith.constant 8192 : i32
        %add3A_263 = arith.addi %add3A_261, %add3A_262 : i32
        %swap3A_264 = arith.index_cast %add3A_263 : i32 to index
        %swap3A_265 = tpu.vector_load %arg17[%swap3A_264] {strides = array<i32>} : memref<12304xf32, #tpu.memory_space<vmem>>, vector<16xf32>,
        tpu.vector_store %arg17[%swap3A_264], %mul3A_259 {strides = array<i32>} : memref<12304xf32, #tpu.memory_space<vmem>>, vector<16xf32>,
        %add3A_266 = arith.constant 24 : i32
        %add3A_267 = vector.broadcast %add3A_266 : i32 to vector<16xi32>
        %add3A_268 = arith.addi %mul3A_128, %add3A_267 : vector<16xi32>
        %gather3A_269 = tpu.vector_load_idx %arg16[%shift_right_arithmetic3A_195, %and3A_198, %add3A_268] : memref<9x128x64xf32, #tpu.memory_space<vmem>>[vector<16xi32>, vector<16xi32>, vector<16xi32>], vector<16xf32>,
        %mul3A_270 = arith.mulf %gather3A_269, %gather3A_199 : vector<16xf32>
        %add3A_271 = arith.constant 256 : i32
        %add3A_272 = arith.addi %add3A_180, %add3A_271 : i32
        %add3A_273 = arith.constant 0 : i32
        %add3A_274 = arith.addi %add3A_272, %add3A_273 : i32
        %swap3A_275 = arith.index_cast %add3A_274 : i32 to index
        %swap3A_276 = tpu.vector_load %arg17[%swap3A_275] {strides = array<i32>} : memref<12304xf32, #tpu.memory_space<vmem>>, vector<16xf32>,
        tpu.vector_store %arg17[%swap3A_275], %mul3A_270 {strides = array<i32>} : memref<12304xf32, #tpu.memory_space<vmem>>, vector<16xf32>,
        %add3A_277 = arith.constant 25 : i32
        %add3A_278 = vector.broadcast %add3A_277 : i32 to vector<16xi32>
        %add3A_279 = arith.addi %mul3A_128, %add3A_278 : vector<16xi32>
        %gather3A_280 = tpu.vector_load_idx %arg16[%shift_right_arithmetic3A_195, %and3A_198, %add3A_279] : memref<9x128x64xf32, #tpu.memory_space<vmem>>[vector<16xi32>, vector<16xi32>, vector<16xi32>], vector<16xf32>,
        %mul3A_281 = arith.mulf %gather3A_280, %gather3A_199 : vector<16xf32>
        %add3A_282 = arith.constant 256 : i32
        %add3A_283 = arith.addi %add3A_180, %add3A_282 : i32
        %add3A_284 = arith.constant 4096 : i32
        %add3A_285 = arith.addi %add3A_283, %add3A_284 : i32
        %swap3A_286 = arith.index_cast %add3A_285 : i32 to index
        %swap3A_287 = tpu.vector_load %arg17[%swap3A_286] {strides = array<i32>} : memref<12304xf32, #tpu.memory_space<vmem>>, vector<16xf32>,
        tpu.vector_store %arg17[%swap3A_286], %mul3A_281 {strides = array<i32>} : memref<12304xf32, #tpu.memory_space<vmem>>, vector<16xf32>,
        %add3A_288 = arith.constant 26 : i32
        %add3A_289 = vector.broadcast %add3A_288 : i32 to vector<16xi32>
        %add3A_290 = arith.addi %mul3A_128, %add3A_289 : vector<16xi32>
        %gather3A_291 = tpu.vector_load_idx %arg16[%shift_right_arithmetic3A_195, %and3A_198, %add3A_290] : memref<9x128x64xf32, #tpu.memory_space<vmem>>[vector<16xi32>, vector<16xi32>, vector<16xi32>], vector<16xf32>,
        %mul3A_292 = arith.mulf %gather3A_291, %gather3A_199 : vector<16xf32>
        %add3A_293 = arith.constant 256 : i32
        %add3A_294 = arith.addi %add3A_180, %add3A_293 : i32
        %add3A_295 = arith.constant 8192 : i32
        %add3A_296 = arith.addi %add3A_294, %add3A_295 : i32
        %swap3A_297 = arith.index_cast %add3A_296 : i32 to index
        %swap3A_298 = tpu.vector_load %arg17[%swap3A_297] {strides = array<i32>} : memref<12304xf32, #tpu.memory_space<vmem>>, vector<16xf32>,
        tpu.vector_store %arg17[%swap3A_297], %mul3A_292 {strides = array<i32>} : memref<12304xf32, #tpu.memory_space<vmem>>, vector<16xf32>,
        %add3A_299 = arith.constant 36 : i32
        %add3A_300 = vector.broadcast %add3A_299 : i32 to vector<16xi32>
        %add3A_301 = arith.addi %mul3A_128, %add3A_300 : vector<16xi32>
        %gather3A_302 = tpu.vector_load_idx %arg16[%shift_right_arithmetic3A_195, %and3A_198, %add3A_301] : memref<9x128x64xf32, #tpu.memory_space<vmem>>[vector<16xi32>, vector<16xi32>, vector<16xi32>], vector<16xf32>,
        %mul3A_303 = arith.mulf %gather3A_302, %gather3A_199 : vector<16xf32>
        %add3A_304 = arith.constant 384 : i32
        %add3A_305 = arith.addi %add3A_180, %add3A_304 : i32
        %add3A_306 = arith.constant 0 : i32
        %add3A_307 = arith.addi %add3A_305, %add3A_306 : i32
        %swap3A_308 = arith.index_cast %add3A_307 : i32 to index
        %swap3A_309 = tpu.vector_load %arg17[%swap3A_308] {strides = array<i32>} : memref<12304xf32, #tpu.memory_space<vmem>>, vector<16xf32>,
        tpu.vector_store %arg17[%swap3A_308], %mul3A_303 {strides = array<i32>} : memref<12304xf32, #tpu.memory_space<vmem>>, vector<16xf32>,
        %add3A_310 = arith.constant 37 : i32
        %add3A_311 = vector.broadcast %add3A_310 : i32 to vector<16xi32>
        %add3A_312 = arith.addi %mul3A_128, %add3A_311 : vector<16xi32>
        %gather3A_313 = tpu.vector_load_idx %arg16[%shift_right_arithmetic3A_195, %and3A_198, %add3A_312] : memref<9x128x64xf32, #tpu.memory_space<vmem>>[vector<16xi32>, vector<16xi32>, vector<16xi32>], vector<16xf32>,
        %mul3A_314 = arith.mulf %gather3A_313, %gather3A_199 : vector<16xf32>
        %add3A_315 = arith.constant 384 : i32
        %add3A_316 = arith.addi %add3A_180, %add3A_315 : i32
        %add3A_317 = arith.constant 4096 : i32
        %add3A_318 = arith.addi %add3A_316, %add3A_317 : i32
        %swap3A_319 = arith.index_cast %add3A_318 : i32 to index
        %swap3A_320 = tpu.vector_load %arg17[%swap3A_319] {strides = array<i32>} : memref<12304xf32, #tpu.memory_space<vmem>>, vector<16xf32>,
        tpu.vector_store %arg17[%swap3A_319], %mul3A_314 {strides = array<i32>} : memref<12304xf32, #tpu.memory_space<vmem>>, vector<16xf32>,
        %add3A_321 = arith.constant 38 : i32
        %add3A_322 = vector.broadcast %add3A_321 : i32 to vector<16xi32>
        %add3A_323 = arith.addi %mul3A_128, %add3A_322 : vector<16xi32>
        %gather3A_324 = tpu.vector_load_idx %arg16[%shift_right_arithmetic3A_195, %and3A_198, %add3A_323] : memref<9x128x64xf32, #tpu.memory_space<vmem>>[vector<16xi32>, vector<16xi32>, vector<16xi32>], vector<16xf32>,
        %mul3A_325 = arith.mulf %gather3A_324, %gather3A_199 : vector<16xf32>
        %add3A_326 = arith.constant 384 : i32
        %add3A_327 = arith.addi %add3A_180, %add3A_326 : i32
        %add3A_328 = arith.constant 8192 : i32
        %add3A_329 = arith.addi %add3A_327, %add3A_328 : i32
        %swap3A_330 = arith.index_cast %add3A_329 : i32 to index
        %swap3A_331 = tpu.vector_load %arg17[%swap3A_330] {strides = array<i32>} : memref<12304xf32, #tpu.memory_space<vmem>>, vector<16xf32>,
        tpu.vector_store %arg17[%swap3A_330], %mul3A_325 {strides = array<i32>} : memref<12304xf32, #tpu.memory_space<vmem>>, vector<16xf32>,
        %mul3A_332 = arith.constant 4 : i32
        %mul3A_333 = arith.muli %scan3A_141, %mul3A_332 : i32
        %add3A_334 = arith.constant 1 : i32
        %add3A_335 = arith.addi %mul3A_333, %add3A_334 : i32
        %mul3A_336 = arith.constant 64 : i32
        %mul3A_337 = arith.muli %add3A_335, %mul3A_336 : i32
        %mul3A_338 = arith.constant 4 : i32
        %mul3A_339 = arith.muli %scan3A_171, %mul3A_338 : i32
        %add3A_340 = arith.addi %mul3A_337, %mul3A_339 : i32
        %add3A_341 = vector.broadcast %add3A_340 : i32 to vector<16xi32>
        %add3A_342 = arith.addi %shift_right_arithmetic3A_122, %add3A_341 : vector<16xi32>
        %gather3A_343 = tpu.vector_load_idx %arg15[%add3A_342] : memref<1024xi32, #tpu.memory_space<vmem>>[vector<16xi32>], vector<16xi32>,
        %shift_right_arithmetic3A_344 = arith.constant 7 : i32
        %shift_right_arithmetic3A_345 = vector.broadcast %shift_right_arithmetic3A_344 : i32 to vector<16xi32>
        %shift_right_arithmetic3A_346 = arith.shrsi %gather3A_343, %shift_right_arithmetic3A_345 : vector<16xi32>
        %and3A_347 = arith.constant 127 : i32
        %and3A_348 = vector.broadcast %and3A_347 : i32 to vector<16xi32>
        %and3A_349 = arith.andi %gather3A_343, %and3A_348 : vector<16xi32>
        %gather3A_350 = tpu.vector_load_idx %arg12[%add3A_342] : memref<1024xf32, #tpu.memory_space<vmem>>[vector<16xi32>], vector<16xf32>,
        %add3A_351 = arith.constant 0 : i32
        %add3A_352 = vector.broadcast %add3A_351 : i32 to vector<16xi32>
        %add3A_353 = arith.addi %mul3A_128, %add3A_352 : vector<16xi32>
        %gather3A_354 = tpu.vector_load_idx %arg16[%shift_right_arithmetic3A_346, %and3A_349, %add3A_353] : memref<9x128x64xf32, #tpu.memory_space<vmem>>[vector<16xi32>, vector<16xi32>, vector<16xi32>], vector<16xf32>,
        %mul3A_355 = arith.mulf %gather3A_354, %gather3A_350 : vector<16xf32>
        %add3A_356 = arith.constant 512 : i32
        %add3A_357 = arith.addi %add3A_180, %add3A_356 : i32
        %add3A_358 = arith.constant 0 : i32
        %add3A_359 = arith.addi %add3A_357, %add3A_358 : i32
        %swap3A_360 = arith.index_cast %add3A_359 : i32 to index
        %swap3A_361 = tpu.vector_load %arg17[%swap3A_360] {strides = array<i32>} : memref<12304xf32, #tpu.memory_space<vmem>>, vector<16xf32>,
        tpu.vector_store %arg17[%swap3A_360], %mul3A_355 {strides = array<i32>} : memref<12304xf32, #tpu.memory_space<vmem>>, vector<16xf32>,
        %add3A_362 = arith.constant 1 : i32
        %add3A_363 = vector.broadcast %add3A_362 : i32 to vector<16xi32>
        %add3A_364 = arith.addi %mul3A_128, %add3A_363 : vector<16xi32>
        %gather3A_365 = tpu.vector_load_idx %arg16[%shift_right_arithmetic3A_346, %and3A_349, %add3A_364] : memref<9x128x64xf32, #tpu.memory_space<vmem>>[vector<16xi32>, vector<16xi32>, vector<16xi32>], vector<16xf32>,
        %mul3A_366 = arith.mulf %gather3A_365, %gather3A_350 : vector<16xf32>
        %add3A_367 = arith.constant 512 : i32
        %add3A_368 = arith.addi %add3A_180, %add3A_367 : i32
        %add3A_369 = arith.constant 4096 : i32
        %add3A_370 = arith.addi %add3A_368, %add3A_369 : i32
        %swap3A_371 = arith.index_cast %add3A_370 : i32 to index
        %swap3A_372 = tpu.vector_load %arg17[%swap3A_371] {strides = array<i32>} : memref<12304xf32, #tpu.memory_space<vmem>>, vector<16xf32>,
        tpu.vector_store %arg17[%swap3A_371], %mul3A_366 {strides = array<i32>} : memref<12304xf32, #tpu.memory_space<vmem>>, vector<16xf32>,
        %add3A_373 = arith.constant 2 : i32
        %add3A_374 = vector.broadcast %add3A_373 : i32 to vector<16xi32>
        %add3A_375 = arith.addi %mul3A_128, %add3A_374 : vector<16xi32>
        %gather3A_376 = tpu.vector_load_idx %arg16[%shift_right_arithmetic3A_346, %and3A_349, %add3A_375] : memref<9x128x64xf32, #tpu.memory_space<vmem>>[vector<16xi32>, vector<16xi32>, vector<16xi32>], vector<16xf32>,
        %mul3A_377 = arith.mulf %gather3A_376, %gather3A_350 : vector<16xf32>
        %add3A_378 = arith.constant 512 : i32
        %add3A_379 = arith.addi %add3A_180, %add3A_378 : i32
        %add3A_380 = arith.constant 8192 : i32
        %add3A_381 = arith.addi %add3A_379, %add3A_380 : i32
        %swap3A_382 = arith.index_cast %add3A_381 : i32 to index
        %swap3A_383 = tpu.vector_load %arg17[%swap3A_382] {strides = array<i32>} : memref<12304xf32, #tpu.memory_space<vmem>>, vector<16xf32>,
        tpu.vector_store %arg17[%swap3A_382], %mul3A_377 {strides = array<i32>} : memref<12304xf32, #tpu.memory_space<vmem>>, vector<16xf32>,
        %add3A_384 = arith.constant 12 : i32
        %add3A_385 = vector.broadcast %add3A_384 : i32 to vector<16xi32>
        %add3A_386 = arith.addi %mul3A_128, %add3A_385 : vector<16xi32>
        %gather3A_387 = tpu.vector_load_idx %arg16[%shift_right_arithmetic3A_346, %and3A_349, %add3A_386] : memref<9x128x64xf32, #tpu.memory_space<vmem>>[vector<16xi32>, vector<16xi32>, vector<16xi32>], vector<16xf32>,
        %mul3A_388 = arith.mulf %gather3A_387, %gather3A_350 : vector<16xf32>
        %add3A_389 = arith.constant 640 : i32
        %add3A_390 = arith.addi %add3A_180, %add3A_389 : i32
        %add3A_391 = arith.constant 0 : i32
        %add3A_392 = arith.addi %add3A_390, %add3A_391 : i32
        %swap3A_393 = arith.index_cast %add3A_392 : i32 to index
        %swap3A_394 = tpu.vector_load %arg17[%swap3A_393] {strides = array<i32>} : memref<12304xf32, #tpu.memory_space<vmem>>, vector<16xf32>,
        tpu.vector_store %arg17[%swap3A_393], %mul3A_388 {strides = array<i32>} : memref<12304xf32, #tpu.memory_space<vmem>>, vector<16xf32>,
        %add3A_395 = arith.constant 13 : i32
        %add3A_396 = vector.broadcast %add3A_395 : i32 to vector<16xi32>
        %add3A_397 = arith.addi %mul3A_128, %add3A_396 : vector<16xi32>
        %gather3A_398 = tpu.vector_load_idx %arg16[%shift_right_arithmetic3A_346, %and3A_349, %add3A_397] : memref<9x128x64xf32, #tpu.memory_space<vmem>>[vector<16xi32>, vector<16xi32>, vector<16xi32>], vector<16xf32>,
        %mul3A_399 = arith.mulf %gather3A_398, %gather3A_350 : vector<16xf32>
        %add3A_400 = arith.constant 640 : i32
        %add3A_401 = arith.addi %add3A_180, %add3A_400 : i32
        %add3A_402 = arith.constant 4096 : i32
        %add3A_403 = arith.addi %add3A_401, %add3A_402 : i32
        %swap3A_404 = arith.index_cast %add3A_403 : i32 to index
        %swap3A_405 = tpu.vector_load %arg17[%swap3A_404] {strides = array<i32>} : memref<12304xf32, #tpu.memory_space<vmem>>, vector<16xf32>,
        tpu.vector_store %arg17[%swap3A_404], %mul3A_399 {strides = array<i32>} : memref<12304xf32, #tpu.memory_space<vmem>>, vector<16xf32>,
        %add3A_406 = arith.constant 14 : i32
        %add3A_407 = vector.broadcast %add3A_406 : i32 to vector<16xi32>
        %add3A_408 = arith.addi %mul3A_128, %add3A_407 : vector<16xi32>
        %gather3A_409 = tpu.vector_load_idx %arg16[%shift_right_arithmetic3A_346, %and3A_349, %add3A_408] : memref<9x128x64xf32, #tpu.memory_space<vmem>>[vector<16xi32>, vector<16xi32>, vector<16xi32>], vector<16xf32>,
        %mul3A_410 = arith.mulf %gather3A_409, %gather3A_350 : vector<16xf32>
        %add3A_411 = arith.constant 640 : i32
        %add3A_412 = arith.addi %add3A_180, %add3A_411 : i32
        %add3A_413 = arith.constant 8192 : i32
        %add3A_414 = arith.addi %add3A_412, %add3A_413 : i32
        %swap3A_415 = arith.index_cast %add3A_414 : i32 to index
        %swap3A_416 = tpu.vector_load %arg17[%swap3A_415] {strides = array<i32>} : memref<12304xf32, #tpu.memory_space<vmem>>, vector<16xf32>,
        tpu.vector_store %arg17[%swap3A_415], %mul3A_410 {strides = array<i32>} : memref<12304xf32, #tpu.memory_space<vmem>>, vector<16xf32>,
        %add3A_417 = arith.constant 24 : i32
        %add3A_418 = vector.broadcast %add3A_417 : i32 to vector<16xi32>
        %add3A_419 = arith.addi %mul3A_128, %add3A_418 : vector<16xi32>
        %gather3A_420 = tpu.vector_load_idx %arg16[%shift_right_arithmetic3A_346, %and3A_349, %add3A_419] : memref<9x128x64xf32, #tpu.memory_space<vmem>>[vector<16xi32>, vector<16xi32>, vector<16xi32>], vector<16xf32>,
        %mul3A_421 = arith.mulf %gather3A_420, %gather3A_350 : vector<16xf32>
        %add3A_422 = arith.constant 768 : i32
        %add3A_423 = arith.addi %add3A_180, %add3A_422 : i32
        %add3A_424 = arith.constant 0 : i32
        %add3A_425 = arith.addi %add3A_423, %add3A_424 : i32
        %swap3A_426 = arith.index_cast %add3A_425 : i32 to index
        %swap3A_427 = tpu.vector_load %arg17[%swap3A_426] {strides = array<i32>} : memref<12304xf32, #tpu.memory_space<vmem>>, vector<16xf32>,
        tpu.vector_store %arg17[%swap3A_426], %mul3A_421 {strides = array<i32>} : memref<12304xf32, #tpu.memory_space<vmem>>, vector<16xf32>,
        %add3A_428 = arith.constant 25 : i32
        %add3A_429 = vector.broadcast %add3A_428 : i32 to vector<16xi32>
        %add3A_430 = arith.addi %mul3A_128, %add3A_429 : vector<16xi32>
        %gather3A_431 = tpu.vector_load_idx %arg16[%shift_right_arithmetic3A_346, %and3A_349, %add3A_430] : memref<9x128x64xf32, #tpu.memory_space<vmem>>[vector<16xi32>, vector<16xi32>, vector<16xi32>], vector<16xf32>,
        %mul3A_432 = arith.mulf %gather3A_431, %gather3A_350 : vector<16xf32>
        %add3A_433 = arith.constant 768 : i32
        %add3A_434 = arith.addi %add3A_180, %add3A_433 : i32
        %add3A_435 = arith.constant 4096 : i32
        %add3A_436 = arith.addi %add3A_434, %add3A_435 : i32
        %swap3A_437 = arith.index_cast %add3A_436 : i32 to index
        %swap3A_438 = tpu.vector_load %arg17[%swap3A_437] {strides = array<i32>} : memref<12304xf32, #tpu.memory_space<vmem>>, vector<16xf32>,
        tpu.vector_store %arg17[%swap3A_437], %mul3A_432 {strides = array<i32>} : memref<12304xf32, #tpu.memory_space<vmem>>, vector<16xf32>,
        %add3A_439 = arith.constant 26 : i32
        %add3A_440 = vector.broadcast %add3A_439 : i32 to vector<16xi32>
        %add3A_441 = arith.addi %mul3A_128, %add3A_440 : vector<16xi32>
        %gather3A_442 = tpu.vector_load_idx %arg16[%shift_right_arithmetic3A_346, %and3A_349, %add3A_441] : memref<9x128x64xf32, #tpu.memory_space<vmem>>[vector<16xi32>, vector<16xi32>, vector<16xi32>], vector<16xf32>,
        %mul3A_443 = arith.mulf %gather3A_442, %gather3A_350 : vector<16xf32>
        %add3A_444 = arith.constant 768 : i32
        %add3A_445 = arith.addi %add3A_180, %add3A_444 : i32
        %add3A_446 = arith.constant 8192 : i32
        %add3A_447 = arith.addi %add3A_445, %add3A_446 : i32
        %swap3A_448 = arith.index_cast %add3A_447 : i32 to index
        %swap3A_449 = tpu.vector_load %arg17[%swap3A_448] {strides = array<i32>} : memref<12304xf32, #tpu.memory_space<vmem>>, vector<16xf32>,
        tpu.vector_store %arg17[%swap3A_448], %mul3A_443 {strides = array<i32>} : memref<12304xf32, #tpu.memory_space<vmem>>, vector<16xf32>,
        %add3A_450 = arith.constant 36 : i32
        %add3A_451 = vector.broadcast %add3A_450 : i32 to vector<16xi32>
        %add3A_452 = arith.addi %mul3A_128, %add3A_451 : vector<16xi32>
        %gather3A_453 = tpu.vector_load_idx %arg16[%shift_right_arithmetic3A_346, %and3A_349, %add3A_452] : memref<9x128x64xf32, #tpu.memory_space<vmem>>[vector<16xi32>, vector<16xi32>, vector<16xi32>], vector<16xf32>,
        %mul3A_454 = arith.mulf %gather3A_453, %gather3A_350 : vector<16xf32>
        %add3A_455 = arith.constant 896 : i32
        %add3A_456 = arith.addi %add3A_180, %add3A_455 : i32
        %add3A_457 = arith.constant 0 : i32
        %add3A_458 = arith.addi %add3A_456, %add3A_457 : i32
        %swap3A_459 = arith.index_cast %add3A_458 : i32 to index
        %swap3A_460 = tpu.vector_load %arg17[%swap3A_459] {strides = array<i32>} : memref<12304xf32, #tpu.memory_space<vmem>>, vector<16xf32>,
        tpu.vector_store %arg17[%swap3A_459], %mul3A_454 {strides = array<i32>} : memref<12304xf32, #tpu.memory_space<vmem>>, vector<16xf32>,
        %add3A_461 = arith.constant 37 : i32
        %add3A_462 = vector.broadcast %add3A_461 : i32 to vector<16xi32>
        %add3A_463 = arith.addi %mul3A_128, %add3A_462 : vector<16xi32>
        %gather3A_464 = tpu.vector_load_idx %arg16[%shift_right_arithmetic3A_346, %and3A_349, %add3A_463] : memref<9x128x64xf32, #tpu.memory_space<vmem>>[vector<16xi32>, vector<16xi32>, vector<16xi32>], vector<16xf32>,
        %mul3A_465 = arith.mulf %gather3A_464, %gather3A_350 : vector<16xf32>
        %add3A_466 = arith.constant 896 : i32
        %add3A_467 = arith.addi %add3A_180, %add3A_466 : i32
        %add3A_468 = arith.constant 4096 : i32
        %add3A_469 = arith.addi %add3A_467, %add3A_468 : i32
        %swap3A_470 = arith.index_cast %add3A_469 : i32 to index
        %swap3A_471 = tpu.vector_load %arg17[%swap3A_470] {strides = array<i32>} : memref<12304xf32, #tpu.memory_space<vmem>>, vector<16xf32>,
        tpu.vector_store %arg17[%swap3A_470], %mul3A_465 {strides = array<i32>} : memref<12304xf32, #tpu.memory_space<vmem>>, vector<16xf32>,
        %add3A_472 = arith.constant 38 : i32
        %add3A_473 = vector.broadcast %add3A_472 : i32 to vector<16xi32>
        %add3A_474 = arith.addi %mul3A_128, %add3A_473 : vector<16xi32>
        %gather3A_475 = tpu.vector_load_idx %arg16[%shift_right_arithmetic3A_346, %and3A_349, %add3A_474] : memref<9x128x64xf32, #tpu.memory_space<vmem>>[vector<16xi32>, vector<16xi32>, vector<16xi32>], vector<16xf32>,
        %mul3A_476 = arith.mulf %gather3A_475, %gather3A_350 : vector<16xf32>
        %add3A_477 = arith.constant 896 : i32
        %add3A_478 = arith.addi %add3A_180, %add3A_477 : i32
        %add3A_479 = arith.constant 8192 : i32
        %add3A_480 = arith.addi %add3A_478, %add3A_479 : i32
        %swap3A_481 = arith.index_cast %add3A_480 : i32 to index
        %swap3A_482 = tpu.vector_load %arg17[%swap3A_481] {strides = array<i32>} : memref<12304xf32, #tpu.memory_space<vmem>>, vector<16xf32>,
        tpu.vector_store %arg17[%swap3A_481], %mul3A_476 {strides = array<i32>} : memref<12304xf32, #tpu.memory_space<vmem>>, vector<16xf32>,
        %mul3A_483 = arith.constant 4 : i32
        %mul3A_484 = arith.muli %scan3A_141, %mul3A_483 : i32
        %add3A_485 = arith.constant 2 : i32
        %add3A_486 = arith.addi %mul3A_484, %add3A_485 : i32
        %mul3A_487 = arith.constant 64 : i32
        %mul3A_488 = arith.muli %add3A_486, %mul3A_487 : i32
        %mul3A_489 = arith.constant 4 : i32
        %mul3A_490 = arith.muli %scan3A_171, %mul3A_489 : i32
        %add3A_491 = arith.addi %mul3A_488, %mul3A_490 : i32
        %add3A_492 = vector.broadcast %add3A_491 : i32 to vector<16xi32>
        %add3A_493 = arith.addi %shift_right_arithmetic3A_122, %add3A_492 : vector<16xi32>
        %gather3A_494 = tpu.vector_load_idx %arg15[%add3A_493] : memref<1024xi32, #tpu.memory_space<vmem>>[vector<16xi32>], vector<16xi32>,
        %shift_right_arithmetic3A_495 = arith.constant 7 : i32
        %shift_right_arithmetic3A_496 = vector.broadcast %shift_right_arithmetic3A_495 : i32 to vector<16xi32>
        %shift_right_arithmetic3A_497 = arith.shrsi %gather3A_494, %shift_right_arithmetic3A_496 : vector<16xi32>
        %and3A_498 = arith.constant 127 : i32
        %and3A_499 = vector.broadcast %and3A_498 : i32 to vector<16xi32>
        %and3A_500 = arith.andi %gather3A_494, %and3A_499 : vector<16xi32>
        %gather3A_501 = tpu.vector_load_idx %arg12[%add3A_493] : memref<1024xf32, #tpu.memory_space<vmem>>[vector<16xi32>], vector<16xf32>,
        %add3A_502 = arith.constant 0 : i32
        %add3A_503 = vector.broadcast %add3A_502 : i32 to vector<16xi32>
        %add3A_504 = arith.addi %mul3A_128, %add3A_503 : vector<16xi32>
        %gather3A_505 = tpu.vector_load_idx %arg16[%shift_right_arithmetic3A_497, %and3A_500, %add3A_504] : memref<9x128x64xf32, #tpu.memory_space<vmem>>[vector<16xi32>, vector<16xi32>, vector<16xi32>], vector<16xf32>,
        %mul3A_506 = arith.mulf %gather3A_505, %gather3A_501 : vector<16xf32>
        %add3A_507 = arith.constant 2048 : i32
        %add3A_508 = arith.addi %add3A_180, %add3A_507 : i32
        %add3A_509 = arith.constant 0 : i32
        %add3A_510 = arith.addi %add3A_508, %add3A_509 : i32
        %swap3A_511 = arith.index_cast %add3A_510 : i32 to index
        %swap3A_512 = tpu.vector_load %arg17[%swap3A_511] {strides = array<i32>} : memref<12304xf32, #tpu.memory_space<vmem>>, vector<16xf32>,
        tpu.vector_store %arg17[%swap3A_511], %mul3A_506 {strides = array<i32>} : memref<12304xf32, #tpu.memory_space<vmem>>, vector<16xf32>,
        %add3A_513 = arith.constant 1 : i32
        %add3A_514 = vector.broadcast %add3A_513 : i32 to vector<16xi32>
        %add3A_515 = arith.addi %mul3A_128, %add3A_514 : vector<16xi32>
        %gather3A_516 = tpu.vector_load_idx %arg16[%shift_right_arithmetic3A_497, %and3A_500, %add3A_515] : memref<9x128x64xf32, #tpu.memory_space<vmem>>[vector<16xi32>, vector<16xi32>, vector<16xi32>], vector<16xf32>,
        %mul3A_517 = arith.mulf %gather3A_516, %gather3A_501 : vector<16xf32>
        %add3A_518 = arith.constant 2048 : i32
        %add3A_519 = arith.addi %add3A_180, %add3A_518 : i32
        %add3A_520 = arith.constant 4096 : i32
        %add3A_521 = arith.addi %add3A_519, %add3A_520 : i32
        %swap3A_522 = arith.index_cast %add3A_521 : i32 to index
        %swap3A_523 = tpu.vector_load %arg17[%swap3A_522] {strides = array<i32>} : memref<12304xf32, #tpu.memory_space<vmem>>, vector<16xf32>,
        tpu.vector_store %arg17[%swap3A_522], %mul3A_517 {strides = array<i32>} : memref<12304xf32, #tpu.memory_space<vmem>>, vector<16xf32>,
        %add3A_524 = arith.constant 2 : i32
        %add3A_525 = vector.broadcast %add3A_524 : i32 to vector<16xi32>
        %add3A_526 = arith.addi %mul3A_128, %add3A_525 : vector<16xi32>
        %gather3A_527 = tpu.vector_load_idx %arg16[%shift_right_arithmetic3A_497, %and3A_500, %add3A_526] : memref<9x128x64xf32, #tpu.memory_space<vmem>>[vector<16xi32>, vector<16xi32>, vector<16xi32>], vector<16xf32>,
        %mul3A_528 = arith.mulf %gather3A_527, %gather3A_501 : vector<16xf32>
        %add3A_529 = arith.constant 2048 : i32
        %add3A_530 = arith.addi %add3A_180, %add3A_529 : i32
        %add3A_531 = arith.constant 8192 : i32
        %add3A_532 = arith.addi %add3A_530, %add3A_531 : i32
        %swap3A_533 = arith.index_cast %add3A_532 : i32 to index
        %swap3A_534 = tpu.vector_load %arg17[%swap3A_533] {strides = array<i32>} : memref<12304xf32, #tpu.memory_space<vmem>>, vector<16xf32>,
        tpu.vector_store %arg17[%swap3A_533], %mul3A_528 {strides = array<i32>} : memref<12304xf32, #tpu.memory_space<vmem>>, vector<16xf32>,
        %add3A_535 = arith.constant 12 : i32
        %add3A_536 = vector.broadcast %add3A_535 : i32 to vector<16xi32>
        %add3A_537 = arith.addi %mul3A_128, %add3A_536 : vector<16xi32>
        %gather3A_538 = tpu.vector_load_idx %arg16[%shift_right_arithmetic3A_497, %and3A_500, %add3A_537] : memref<9x128x64xf32, #tpu.memory_space<vmem>>[vector<16xi32>, vector<16xi32>, vector<16xi32>], vector<16xf32>,
        %mul3A_539 = arith.mulf %gather3A_538, %gather3A_501 : vector<16xf32>
        %add3A_540 = arith.constant 2176 : i32
        %add3A_541 = arith.addi %add3A_180, %add3A_540 : i32
        %add3A_542 = arith.constant 0 : i32
        %add3A_543 = arith.addi %add3A_541, %add3A_542 : i32
        %swap3A_544 = arith.index_cast %add3A_543 : i32 to index
        %swap3A_545 = tpu.vector_load %arg17[%swap3A_544] {strides = array<i32>} : memref<12304xf32, #tpu.memory_space<vmem>>, vector<16xf32>,
        tpu.vector_store %arg17[%swap3A_544], %mul3A_539 {strides = array<i32>} : memref<12304xf32, #tpu.memory_space<vmem>>, vector<16xf32>,
        %add3A_546 = arith.constant 13 : i32
        %add3A_547 = vector.broadcast %add3A_546 : i32 to vector<16xi32>
        %add3A_548 = arith.addi %mul3A_128, %add3A_547 : vector<16xi32>
        %gather3A_549 = tpu.vector_load_idx %arg16[%shift_right_arithmetic3A_497, %and3A_500, %add3A_548] : memref<9x128x64xf32, #tpu.memory_space<vmem>>[vector<16xi32>, vector<16xi32>, vector<16xi32>], vector<16xf32>,
        %mul3A_550 = arith.mulf %gather3A_549, %gather3A_501 : vector<16xf32>
        %add3A_551 = arith.constant 2176 : i32
        %add3A_552 = arith.addi %add3A_180, %add3A_551 : i32
        %add3A_553 = arith.constant 4096 : i32
        %add3A_554 = arith.addi %add3A_552, %add3A_553 : i32
        %swap3A_555 = arith.index_cast %add3A_554 : i32 to index
        %swap3A_556 = tpu.vector_load %arg17[%swap3A_555] {strides = array<i32>} : memref<12304xf32, #tpu.memory_space<vmem>>, vector<16xf32>,
        tpu.vector_store %arg17[%swap3A_555], %mul3A_550 {strides = array<i32>} : memref<12304xf32, #tpu.memory_space<vmem>>, vector<16xf32>,
        %add3A_557 = arith.constant 14 : i32
        %add3A_558 = vector.broadcast %add3A_557 : i32 to vector<16xi32>
        %add3A_559 = arith.addi %mul3A_128, %add3A_558 : vector<16xi32>
        %gather3A_560 = tpu.vector_load_idx %arg16[%shift_right_arithmetic3A_497, %and3A_500, %add3A_559] : memref<9x128x64xf32, #tpu.memory_space<vmem>>[vector<16xi32>, vector<16xi32>, vector<16xi32>], vector<16xf32>,
        %mul3A_561 = arith.mulf %gather3A_560, %gather3A_501 : vector<16xf32>
        %add3A_562 = arith.constant 2176 : i32
        %add3A_563 = arith.addi %add3A_180, %add3A_562 : i32
        %add3A_564 = arith.constant 8192 : i32
        %add3A_565 = arith.addi %add3A_563, %add3A_564 : i32
        %swap3A_566 = arith.index_cast %add3A_565 : i32 to index
        %swap3A_567 = tpu.vector_load %arg17[%swap3A_566] {strides = array<i32>} : memref<12304xf32, #tpu.memory_space<vmem>>, vector<16xf32>,
        tpu.vector_store %arg17[%swap3A_566], %mul3A_561 {strides = array<i32>} : memref<12304xf32, #tpu.memory_space<vmem>>, vector<16xf32>,
        %add3A_568 = arith.constant 24 : i32
        %add3A_569 = vector.broadcast %add3A_568 : i32 to vector<16xi32>
        %add3A_570 = arith.addi %mul3A_128, %add3A_569 : vector<16xi32>
        %gather3A_571 = tpu.vector_load_idx %arg16[%shift_right_arithmetic3A_497, %and3A_500, %add3A_570] : memref<9x128x64xf32, #tpu.memory_space<vmem>>[vector<16xi32>, vector<16xi32>, vector<16xi32>], vector<16xf32>,
        %mul3A_572 = arith.mulf %gather3A_571, %gather3A_501 : vector<16xf32>
        %add3A_573 = arith.constant 2304 : i32
        %add3A_574 = arith.addi %add3A_180, %add3A_573 : i32
        %add3A_575 = arith.constant 0 : i32
        %add3A_576 = arith.addi %add3A_574, %add3A_575 : i32
        %swap3A_577 = arith.index_cast %add3A_576 : i32 to index
        %swap3A_578 = tpu.vector_load %arg17[%swap3A_577] {strides = array<i32>} : memref<12304xf32, #tpu.memory_space<vmem>>, vector<16xf32>,
        tpu.vector_store %arg17[%swap3A_577], %mul3A_572 {strides = array<i32>} : memref<12304xf32, #tpu.memory_space<vmem>>, vector<16xf32>,
        %add3A_579 = arith.constant 25 : i32
        %add3A_580 = vector.broadcast %add3A_579 : i32 to vector<16xi32>
        %add3A_581 = arith.addi %mul3A_128, %add3A_580 : vector<16xi32>
        %gather3A_582 = tpu.vector_load_idx %arg16[%shift_right_arithmetic3A_497, %and3A_500, %add3A_581] : memref<9x128x64xf32, #tpu.memory_space<vmem>>[vector<16xi32>, vector<16xi32>, vector<16xi32>], vector<16xf32>,
        %mul3A_583 = arith.mulf %gather3A_582, %gather3A_501 : vector<16xf32>
        %add3A_584 = arith.constant 2304 : i32
        %add3A_585 = arith.addi %add3A_180, %add3A_584 : i32
        %add3A_586 = arith.constant 4096 : i32
        %add3A_587 = arith.addi %add3A_585, %add3A_586 : i32
        %swap3A_588 = arith.index_cast %add3A_587 : i32 to index
        %swap3A_589 = tpu.vector_load %arg17[%swap3A_588] {strides = array<i32>} : memref<12304xf32, #tpu.memory_space<vmem>>, vector<16xf32>,
        tpu.vector_store %arg17[%swap3A_588], %mul3A_583 {strides = array<i32>} : memref<12304xf32, #tpu.memory_space<vmem>>, vector<16xf32>,
        %add3A_590 = arith.constant 26 : i32
        %add3A_591 = vector.broadcast %add3A_590 : i32 to vector<16xi32>
        %add3A_592 = arith.addi %mul3A_128, %add3A_591 : vector<16xi32>
        %gather3A_593 = tpu.vector_load_idx %arg16[%shift_right_arithmetic3A_497, %and3A_500, %add3A_592] : memref<9x128x64xf32, #tpu.memory_space<vmem>>[vector<16xi32>, vector<16xi32>, vector<16xi32>], vector<16xf32>,
        %mul3A_594 = arith.mulf %gather3A_593, %gather3A_501 : vector<16xf32>
        %add3A_595 = arith.constant 2304 : i32
        %add3A_596 = arith.addi %add3A_180, %add3A_595 : i32
        %add3A_597 = arith.constant 8192 : i32
        %add3A_598 = arith.addi %add3A_596, %add3A_597 : i32
        %swap3A_599 = arith.index_cast %add3A_598 : i32 to index
        %swap3A_600 = tpu.vector_load %arg17[%swap3A_599] {strides = array<i32>} : memref<12304xf32, #tpu.memory_space<vmem>>, vector<16xf32>,
        tpu.vector_store %arg17[%swap3A_599], %mul3A_594 {strides = array<i32>} : memref<12304xf32, #tpu.memory_space<vmem>>, vector<16xf32>,
        %add3A_601 = arith.constant 36 : i32
        %add3A_602 = vector.broadcast %add3A_601 : i32 to vector<16xi32>
        %add3A_603 = arith.addi %mul3A_128, %add3A_602 : vector<16xi32>
        %gather3A_604 = tpu.vector_load_idx %arg16[%shift_right_arithmetic3A_497, %and3A_500, %add3A_603] : memref<9x128x64xf32, #tpu.memory_space<vmem>>[vector<16xi32>, vector<16xi32>, vector<16xi32>], vector<16xf32>,
        %mul3A_605 = arith.mulf %gather3A_604, %gather3A_501 : vector<16xf32>
        %add3A_606 = arith.constant 2432 : i32
        %add3A_607 = arith.addi %add3A_180, %add3A_606 : i32
        %add3A_608 = arith.constant 0 : i32
        %add3A_609 = arith.addi %add3A_607, %add3A_608 : i32
        %swap3A_610 = arith.index_cast %add3A_609 : i32 to index
        %swap3A_611 = tpu.vector_load %arg17[%swap3A_610] {strides = array<i32>} : memref<12304xf32, #tpu.memory_space<vmem>>, vector<16xf32>,
        tpu.vector_store %arg17[%swap3A_610], %mul3A_605 {strides = array<i32>} : memref<12304xf32, #tpu.memory_space<vmem>>, vector<16xf32>,
        %add3A_612 = arith.constant 37 : i32
        %add3A_613 = vector.broadcast %add3A_612 : i32 to vector<16xi32>
        %add3A_614 = arith.addi %mul3A_128, %add3A_613 : vector<16xi32>
        %gather3A_615 = tpu.vector_load_idx %arg16[%shift_right_arithmetic3A_497, %and3A_500, %add3A_614] : memref<9x128x64xf32, #tpu.memory_space<vmem>>[vector<16xi32>, vector<16xi32>, vector<16xi32>], vector<16xf32>,
        %mul3A_616 = arith.mulf %gather3A_615, %gather3A_501 : vector<16xf32>
        %add3A_617 = arith.constant 2432 : i32
        %add3A_618 = arith.addi %add3A_180, %add3A_617 : i32
        %add3A_619 = arith.constant 4096 : i32
        %add3A_620 = arith.addi %add3A_618, %add3A_619 : i32
        %swap3A_621 = arith.index_cast %add3A_620 : i32 to index
        %swap3A_622 = tpu.vector_load %arg17[%swap3A_621] {strides = array<i32>} : memref<12304xf32, #tpu.memory_space<vmem>>, vector<16xf32>,
        tpu.vector_store %arg17[%swap3A_621], %mul3A_616 {strides = array<i32>} : memref<12304xf32, #tpu.memory_space<vmem>>, vector<16xf32>,
        %add3A_623 = arith.constant 38 : i32
        %add3A_624 = vector.broadcast %add3A_623 : i32 to vector<16xi32>
        %add3A_625 = arith.addi %mul3A_128, %add3A_624 : vector<16xi32>
        %gather3A_626 = tpu.vector_load_idx %arg16[%shift_right_arithmetic3A_497, %and3A_500, %add3A_625] : memref<9x128x64xf32, #tpu.memory_space<vmem>>[vector<16xi32>, vector<16xi32>, vector<16xi32>], vector<16xf32>,
        %mul3A_627 = arith.mulf %gather3A_626, %gather3A_501 : vector<16xf32>
        %add3A_628 = arith.constant 2432 : i32
        %add3A_629 = arith.addi %add3A_180, %add3A_628 : i32
        %add3A_630 = arith.constant 8192 : i32
        %add3A_631 = arith.addi %add3A_629, %add3A_630 : i32
        %swap3A_632 = arith.index_cast %add3A_631 : i32 to index
        %swap3A_633 = tpu.vector_load %arg17[%swap3A_632] {strides = array<i32>} : memref<12304xf32, #tpu.memory_space<vmem>>, vector<16xf32>,
        tpu.vector_store %arg17[%swap3A_632], %mul3A_627 {strides = array<i32>} : memref<12304xf32, #tpu.memory_space<vmem>>, vector<16xf32>,
        %mul3A_634 = arith.constant 4 : i32
        %mul3A_635 = arith.muli %scan3A_141, %mul3A_634 : i32
        %add3A_636 = arith.constant 3 : i32
        %add3A_637 = arith.addi %mul3A_635, %add3A_636 : i32
        %mul3A_638 = arith.constant 64 : i32
        %mul3A_639 = arith.muli %add3A_637, %mul3A_638 : i32
        %mul3A_640 = arith.constant 4 : i32
        %mul3A_641 = arith.muli %scan3A_171, %mul3A_640 : i32
        %add3A_642 = arith.addi %mul3A_639, %mul3A_641 : i32
        %add3A_643 = vector.broadcast %add3A_642 : i32 to vector<16xi32>
        %add3A_644 = arith.addi %shift_right_arithmetic3A_122, %add3A_643 : vector<16xi32>
        %gather3A_645 = tpu.vector_load_idx %arg15[%add3A_644] : memref<1024xi32, #tpu.memory_space<vmem>>[vector<16xi32>], vector<16xi32>,
        %shift_right_arithmetic3A_646 = arith.constant 7 : i32
        %shift_right_arithmetic3A_647 = vector.broadcast %shift_right_arithmetic3A_646 : i32 to vector<16xi32>
        %shift_right_arithmetic3A_648 = arith.shrsi %gather3A_645, %shift_right_arithmetic3A_647 : vector<16xi32>
        %and3A_649 = arith.constant 127 : i32
        %and3A_650 = vector.broadcast %and3A_649 : i32 to vector<16xi32>
        %and3A_651 = arith.andi %gather3A_645, %and3A_650 : vector<16xi32>
        %gather3A_652 = tpu.vector_load_idx %arg12[%add3A_644] : memref<1024xf32, #tpu.memory_space<vmem>>[vector<16xi32>], vector<16xf32>,
        %add3A_653 = arith.constant 0 : i32
        %add3A_654 = vector.broadcast %add3A_653 : i32 to vector<16xi32>
        %add3A_655 = arith.addi %mul3A_128, %add3A_654 : vector<16xi32>
        %gather3A_656 = tpu.vector_load_idx %arg16[%shift_right_arithmetic3A_648, %and3A_651, %add3A_655] : memref<9x128x64xf32, #tpu.memory_space<vmem>>[vector<16xi32>, vector<16xi32>, vector<16xi32>], vector<16xf32>,
        %mul3A_657 = arith.mulf %gather3A_656, %gather3A_652 : vector<16xf32>
        %add3A_658 = arith.constant 2560 : i32
        %add3A_659 = arith.addi %add3A_180, %add3A_658 : i32
        %add3A_660 = arith.constant 0 : i32
        %add3A_661 = arith.addi %add3A_659, %add3A_660 : i32
        %swap3A_662 = arith.index_cast %add3A_661 : i32 to index
        %swap3A_663 = tpu.vector_load %arg17[%swap3A_662] {strides = array<i32>} : memref<12304xf32, #tpu.memory_space<vmem>>, vector<16xf32>,
        tpu.vector_store %arg17[%swap3A_662], %mul3A_657 {strides = array<i32>} : memref<12304xf32, #tpu.memory_space<vmem>>, vector<16xf32>,
        %add3A_664 = arith.constant 1 : i32
        %add3A_665 = vector.broadcast %add3A_664 : i32 to vector<16xi32>
        %add3A_666 = arith.addi %mul3A_128, %add3A_665 : vector<16xi32>
        %gather3A_667 = tpu.vector_load_idx %arg16[%shift_right_arithmetic3A_648, %and3A_651, %add3A_666] : memref<9x128x64xf32, #tpu.memory_space<vmem>>[vector<16xi32>, vector<16xi32>, vector<16xi32>], vector<16xf32>,
        %mul3A_668 = arith.mulf %gather3A_667, %gather3A_652 : vector<16xf32>
        %add3A_669 = arith.constant 2560 : i32
        %add3A_670 = arith.addi %add3A_180, %add3A_669 : i32
        %add3A_671 = arith.constant 4096 : i32
        %add3A_672 = arith.addi %add3A_670, %add3A_671 : i32
        %swap3A_673 = arith.index_cast %add3A_672 : i32 to index
        %swap3A_674 = tpu.vector_load %arg17[%swap3A_673] {strides = array<i32>} : memref<12304xf32, #tpu.memory_space<vmem>>, vector<16xf32>,
        tpu.vector_store %arg17[%swap3A_673], %mul3A_668 {strides = array<i32>} : memref<12304xf32, #tpu.memory_space<vmem>>, vector<16xf32>,
        %add3A_675 = arith.constant 2 : i32
        %add3A_676 = vector.broadcast %add3A_675 : i32 to vector<16xi32>
        %add3A_677 = arith.addi %mul3A_128, %add3A_676 : vector<16xi32>
        %gather3A_678 = tpu.vector_load_idx %arg16[%shift_right_arithmetic3A_648, %and3A_651, %add3A_677] : memref<9x128x64xf32, #tpu.memory_space<vmem>>[vector<16xi32>, vector<16xi32>, vector<16xi32>], vector<16xf32>,
        %mul3A_679 = arith.mulf %gather3A_678, %gather3A_652 : vector<16xf32>
        %add3A_680 = arith.constant 2560 : i32
        %add3A_681 = arith.addi %add3A_180, %add3A_680 : i32
        %add3A_682 = arith.constant 8192 : i32
        %add3A_683 = arith.addi %add3A_681, %add3A_682 : i32
        %swap3A_684 = arith.index_cast %add3A_683 : i32 to index
        %swap3A_685 = tpu.vector_load %arg17[%swap3A_684] {strides = array<i32>} : memref<12304xf32, #tpu.memory_space<vmem>>, vector<16xf32>,
        tpu.vector_store %arg17[%swap3A_684], %mul3A_679 {strides = array<i32>} : memref<12304xf32, #tpu.memory_space<vmem>>, vector<16xf32>,
        %add3A_686 = arith.constant 12 : i32
        %add3A_687 = vector.broadcast %add3A_686 : i32 to vector<16xi32>
        %add3A_688 = arith.addi %mul3A_128, %add3A_687 : vector<16xi32>
        %gather3A_689 = tpu.vector_load_idx %arg16[%shift_right_arithmetic3A_648, %and3A_651, %add3A_688] : memref<9x128x64xf32, #tpu.memory_space<vmem>>[vector<16xi32>, vector<16xi32>, vector<16xi32>], vector<16xf32>,
        %mul3A_690 = arith.mulf %gather3A_689, %gather3A_652 : vector<16xf32>
        %add3A_691 = arith.constant 2688 : i32
        %add3A_692 = arith.addi %add3A_180, %add3A_691 : i32
        %add3A_693 = arith.constant 0 : i32
        %add3A_694 = arith.addi %add3A_692, %add3A_693 : i32
        %swap3A_695 = arith.index_cast %add3A_694 : i32 to index
        %swap3A_696 = tpu.vector_load %arg17[%swap3A_695] {strides = array<i32>} : memref<12304xf32, #tpu.memory_space<vmem>>, vector<16xf32>,
        tpu.vector_store %arg17[%swap3A_695], %mul3A_690 {strides = array<i32>} : memref<12304xf32, #tpu.memory_space<vmem>>, vector<16xf32>,
        %add3A_697 = arith.constant 13 : i32
        %add3A_698 = vector.broadcast %add3A_697 : i32 to vector<16xi32>
        %add3A_699 = arith.addi %mul3A_128, %add3A_698 : vector<16xi32>
        %gather3A_700 = tpu.vector_load_idx %arg16[%shift_right_arithmetic3A_648, %and3A_651, %add3A_699] : memref<9x128x64xf32, #tpu.memory_space<vmem>>[vector<16xi32>, vector<16xi32>, vector<16xi32>], vector<16xf32>,
        %mul3A_701 = arith.mulf %gather3A_700, %gather3A_652 : vector<16xf32>
        %add3A_702 = arith.constant 2688 : i32
        %add3A_703 = arith.addi %add3A_180, %add3A_702 : i32
        %add3A_704 = arith.constant 4096 : i32
        %add3A_705 = arith.addi %add3A_703, %add3A_704 : i32
        %swap3A_706 = arith.index_cast %add3A_705 : i32 to index
        %swap3A_707 = tpu.vector_load %arg17[%swap3A_706] {strides = array<i32>} : memref<12304xf32, #tpu.memory_space<vmem>>, vector<16xf32>,
        tpu.vector_store %arg17[%swap3A_706], %mul3A_701 {strides = array<i32>} : memref<12304xf32, #tpu.memory_space<vmem>>, vector<16xf32>,
        %add3A_708 = arith.constant 14 : i32
        %add3A_709 = vector.broadcast %add3A_708 : i32 to vector<16xi32>
        %add3A_710 = arith.addi %mul3A_128, %add3A_709 : vector<16xi32>
        %gather3A_711 = tpu.vector_load_idx %arg16[%shift_right_arithmetic3A_648, %and3A_651, %add3A_710] : memref<9x128x64xf32, #tpu.memory_space<vmem>>[vector<16xi32>, vector<16xi32>, vector<16xi32>], vector<16xf32>,
        %mul3A_712 = arith.mulf %gather3A_711, %gather3A_652 : vector<16xf32>
        %add3A_713 = arith.constant 2688 : i32
        %add3A_714 = arith.addi %add3A_180, %add3A_713 : i32
        %add3A_715 = arith.constant 8192 : i32
        %add3A_716 = arith.addi %add3A_714, %add3A_715 : i32
        %swap3A_717 = arith.index_cast %add3A_716 : i32 to index
        %swap3A_718 = tpu.vector_load %arg17[%swap3A_717] {strides = array<i32>} : memref<12304xf32, #tpu.memory_space<vmem>>, vector<16xf32>,
        tpu.vector_store %arg17[%swap3A_717], %mul3A_712 {strides = array<i32>} : memref<12304xf32, #tpu.memory_space<vmem>>, vector<16xf32>,
        %add3A_719 = arith.constant 24 : i32
        %add3A_720 = vector.broadcast %add3A_719 : i32 to vector<16xi32>
        %add3A_721 = arith.addi %mul3A_128, %add3A_720 : vector<16xi32>
        %gather3A_722 = tpu.vector_load_idx %arg16[%shift_right_arithmetic3A_648, %and3A_651, %add3A_721] : memref<9x128x64xf32, #tpu.memory_space<vmem>>[vector<16xi32>, vector<16xi32>, vector<16xi32>], vector<16xf32>,
        %mul3A_723 = arith.mulf %gather3A_722, %gather3A_652 : vector<16xf32>
        %add3A_724 = arith.constant 2816 : i32
        %add3A_725 = arith.addi %add3A_180, %add3A_724 : i32
        %add3A_726 = arith.constant 0 : i32
        %add3A_727 = arith.addi %add3A_725, %add3A_726 : i32
        %swap3A_728 = arith.index_cast %add3A_727 : i32 to index
        %swap3A_729 = tpu.vector_load %arg17[%swap3A_728] {strides = array<i32>} : memref<12304xf32, #tpu.memory_space<vmem>>, vector<16xf32>,
        tpu.vector_store %arg17[%swap3A_728], %mul3A_723 {strides = array<i32>} : memref<12304xf32, #tpu.memory_space<vmem>>, vector<16xf32>,
        %add3A_730 = arith.constant 25 : i32
        %add3A_731 = vector.broadcast %add3A_730 : i32 to vector<16xi32>
        %add3A_732 = arith.addi %mul3A_128, %add3A_731 : vector<16xi32>
        %gather3A_733 = tpu.vector_load_idx %arg16[%shift_right_arithmetic3A_648, %and3A_651, %add3A_732] : memref<9x128x64xf32, #tpu.memory_space<vmem>>[vector<16xi32>, vector<16xi32>, vector<16xi32>], vector<16xf32>,
        %mul3A_734 = arith.mulf %gather3A_733, %gather3A_652 : vector<16xf32>
        %add3A_735 = arith.constant 2816 : i32
        %add3A_736 = arith.addi %add3A_180, %add3A_735 : i32
        %add3A_737 = arith.constant 4096 : i32
        %add3A_738 = arith.addi %add3A_736, %add3A_737 : i32
        %swap3A_739 = arith.index_cast %add3A_738 : i32 to index
        %swap3A_740 = tpu.vector_load %arg17[%swap3A_739] {strides = array<i32>} : memref<12304xf32, #tpu.memory_space<vmem>>, vector<16xf32>,
        tpu.vector_store %arg17[%swap3A_739], %mul3A_734 {strides = array<i32>} : memref<12304xf32, #tpu.memory_space<vmem>>, vector<16xf32>,
        %add3A_741 = arith.constant 26 : i32
        %add3A_742 = vector.broadcast %add3A_741 : i32 to vector<16xi32>
        %add3A_743 = arith.addi %mul3A_128, %add3A_742 : vector<16xi32>
        %gather3A_744 = tpu.vector_load_idx %arg16[%shift_right_arithmetic3A_648, %and3A_651, %add3A_743] : memref<9x128x64xf32, #tpu.memory_space<vmem>>[vector<16xi32>, vector<16xi32>, vector<16xi32>], vector<16xf32>,
        %mul3A_745 = arith.mulf %gather3A_744, %gather3A_652 : vector<16xf32>
        %add3A_746 = arith.constant 2816 : i32
        %add3A_747 = arith.addi %add3A_180, %add3A_746 : i32
        %add3A_748 = arith.constant 8192 : i32
        %add3A_749 = arith.addi %add3A_747, %add3A_748 : i32
        %swap3A_750 = arith.index_cast %add3A_749 : i32 to index
        %swap3A_751 = tpu.vector_load %arg17[%swap3A_750] {strides = array<i32>} : memref<12304xf32, #tpu.memory_space<vmem>>, vector<16xf32>,
        tpu.vector_store %arg17[%swap3A_750], %mul3A_745 {strides = array<i32>} : memref<12304xf32, #tpu.memory_space<vmem>>, vector<16xf32>,
        %add3A_752 = arith.constant 36 : i32
        %add3A_753 = vector.broadcast %add3A_752 : i32 to vector<16xi32>
        %add3A_754 = arith.addi %mul3A_128, %add3A_753 : vector<16xi32>
        %gather3A_755 = tpu.vector_load_idx %arg16[%shift_right_arithmetic3A_648, %and3A_651, %add3A_754] : memref<9x128x64xf32, #tpu.memory_space<vmem>>[vector<16xi32>, vector<16xi32>, vector<16xi32>], vector<16xf32>,
        %mul3A_756 = arith.mulf %gather3A_755, %gather3A_652 : vector<16xf32>
        %add3A_757 = arith.constant 2944 : i32
        %add3A_758 = arith.addi %add3A_180, %add3A_757 : i32
        %add3A_759 = arith.constant 0 : i32
        %add3A_760 = arith.addi %add3A_758, %add3A_759 : i32
        %swap3A_761 = arith.index_cast %add3A_760 : i32 to index
        %swap3A_762 = tpu.vector_load %arg17[%swap3A_761] {strides = array<i32>} : memref<12304xf32, #tpu.memory_space<vmem>>, vector<16xf32>,
        tpu.vector_store %arg17[%swap3A_761], %mul3A_756 {strides = array<i32>} : memref<12304xf32, #tpu.memory_space<vmem>>, vector<16xf32>,
        %add3A_763 = arith.constant 37 : i32
        %add3A_764 = vector.broadcast %add3A_763 : i32 to vector<16xi32>
        %add3A_765 = arith.addi %mul3A_128, %add3A_764 : vector<16xi32>
        %gather3A_766 = tpu.vector_load_idx %arg16[%shift_right_arithmetic3A_648, %and3A_651, %add3A_765] : memref<9x128x64xf32, #tpu.memory_space<vmem>>[vector<16xi32>, vector<16xi32>, vector<16xi32>], vector<16xf32>,
        %mul3A_767 = arith.mulf %gather3A_766, %gather3A_652 : vector<16xf32>
        %add3A_768 = arith.constant 2944 : i32
        %add3A_769 = arith.addi %add3A_180, %add3A_768 : i32
        %add3A_770 = arith.constant 4096 : i32
        %add3A_771 = arith.addi %add3A_769, %add3A_770 : i32
        %swap3A_772 = arith.index_cast %add3A_771 : i32 to index
        %swap3A_773 = tpu.vector_load %arg17[%swap3A_772] {strides = array<i32>} : memref<12304xf32, #tpu.memory_space<vmem>>, vector<16xf32>,
        tpu.vector_store %arg17[%swap3A_772], %mul3A_767 {strides = array<i32>} : memref<12304xf32, #tpu.memory_space<vmem>>, vector<16xf32>,
        %add3A_774 = arith.constant 38 : i32
        %add3A_775 = vector.broadcast %add3A_774 : i32 to vector<16xi32>
        %add3A_776 = arith.addi %mul3A_128, %add3A_775 : vector<16xi32>
        %gather3A_777 = tpu.vector_load_idx %arg16[%shift_right_arithmetic3A_648, %and3A_651, %add3A_776] : memref<9x128x64xf32, #tpu.memory_space<vmem>>[vector<16xi32>, vector<16xi32>, vector<16xi32>], vector<16xf32>,
        %mul3A_778 = arith.mulf %gather3A_777, %gather3A_652 : vector<16xf32>
        %add3A_779 = arith.constant 2944 : i32
        %add3A_780 = arith.addi %add3A_180, %add3A_779 : i32
        %add3A_781 = arith.constant 8192 : i32
        %add3A_782 = arith.addi %add3A_780, %add3A_781 : i32
        %swap3A_783 = arith.index_cast %add3A_782 : i32 to index
        %swap3A_784 = tpu.vector_load %arg17[%swap3A_783] {strides = array<i32>} : memref<12304xf32, #tpu.memory_space<vmem>>, vector<16xf32>,
        tpu.vector_store %arg17[%swap3A_783], %mul3A_778 {strides = array<i32>} : memref<12304xf32, #tpu.memory_space<vmem>>, vector<16xf32>,
      }
      %scan3A_147 = arith.constant 16 : i32
      %mul3A_148 = arith.constant 8 : i32
      %mul3A_149 = arith.muli %select_n3A_30, %mul3A_148 : i32
      %mul3A_150 = arith.constant 2 : i32
      %mul3A_151 = arith.muli %scan3A_141, %mul3A_150 : i32
      %add3A_152 = arith.addi %mul3A_149, %mul3A_151 : i32
      %mul3A_153 = arith.constant 2048 : i32
      %mul3A_154 = arith.muli %add3A_152, %mul3A_153 : i32
      %run_scoped3A = arith.constant 0 : i32
      "tpu.region"() ({
        %run_scoped3A_171 = tpu.sem_alloc : memref<!tpu.dma_semaphore, #tpu.memory_space<semaphore_mem>>
        %dma_start3A = arith.constant 0 : i32
        %dma_start3A_172 = tpu.memref_slice %arg17[%dma_start3A] : memref<12304xf32, #tpu.memory_space<vmem>> -> memref<4096xf32, #tpu.memory_space<vmem>>
        %dma_start3A_173 = tpu.memref_slice %arg6[%select_n3A, %run_scoped3A, %mul3A_154] : memref<8x3x65536xf32, #tpu.memory_space<hbm>> -> memref<1x1x4096xf32, #tpu.memory_space<hbm>>
        %dma_start3A_174 = tpu.memref_squeeze %dma_start3A_173 : memref<1x1x4096xf32, #tpu.memory_space<hbm>> -> memref<4096xf32, #tpu.memory_space<hbm>>
        %dma_start3A_175 = tpu.memref_slice %arg6[%select_n3A, %run_scoped3A, %mul3A_154] : memref<8x3x65536xf32, #tpu.memory_space<hbm>> -> memref<1x1x4096xf32, #tpu.memory_space<hbm>>
        %dma_start3A_176 = tpu.memref_squeeze %dma_start3A_175 : memref<1x1x4096xf32, #tpu.memory_space<hbm>> -> memref<4096xf32, #tpu.memory_space<hbm>>
        %dma_start3A_177 = arith.constant 0 : i32
        %dma_start3A_178 = tpu.memref_slice %arg17[%dma_start3A_177] : memref<12304xf32, #tpu.memory_space<vmem>> -> memref<4096xf32, #tpu.memory_space<vmem>>
        tpu.enqueue_dma source(%dma_start3A_178 : memref<4096xf32, #tpu.memory_space<vmem>>) target(%dma_start3A_176 : memref<4096xf32, #tpu.memory_space<hbm>>) target_semaphore(%run_scoped3A_171 : memref<!tpu.dma_semaphore, #tpu.memory_space<semaphore_mem>>)
        %dma_wait3A = arith.constant 0 : i32
        %dma_wait3A_179 = tpu.memref_slice %arg17[%dma_wait3A] : memref<12304xf32, #tpu.memory_space<vmem>> -> memref<4096xf32, #tpu.memory_space<vmem>>
        %dma_wait3A_180 = tpu.memref_slice %arg6[%select_n3A, %run_scoped3A, %mul3A_154] : memref<8x3x65536xf32, #tpu.memory_space<hbm>> -> memref<1x1x4096xf32, #tpu.memory_space<hbm>>
        %dma_wait3A_181 = tpu.memref_squeeze %dma_wait3A_180 : memref<1x1x4096xf32, #tpu.memory_space<hbm>> -> memref<4096xf32, #tpu.memory_space<hbm>>
        %dma_wait3A_182 = tpu.memref_slice %arg6[%select_n3A, %run_scoped3A, %mul3A_154] : memref<8x3x65536xf32, #tpu.memory_space<hbm>> -> memref<1x1x4096xf32, #tpu.memory_space<hbm>>
        %dma_wait3A_183 = tpu.memref_squeeze %dma_wait3A_182 : memref<1x1x4096xf32, #tpu.memory_space<hbm>> -> memref<4096xf32, #tpu.memory_space<hbm>>
        %dma_wait3A_184 = arith.constant 0 : i32
        %dma_wait3A_185 = tpu.memref_slice %arg17[%dma_wait3A_184] : memref<12304xf32, #tpu.memory_space<vmem>> -> memref<4096xf32, #tpu.memory_space<vmem>>
        tpu.wait_dma2 semaphore(%run_scoped3A_171 : memref<!tpu.dma_semaphore, #tpu.memory_space<semaphore_mem>>) src(%dma_wait3A_185 : memref<4096xf32, #tpu.memory_space<vmem>>) dst(%dma_wait3A_183 : memref<4096xf32, #tpu.memory_space<hbm>>)
        tpu.yield
      }) : () -> ()
      %mul3A_155 = arith.constant 8 : i32
      %mul3A_156 = arith.muli %select_n3A_30, %mul3A_155 : i32
      %mul3A_157 = arith.constant 2 : i32
      %mul3A_158 = arith.muli %scan3A_141, %mul3A_157 : i32
      %add3A_159 = arith.addi %mul3A_156, %mul3A_158 : i32
      %mul3A_160 = arith.constant 2048 : i32
      %mul3A_161 = arith.muli %add3A_159, %mul3A_160 : i32
      %run_scoped3A_162 = arith.constant 1 : i32
      "tpu.region"() ({
        %run_scoped3A_171 = tpu.sem_alloc : memref<!tpu.dma_semaphore, #tpu.memory_space<semaphore_mem>>
        %dma_start3A = arith.constant 4096 : i32
        %dma_start3A_172 = tpu.memref_slice %arg17[%dma_start3A] : memref<12304xf32, #tpu.memory_space<vmem>> -> memref<4096xf32, #tpu.memory_space<vmem>>
        %dma_start3A_173 = tpu.memref_slice %arg6[%select_n3A, %run_scoped3A_162, %mul3A_161] : memref<8x3x65536xf32, #tpu.memory_space<hbm>> -> memref<1x1x4096xf32, #tpu.memory_space<hbm>>
        %dma_start3A_174 = tpu.memref_squeeze %dma_start3A_173 : memref<1x1x4096xf32, #tpu.memory_space<hbm>> -> memref<4096xf32, #tpu.memory_space<hbm>>
        %dma_start3A_175 = tpu.memref_slice %arg6[%select_n3A, %run_scoped3A_162, %mul3A_161] : memref<8x3x65536xf32, #tpu.memory_space<hbm>> -> memref<1x1x4096xf32, #tpu.memory_space<hbm>>
        %dma_start3A_176 = tpu.memref_squeeze %dma_start3A_175 : memref<1x1x4096xf32, #tpu.memory_space<hbm>> -> memref<4096xf32, #tpu.memory_space<hbm>>
        %dma_start3A_177 = arith.constant 4096 : i32
        %dma_start3A_178 = tpu.memref_slice %arg17[%dma_start3A_177] : memref<12304xf32, #tpu.memory_space<vmem>> -> memref<4096xf32, #tpu.memory_space<vmem>>
        tpu.enqueue_dma source(%dma_start3A_178 : memref<4096xf32, #tpu.memory_space<vmem>>) target(%dma_start3A_176 : memref<4096xf32, #tpu.memory_space<hbm>>) target_semaphore(%run_scoped3A_171 : memref<!tpu.dma_semaphore, #tpu.memory_space<semaphore_mem>>)
        %dma_wait3A = arith.constant 4096 : i32
        %dma_wait3A_179 = tpu.memref_slice %arg17[%dma_wait3A] : memref<12304xf32, #tpu.memory_space<vmem>> -> memref<4096xf32, #tpu.memory_space<vmem>>
        %dma_wait3A_180 = tpu.memref_slice %arg6[%select_n3A, %run_scoped3A_162, %mul3A_161] : memref<8x3x65536xf32, #tpu.memory_space<hbm>> -> memref<1x1x4096xf32, #tpu.memory_space<hbm>>
        %dma_wait3A_181 = tpu.memref_squeeze %dma_wait3A_180 : memref<1x1x4096xf32, #tpu.memory_space<hbm>> -> memref<4096xf32, #tpu.memory_space<hbm>>
        %dma_wait3A_182 = tpu.memref_slice %arg6[%select_n3A, %run_scoped3A_162, %mul3A_161] : memref<8x3x65536xf32, #tpu.memory_space<hbm>> -> memref<1x1x4096xf32, #tpu.memory_space<hbm>>
        %dma_wait3A_183 = tpu.memref_squeeze %dma_wait3A_182 : memref<1x1x4096xf32, #tpu.memory_space<hbm>> -> memref<4096xf32, #tpu.memory_space<hbm>>
        %dma_wait3A_184 = arith.constant 4096 : i32
        %dma_wait3A_185 = tpu.memref_slice %arg17[%dma_wait3A_184] : memref<12304xf32, #tpu.memory_space<vmem>> -> memref<4096xf32, #tpu.memory_space<vmem>>
        tpu.wait_dma2 semaphore(%run_scoped3A_171 : memref<!tpu.dma_semaphore, #tpu.memory_space<semaphore_mem>>) src(%dma_wait3A_185 : memref<4096xf32, #tpu.memory_space<vmem>>) dst(%dma_wait3A_183 : memref<4096xf32, #tpu.memory_space<hbm>>)
        tpu.yield
      }) : () -> ()
      %mul3A_163 = arith.constant 8 : i32
      %mul3A_164 = arith.muli %select_n3A_30, %mul3A_163 : i32
      %mul3A_165 = arith.constant 2 : i32
      %mul3A_166 = arith.muli %scan3A_141, %mul3A_165 : i32
      %add3A_167 = arith.addi %mul3A_164, %mul3A_166 : i32
      %mul3A_168 = arith.constant 2048 : i32
      %mul3A_169 = arith.muli %add3A_167, %mul3A_168 : i32
      %run_scoped3A_170 = arith.constant 2 : i32
      "tpu.region"() ({
        %run_scoped3A_171 = tpu.sem_alloc : memref<!tpu.dma_semaphore, #tpu.memory_space<semaphore_mem>>
        %dma_start3A = arith.constant 8192 : i32
        %dma_start3A_172 = tpu.memref_slice %arg17[%dma_start3A] : memref<12304xf32, #tpu.memory_space<vmem>> -> memref<4096xf32, #tpu.memory_space<vmem>>
        %dma_start3A_173 = tpu.memref_slice %arg6[%select_n3A, %run_scoped3A_170, %mul3A_169] : memref<8x3x65536xf32, #tpu.memory_space<hbm>> -> memref<1x1x4096xf32, #tpu.memory_space<hbm>>
        %dma_start3A_174 = tpu.memref_squeeze %dma_start3A_173 : memref<1x1x4096xf32, #tpu.memory_space<hbm>> -> memref<4096xf32, #tpu.memory_space<hbm>>
        %dma_start3A_175 = tpu.memref_slice %arg6[%select_n3A, %run_scoped3A_170, %mul3A_169] : memref<8x3x65536xf32, #tpu.memory_space<hbm>> -> memref<1x1x4096xf32, #tpu.memory_space<hbm>>
        %dma_start3A_176 = tpu.memref_squeeze %dma_start3A_175 : memref<1x1x4096xf32, #tpu.memory_space<hbm>> -> memref<4096xf32, #tpu.memory_space<hbm>>
        %dma_start3A_177 = arith.constant 8192 : i32
        %dma_start3A_178 = tpu.memref_slice %arg17[%dma_start3A_177] : memref<12304xf32, #tpu.memory_space<vmem>> -> memref<4096xf32, #tpu.memory_space<vmem>>
        tpu.enqueue_dma source(%dma_start3A_178 : memref<4096xf32, #tpu.memory_space<vmem>>) target(%dma_start3A_176 : memref<4096xf32, #tpu.memory_space<hbm>>) target_semaphore(%run_scoped3A_171 : memref<!tpu.dma_semaphore, #tpu.memory_space<semaphore_mem>>)
        %dma_wait3A = arith.constant 8192 : i32
        %dma_wait3A_179 = tpu.memref_slice %arg17[%dma_wait3A] : memref<12304xf32, #tpu.memory_space<vmem>> -> memref<4096xf32, #tpu.memory_space<vmem>>
        %dma_wait3A_180 = tpu.memref_slice %arg6[%select_n3A, %run_scoped3A_170, %mul3A_169] : memref<8x3x65536xf32, #tpu.memory_space<hbm>> -> memref<1x1x4096xf32, #tpu.memory_space<hbm>>
        %dma_wait3A_181 = tpu.memref_squeeze %dma_wait3A_180 : memref<1x1x4096xf32, #tpu.memory_space<hbm>> -> memref<4096xf32, #tpu.memory_space<hbm>>
        %dma_wait3A_182 = tpu.memref_slice %arg6[%select_n3A, %run_scoped3A_170, %mul3A_169] : memref<8x3x65536xf32, #tpu.memory_space<hbm>> -> memref<1x1x4096xf32, #tpu.memory_space<hbm>>
        %dma_wait3A_183 = tpu.memref_squeeze %dma_wait3A_182 : memref<1x1x4096xf32, #tpu.memory_space<hbm>> -> memref<4096xf32, #tpu.memory_space<hbm>>
        %dma_wait3A_184 = arith.constant 8192 : i32
        %dma_wait3A_185 = tpu.memref_slice %arg17[%dma_wait3A_184] : memref<12304xf32, #tpu.memory_space<vmem>> -> memref<4096xf32, #tpu.memory_space<vmem>>
        tpu.wait_dma2 semaphore(%run_scoped3A_171 : memref<!tpu.dma_semaphore, #tpu.memory_space<semaphore_mem>>) src(%dma_wait3A_185 : memref<4096xf32, #tpu.memory_space<vmem>>) dst(%dma_wait3A_183 : memref<4096xf32, #tpu.memory_space<hbm>>)
        tpu.yield
      }) : () -> ()
    }
    %scan3A_134 = arith.constant 4 : i32
    %scan3A_135 = arith.constant 0 : i32
    %scan3A_136 = arith.constant 0 : i32
    %scan3A_137 = arith.constant 64 : i32
    %scan3A_138 = arith.addi %scan3A_136, %scan3A_137 : i32
    %scan3A_139 = arith.constant 1 : i32
    scf.for %scan3A_141 = %scan3A_136 to %scan3A_138 step %scan3A_139  : i32 {
      %mul3A_142 = arith.constant 4 : i32
      %mul3A_143 = arith.muli %scan3A_141, %mul3A_142 : i32
      %add3A_144 = arith.constant 0 : i32
      %add3A_145 = arith.addi %mul3A_143, %add3A_144 : i32
      %jit3A_146 = arith.constant 16 : i32
      %div3A_147 = arith.divsi %add3A_145, %jit3A_146 : i32
      %sign3A_148 = arith.constant 0 : i32
      %sign3A_149 = arith.cmpi sgt, %add3A_145, %sign3A_148 : i32
      %sign3A_150 = arith.extui %sign3A_149 : i1 to i32
      %sign3A_151 = arith.constant 0 : i32
      %sign3A_152 = arith.cmpi slt, %add3A_145, %sign3A_151 : i32
      %sign3A_153 = arith.extui %sign3A_152 : i1 to i32
      %sign3A_154 = arith.subi %sign3A_150, %sign3A_153 : i32
      %sign3A_155 = arith.constant 0 : i32
      %sign3A_156 = arith.cmpi sgt, %jit3A_146, %sign3A_155 : i32
      %sign3A_157 = arith.extui %sign3A_156 : i1 to i32
      %sign3A_158 = arith.constant 0 : i32
      %sign3A_159 = arith.cmpi slt, %jit3A_146, %sign3A_158 : i32
      %sign3A_160 = arith.extui %sign3A_159 : i1 to i32
      %sign3A_161 = arith.subi %sign3A_157, %sign3A_160 : i32
      %ne3A_162 = arith.cmpi ne, %sign3A_154, %sign3A_161 : i32
      %rem3A_163 = arith.remsi %add3A_145, %jit3A_146 : i32
      %ne3A_164 = arith.constant 0 : i32
      %ne3A_165 = arith.cmpi ne, %rem3A_163, %ne3A_164 : i32
      %and3A_166 = arith.andi %ne3A_162, %ne3A_165 : i1
      %sub3A_167 = arith.constant 1 : i32
      %sub3A_168 = arith.subi %div3A_147, %sub3A_167 : i32
      %select_n3A_169 = arith.select %and3A_166, %sub3A_168, %div3A_147 : i32
      %jit3A_170 = arith.constant 16 : i32
      %eq3A_171 = arith.constant 0 : i32
      %eq3A_172 = arith.cmpi eq, %jit3A_170, %eq3A_171 : i32
      %jit3A_173 = arith.constant 1 : i32
      %select_n3A_174 = arith.select %eq3A_172, %jit3A_173, %jit3A_170 : i32
      %rem3A_175 = arith.remsi %add3A_145, %select_n3A_174 : i32
      %ne3A_176 = arith.constant 0 : i32
      %ne3A_177 = arith.cmpi ne, %rem3A_175, %ne3A_176 : i32
      %lt3A_178 = arith.constant 0 : i32
      %lt3A_179 = arith.cmpi slt, %rem3A_175, %lt3A_178 : i32
      %lt3A_180 = arith.constant 0 : i32
      %lt3A_181 = arith.cmpi slt, %select_n3A_174, %lt3A_180 : i32
      %ne3A_182 = arith.xori %lt3A_179, %lt3A_181 : i1
      %and3A_183 = arith.andi %ne3A_182, %ne3A_177 : i1
      %add3A_184 = arith.addi %rem3A_175, %select_n3A_174 : i32
      %select_n3A_185 = arith.select %and3A_183, %add3A_184, %rem3A_175 : i32
      %mul3A_186 = arith.constant 64 : i32
      %mul3A_187 = arith.muli %select_n3A_169, %mul3A_186 : i32
      %mul3A_188 = arith.constant 16 : i32
      %mul3A_189 = arith.muli %select_n3A_185, %mul3A_188 : i32
      %add3A_190 = vector.broadcast %mul3A_189 : i32 to vector<16xi32>
      %add3A_191 = arith.addi %add3A_190, %iota3A : vector<16xi32>
      %shift_right_arithmetic3A_192 = arith.constant 2 : i32
      %shift_right_arithmetic3A_193 = vector.broadcast %shift_right_arithmetic3A_192 : i32 to vector<16xi32>
      %shift_right_arithmetic3A_194 = arith.shrsi %add3A_191, %shift_right_arithmetic3A_193 : vector<16xi32>
      %add3A_195 = vector.broadcast %mul3A_187 : i32 to vector<16xi32>
      %add3A_196 = arith.addi %add3A_195, %shift_right_arithmetic3A_194 : vector<16xi32>
      %gather3A_197 = tpu.vector_load_idx %arg12[%add3A_196] : memref<1024xf32, #tpu.memory_space<vmem>>[vector<16xi32>], vector<16xf32>,
      %mul3A_198 = arith.constant 4 : i32
      %mul3A_199 = arith.muli %select_n3A_169, %mul3A_198 : i32
      %add3A_200 = arith.constant 0 : i32
      %add3A_201 = arith.addi %mul3A_199, %add3A_200 : i32
      %mul3A_202 = arith.constant 256 : i32
      %mul3A_203 = arith.muli %add3A_201, %mul3A_202 : i32
      %mul3A_204 = arith.constant 16 : i32
      %mul3A_205 = arith.muli %select_n3A_185, %mul3A_204 : i32
      %add3A_206 = arith.addi %mul3A_203, %mul3A_205 : i32
      %swap3A_207 = arith.index_cast %add3A_206 : i32 to index
      %swap3A_208 = tpu.vector_load %arg18[%swap3A_207] {strides = array<i32>} : memref<16384xf32, #tpu.memory_space<vmem>>, vector<16xf32>,
      tpu.vector_store %arg18[%swap3A_207], %gather3A_197 {strides = array<i32>} : memref<16384xf32, #tpu.memory_space<vmem>>, vector<16xf32>,
      %mul3A_209 = arith.constant 4 : i32
      %mul3A_210 = arith.muli %select_n3A_169, %mul3A_209 : i32
      %add3A_211 = arith.constant 1 : i32
      %add3A_212 = arith.addi %mul3A_210, %add3A_211 : i32
      %mul3A_213 = arith.constant 256 : i32
      %mul3A_214 = arith.muli %add3A_212, %mul3A_213 : i32
      %mul3A_215 = arith.constant 16 : i32
      %mul3A_216 = arith.muli %select_n3A_185, %mul3A_215 : i32
      %add3A_217 = arith.addi %mul3A_214, %mul3A_216 : i32
      %swap3A_218 = arith.index_cast %add3A_217 : i32 to index
      %swap3A_219 = tpu.vector_load %arg18[%swap3A_218] {strides = array<i32>} : memref<16384xf32, #tpu.memory_space<vmem>>, vector<16xf32>,
      tpu.vector_store %arg18[%swap3A_218], %gather3A_197 {strides = array<i32>} : memref<16384xf32, #tpu.memory_space<vmem>>, vector<16xf32>,
      %mul3A_220 = arith.constant 4 : i32
      %mul3A_221 = arith.muli %select_n3A_169, %mul3A_220 : i32
      %add3A_222 = arith.constant 2 : i32
      %add3A_223 = arith.addi %mul3A_221, %add3A_222 : i32
      %mul3A_224 = arith.constant 256 : i32
      %mul3A_225 = arith.muli %add3A_223, %mul3A_224 : i32
      %mul3A_226 = arith.constant 16 : i32
      %mul3A_227 = arith.muli %select_n3A_185, %mul3A_226 : i32
      %add3A_228 = arith.addi %mul3A_225, %mul3A_227 : i32
      %swap3A_229 = arith.index_cast %add3A_228 : i32 to index
      %swap3A_230 = tpu.vector_load %arg18[%swap3A_229] {strides = array<i32>} : memref<16384xf32, #tpu.memory_space<vmem>>, vector<16xf32>,
      tpu.vector_store %arg18[%swap3A_229], %gather3A_197 {strides = array<i32>} : memref<16384xf32, #tpu.memory_space<vmem>>, vector<16xf32>,
      %mul3A_231 = arith.constant 4 : i32
      %mul3A_232 = arith.muli %select_n3A_169, %mul3A_231 : i32
      %add3A_233 = arith.constant 3 : i32
      %add3A_234 = arith.addi %mul3A_232, %add3A_233 : i32
      %mul3A_235 = arith.constant 256 : i32
      %mul3A_236 = arith.muli %add3A_234, %mul3A_235 : i32
      %mul3A_237 = arith.constant 16 : i32
      %mul3A_238 = arith.muli %select_n3A_185, %mul3A_237 : i32
      %add3A_239 = arith.addi %mul3A_236, %mul3A_238 : i32
      %swap3A_240 = arith.index_cast %add3A_239 : i32 to index
      %swap3A_241 = tpu.vector_load %arg18[%swap3A_240] {strides = array<i32>} : memref<16384xf32, #tpu.memory_space<vmem>>, vector<16xf32>,
      tpu.vector_store %arg18[%swap3A_240], %gather3A_197 {strides = array<i32>} : memref<16384xf32, #tpu.memory_space<vmem>>, vector<16xf32>,
      %mul3A_242 = arith.constant 4 : i32
      %mul3A_243 = arith.muli %scan3A_141, %mul3A_242 : i32
      %add3A_244 = arith.constant 1 : i32
      %add3A_245 = arith.addi %mul3A_243, %add3A_244 : i32
      %jit3A_246 = arith.constant 16 : i32
      %div3A_247 = arith.divsi %add3A_245, %jit3A_246 : i32
      %sign3A_248 = arith.constant 0 : i32
      %sign3A_249 = arith.cmpi sgt, %add3A_245, %sign3A_248 : i32
      %sign3A_250 = arith.extui %sign3A_249 : i1 to i32
      %sign3A_251 = arith.constant 0 : i32
      %sign3A_252 = arith.cmpi slt, %add3A_245, %sign3A_251 : i32
      %sign3A_253 = arith.extui %sign3A_252 : i1 to i32
      %sign3A_254 = arith.subi %sign3A_250, %sign3A_253 : i32
      %sign3A_255 = arith.constant 0 : i32
      %sign3A_256 = arith.cmpi sgt, %jit3A_246, %sign3A_255 : i32
      %sign3A_257 = arith.extui %sign3A_256 : i1 to i32
      %sign3A_258 = arith.constant 0 : i32
      %sign3A_259 = arith.cmpi slt, %jit3A_246, %sign3A_258 : i32
      %sign3A_260 = arith.extui %sign3A_259 : i1 to i32
      %sign3A_261 = arith.subi %sign3A_257, %sign3A_260 : i32
      %ne3A_262 = arith.cmpi ne, %sign3A_254, %sign3A_261 : i32
      %rem3A_263 = arith.remsi %add3A_245, %jit3A_246 : i32
      %ne3A_264 = arith.constant 0 : i32
      %ne3A_265 = arith.cmpi ne, %rem3A_263, %ne3A_264 : i32
      %and3A_266 = arith.andi %ne3A_262, %ne3A_265 : i1
      %sub3A_267 = arith.constant 1 : i32
      %sub3A_268 = arith.subi %div3A_247, %sub3A_267 : i32
      %select_n3A_269 = arith.select %and3A_266, %sub3A_268, %div3A_247 : i32
      %jit3A_270 = arith.constant 16 : i32
      %eq3A_271 = arith.constant 0 : i32
      %eq3A_272 = arith.cmpi eq, %jit3A_270, %eq3A_271 : i32
      %jit3A_273 = arith.constant 1 : i32
      %select_n3A_274 = arith.select %eq3A_272, %jit3A_273, %jit3A_270 : i32
      %rem3A_275 = arith.remsi %add3A_245, %select_n3A_274 : i32
      %ne3A_276 = arith.constant 0 : i32
      %ne3A_277 = arith.cmpi ne, %rem3A_275, %ne3A_276 : i32
      %lt3A_278 = arith.constant 0 : i32
      %lt3A_279 = arith.cmpi slt, %rem3A_275, %lt3A_278 : i32
      %lt3A_280 = arith.constant 0 : i32
      %lt3A_281 = arith.cmpi slt, %select_n3A_274, %lt3A_280 : i32
      %ne3A_282 = arith.xori %lt3A_279, %lt3A_281 : i1
      %and3A_283 = arith.andi %ne3A_282, %ne3A_277 : i1
      %add3A_284 = arith.addi %rem3A_275, %select_n3A_274 : i32
      %select_n3A_285 = arith.select %and3A_283, %add3A_284, %rem3A_275 : i32
      %mul3A_286 = arith.constant 64 : i32
      %mul3A_287 = arith.muli %select_n3A_269, %mul3A_286 : i32
      %mul3A_288 = arith.constant 16 : i32
      %mul3A_289 = arith.muli %select_n3A_285, %mul3A_288 : i32
      %add3A_290 = vector.broadcast %mul3A_289 : i32 to vector<16xi32>
      %add3A_291 = arith.addi %add3A_290, %iota3A : vector<16xi32>
      %shift_right_arithmetic3A_292 = arith.constant 2 : i32
      %shift_right_arithmetic3A_293 = vector.broadcast %shift_right_arithmetic3A_292 : i32 to vector<16xi32>
      %shift_right_arithmetic3A_294 = arith.shrsi %add3A_291, %shift_right_arithmetic3A_293 : vector<16xi32>
      %add3A_295 = vector.broadcast %mul3A_287 : i32 to vector<16xi32>
      %add3A_296 = arith.addi %add3A_295, %shift_right_arithmetic3A_294 : vector<16xi32>
      %gather3A_297 = tpu.vector_load_idx %arg12[%add3A_296] : memref<1024xf32, #tpu.memory_space<vmem>>[vector<16xi32>], vector<16xf32>,
      %mul3A_298 = arith.constant 4 : i32
      %mul3A_299 = arith.muli %select_n3A_269, %mul3A_298 : i32
      %add3A_300 = arith.constant 0 : i32
      %add3A_301 = arith.addi %mul3A_299, %add3A_300 : i32
      %mul3A_302 = arith.constant 256 : i32
      %mul3A_303 = arith.muli %add3A_301, %mul3A_302 : i32
      %mul3A_304 = arith.constant 16 : i32
      %mul3A_305 = arith.muli %select_n3A_285, %mul3A_304 : i32
      %add3A_306 = arith.addi %mul3A_303, %mul3A_305 : i32
      %swap3A_307 = arith.index_cast %add3A_306 : i32 to index
      %swap3A_308 = tpu.vector_load %arg18[%swap3A_307] {strides = array<i32>} : memref<16384xf32, #tpu.memory_space<vmem>>, vector<16xf32>,
      tpu.vector_store %arg18[%swap3A_307], %gather3A_297 {strides = array<i32>} : memref<16384xf32, #tpu.memory_space<vmem>>, vector<16xf32>,
      %mul3A_309 = arith.constant 4 : i32
      %mul3A_310 = arith.muli %select_n3A_269, %mul3A_309 : i32
      %add3A_311 = arith.constant 1 : i32
      %add3A_312 = arith.addi %mul3A_310, %add3A_311 : i32
      %mul3A_313 = arith.constant 256 : i32
      %mul3A_314 = arith.muli %add3A_312, %mul3A_313 : i32
      %mul3A_315 = arith.constant 16 : i32
      %mul3A_316 = arith.muli %select_n3A_285, %mul3A_315 : i32
      %add3A_317 = arith.addi %mul3A_314, %mul3A_316 : i32
      %swap3A_318 = arith.index_cast %add3A_317 : i32 to index
      %swap3A_319 = tpu.vector_load %arg18[%swap3A_318] {strides = array<i32>} : memref<16384xf32, #tpu.memory_space<vmem>>, vector<16xf32>,
      tpu.vector_store %arg18[%swap3A_318], %gather3A_297 {strides = array<i32>} : memref<16384xf32, #tpu.memory_space<vmem>>, vector<16xf32>,
      %mul3A_320 = arith.constant 4 : i32
      %mul3A_321 = arith.muli %select_n3A_269, %mul3A_320 : i32
      %add3A_322 = arith.constant 2 : i32
      %add3A_323 = arith.addi %mul3A_321, %add3A_322 : i32
      %mul3A_324 = arith.constant 256 : i32
      %mul3A_325 = arith.muli %add3A_323, %mul3A_324 : i32
      %mul3A_326 = arith.constant 16 : i32
      %mul3A_327 = arith.muli %select_n3A_285, %mul3A_326 : i32
      %add3A_328 = arith.addi %mul3A_325, %mul3A_327 : i32
      %swap3A_329 = arith.index_cast %add3A_328 : i32 to index
      %swap3A_330 = tpu.vector_load %arg18[%swap3A_329] {strides = array<i32>} : memref<16384xf32, #tpu.memory_space<vmem>>, vector<16xf32>,
      tpu.vector_store %arg18[%swap3A_329], %gather3A_297 {strides = array<i32>} : memref<16384xf32, #tpu.memory_space<vmem>>, vector<16xf32>,
      %mul3A_331 = arith.constant 4 : i32
      %mul3A_332 = arith.muli %select_n3A_269, %mul3A_331 : i32
      %add3A_333 = arith.constant 3 : i32
      %add3A_334 = arith.addi %mul3A_332, %add3A_333 : i32
      %mul3A_335 = arith.constant 256 : i32
      %mul3A_336 = arith.muli %add3A_334, %mul3A_335 : i32
      %mul3A_337 = arith.constant 16 : i32
      %mul3A_338 = arith.muli %select_n3A_285, %mul3A_337 : i32
      %add3A_339 = arith.addi %mul3A_336, %mul3A_338 : i32
      %swap3A_340 = arith.index_cast %add3A_339 : i32 to index
      %swap3A_341 = tpu.vector_load %arg18[%swap3A_340] {strides = array<i32>} : memref<16384xf32, #tpu.memory_space<vmem>>, vector<16xf32>,
      tpu.vector_store %arg18[%swap3A_340], %gather3A_297 {strides = array<i32>} : memref<16384xf32, #tpu.memory_space<vmem>>, vector<16xf32>,
      %mul3A_342 = arith.constant 4 : i32
      %mul3A_343 = arith.muli %scan3A_141, %mul3A_342 : i32
      %add3A_344 = arith.constant 2 : i32
      %add3A_345 = arith.addi %mul3A_343, %add3A_344 : i32
      %jit3A_346 = arith.constant 16 : i32
      %div3A_347 = arith.divsi %add3A_345, %jit3A_346 : i32
      %sign3A_348 = arith.constant 0 : i32
      %sign3A_349 = arith.cmpi sgt, %add3A_345, %sign3A_348 : i32
      %sign3A_350 = arith.extui %sign3A_349 : i1 to i32
      %sign3A_351 = arith.constant 0 : i32
      %sign3A_352 = arith.cmpi slt, %add3A_345, %sign3A_351 : i32
      %sign3A_353 = arith.extui %sign3A_352 : i1 to i32
      %sign3A_354 = arith.subi %sign3A_350, %sign3A_353 : i32
      %sign3A_355 = arith.constant 0 : i32
      %sign3A_356 = arith.cmpi sgt, %jit3A_346, %sign3A_355 : i32
      %sign3A_357 = arith.extui %sign3A_356 : i1 to i32
      %sign3A_358 = arith.constant 0 : i32
      %sign3A_359 = arith.cmpi slt, %jit3A_346, %sign3A_358 : i32
      %sign3A_360 = arith.extui %sign3A_359 : i1 to i32
      %sign3A_361 = arith.subi %sign3A_357, %sign3A_360 : i32
      %ne3A_362 = arith.cmpi ne, %sign3A_354, %sign3A_361 : i32
      %rem3A_363 = arith.remsi %add3A_345, %jit3A_346 : i32
      %ne3A_364 = arith.constant 0 : i32
      %ne3A_365 = arith.cmpi ne, %rem3A_363, %ne3A_364 : i32
      %and3A_366 = arith.andi %ne3A_362, %ne3A_365 : i1
      %sub3A_367 = arith.constant 1 : i32
      %sub3A_368 = arith.subi %div3A_347, %sub3A_367 : i32
      %select_n3A_369 = arith.select %and3A_366, %sub3A_368, %div3A_347 : i32
      %jit3A_370 = arith.constant 16 : i32
      %eq3A_371 = arith.constant 0 : i32
      %eq3A_372 = arith.cmpi eq, %jit3A_370, %eq3A_371 : i32
      %jit3A_373 = arith.constant 1 : i32
      %select_n3A_374 = arith.select %eq3A_372, %jit3A_373, %jit3A_370 : i32
      %rem3A_375 = arith.remsi %add3A_345, %select_n3A_374 : i32
      %ne3A_376 = arith.constant 0 : i32
      %ne3A_377 = arith.cmpi ne, %rem3A_375, %ne3A_376 : i32
      %lt3A_378 = arith.constant 0 : i32
      %lt3A_379 = arith.cmpi slt, %rem3A_375, %lt3A_378 : i32
      %lt3A_380 = arith.constant 0 : i32
      %lt3A_381 = arith.cmpi slt, %select_n3A_374, %lt3A_380 : i32
      %ne3A_382 = arith.xori %lt3A_379, %lt3A_381 : i1
      %and3A_383 = arith.andi %ne3A_382, %ne3A_377 : i1
      %add3A_384 = arith.addi %rem3A_375, %select_n3A_374 : i32
      %select_n3A_385 = arith.select %and3A_383, %add3A_384, %rem3A_375 : i32
      %mul3A_386 = arith.constant 64 : i32
      %mul3A_387 = arith.muli %select_n3A_369, %mul3A_386 : i32
      %mul3A_388 = arith.constant 16 : i32
      %mul3A_389 = arith.muli %select_n3A_385, %mul3A_388 : i32
      %add3A_390 = vector.broadcast %mul3A_389 : i32 to vector<16xi32>
      %add3A_391 = arith.addi %add3A_390, %iota3A : vector<16xi32>
      %shift_right_arithmetic3A_392 = arith.constant 2 : i32
      %shift_right_arithmetic3A_393 = vector.broadcast %shift_right_arithmetic3A_392 : i32 to vector<16xi32>
      %shift_right_arithmetic3A_394 = arith.shrsi %add3A_391, %shift_right_arithmetic3A_393 : vector<16xi32>
      %add3A_395 = vector.broadcast %mul3A_387 : i32 to vector<16xi32>
      %add3A_396 = arith.addi %add3A_395, %shift_right_arithmetic3A_394 : vector<16xi32>
      %gather3A_397 = tpu.vector_load_idx %arg12[%add3A_396] : memref<1024xf32, #tpu.memory_space<vmem>>[vector<16xi32>], vector<16xf32>,
      %mul3A_398 = arith.constant 4 : i32
      %mul3A_399 = arith.muli %select_n3A_369, %mul3A_398 : i32
      %add3A_400 = arith.constant 0 : i32
      %add3A_401 = arith.addi %mul3A_399, %add3A_400 : i32
      %mul3A_402 = arith.constant 256 : i32
      %mul3A_403 = arith.muli %add3A_401, %mul3A_402 : i32
      %mul3A_404 = arith.constant 16 : i32
      %mul3A_405 = arith.muli %select_n3A_385, %mul3A_404 : i32
      %add3A_406 = arith.addi %mul3A_403, %mul3A_405 : i32
      %swap3A_407 = arith.index_cast %add3A_406 : i32 to index
      %swap3A_408 = tpu.vector_load %arg18[%swap3A_407] {strides = array<i32>} : memref<16384xf32, #tpu.memory_space<vmem>>, vector<16xf32>,
      tpu.vector_store %arg18[%swap3A_407], %gather3A_397 {strides = array<i32>} : memref<16384xf32, #tpu.memory_space<vmem>>, vector<16xf32>,
      %mul3A_409 = arith.constant 4 : i32
      %mul3A_410 = arith.muli %select_n3A_369, %mul3A_409 : i32
      %add3A_411 = arith.constant 1 : i32
      %add3A_412 = arith.addi %mul3A_410, %add3A_411 : i32
      %mul3A_413 = arith.constant 256 : i32
      %mul3A_414 = arith.muli %add3A_412, %mul3A_413 : i32
      %mul3A_415 = arith.constant 16 : i32
      %mul3A_416 = arith.muli %select_n3A_385, %mul3A_415 : i32
      %add3A_417 = arith.addi %mul3A_414, %mul3A_416 : i32
      %swap3A_418 = arith.index_cast %add3A_417 : i32 to index
      %swap3A_419 = tpu.vector_load %arg18[%swap3A_418] {strides = array<i32>} : memref<16384xf32, #tpu.memory_space<vmem>>, vector<16xf32>,
      tpu.vector_store %arg18[%swap3A_418], %gather3A_397 {strides = array<i32>} : memref<16384xf32, #tpu.memory_space<vmem>>, vector<16xf32>,
      %mul3A_420 = arith.constant 4 : i32
      %mul3A_421 = arith.muli %select_n3A_369, %mul3A_420 : i32
      %add3A_422 = arith.constant 2 : i32
      %add3A_423 = arith.addi %mul3A_421, %add3A_422 : i32
      %mul3A_424 = arith.constant 256 : i32
      %mul3A_425 = arith.muli %add3A_423, %mul3A_424 : i32
      %mul3A_426 = arith.constant 16 : i32
      %mul3A_427 = arith.muli %select_n3A_385, %mul3A_426 : i32
      %add3A_428 = arith.addi %mul3A_425, %mul3A_427 : i32
      %swap3A_429 = arith.index_cast %add3A_428 : i32 to index
      %swap3A_430 = tpu.vector_load %arg18[%swap3A_429] {strides = array<i32>} : memref<16384xf32, #tpu.memory_space<vmem>>, vector<16xf32>,
      tpu.vector_store %arg18[%swap3A_429], %gather3A_397 {strides = array<i32>} : memref<16384xf32, #tpu.memory_space<vmem>>, vector<16xf32>,
      %mul3A_431 = arith.constant 4 : i32
      %mul3A_432 = arith.muli %select_n3A_369, %mul3A_431 : i32
      %add3A_433 = arith.constant 3 : i32
      %add3A_434 = arith.addi %mul3A_432, %add3A_433 : i32
      %mul3A_435 = arith.constant 256 : i32
      %mul3A_436 = arith.muli %add3A_434, %mul3A_435 : i32
      %mul3A_437 = arith.constant 16 : i32
      %mul3A_438 = arith.muli %select_n3A_385, %mul3A_437 : i32
      %add3A_439 = arith.addi %mul3A_436, %mul3A_438 : i32
      %swap3A_440 = arith.index_cast %add3A_439 : i32 to index
      %swap3A_441 = tpu.vector_load %arg18[%swap3A_440] {strides = array<i32>} : memref<16384xf32, #tpu.memory_space<vmem>>, vector<16xf32>,
      tpu.vector_store %arg18[%swap3A_440], %gather3A_397 {strides = array<i32>} : memref<16384xf32, #tpu.memory_space<vmem>>, vector<16xf32>,
      %mul3A_442 = arith.constant 4 : i32
      %mul3A_443 = arith.muli %scan3A_141, %mul3A_442 : i32
      %add3A_444 = arith.constant 3 : i32
      %add3A_445 = arith.addi %mul3A_443, %add3A_444 : i32
      %jit3A_446 = arith.constant 16 : i32
      %div3A_447 = arith.divsi %add3A_445, %jit3A_446 : i32
      %sign3A_448 = arith.constant 0 : i32
      %sign3A_449 = arith.cmpi sgt, %add3A_445, %sign3A_448 : i32
      %sign3A_450 = arith.extui %sign3A_449 : i1 to i32
      %sign3A_451 = arith.constant 0 : i32
      %sign3A_452 = arith.cmpi slt, %add3A_445, %sign3A_451 : i32
      %sign3A_453 = arith.extui %sign3A_452 : i1 to i32
      %sign3A_454 = arith.subi %sign3A_450, %sign3A_453 : i32
      %sign3A_455 = arith.constant 0 : i32
      %sign3A_456 = arith.cmpi sgt, %jit3A_446, %sign3A_455 : i32
      %sign3A_457 = arith.extui %sign3A_456 : i1 to i32
      %sign3A_458 = arith.constant 0 : i32
      %sign3A_459 = arith.cmpi slt, %jit3A_446, %sign3A_458 : i32
      %sign3A_460 = arith.extui %sign3A_459 : i1 to i32
      %sign3A_461 = arith.subi %sign3A_457, %sign3A_460 : i32
      %ne3A_462 = arith.cmpi ne, %sign3A_454, %sign3A_461 : i32
      %rem3A_463 = arith.remsi %add3A_445, %jit3A_446 : i32
      %ne3A_464 = arith.constant 0 : i32
      %ne3A_465 = arith.cmpi ne, %rem3A_463, %ne3A_464 : i32
      %and3A_466 = arith.andi %ne3A_462, %ne3A_465 : i1
      %sub3A_467 = arith.constant 1 : i32
      %sub3A_468 = arith.subi %div3A_447, %sub3A_467 : i32
      %select_n3A_469 = arith.select %and3A_466, %sub3A_468, %div3A_447 : i32
      %jit3A_470 = arith.constant 16 : i32
      %eq3A_471 = arith.constant 0 : i32
      %eq3A_472 = arith.cmpi eq, %jit3A_470, %eq3A_471 : i32
      %jit3A_473 = arith.constant 1 : i32
      %select_n3A_474 = arith.select %eq3A_472, %jit3A_473, %jit3A_470 : i32
      %rem3A_475 = arith.remsi %add3A_445, %select_n3A_474 : i32
      %ne3A_476 = arith.constant 0 : i32
      %ne3A_477 = arith.cmpi ne, %rem3A_475, %ne3A_476 : i32
      %lt3A_478 = arith.constant 0 : i32
      %lt3A_479 = arith.cmpi slt, %rem3A_475, %lt3A_478 : i32
      %lt3A_480 = arith.constant 0 : i32
      %lt3A_481 = arith.cmpi slt, %select_n3A_474, %lt3A_480 : i32
      %ne3A_482 = arith.xori %lt3A_479, %lt3A_481 : i1
      %and3A_483 = arith.andi %ne3A_482, %ne3A_477 : i1
      %add3A_484 = arith.addi %rem3A_475, %select_n3A_474 : i32
      %select_n3A_485 = arith.select %and3A_483, %add3A_484, %rem3A_475 : i32
      %mul3A_486 = arith.constant 64 : i32
      %mul3A_487 = arith.muli %select_n3A_469, %mul3A_486 : i32
      %mul3A_488 = arith.constant 16 : i32
      %mul3A_489 = arith.muli %select_n3A_485, %mul3A_488 : i32
      %add3A_490 = vector.broadcast %mul3A_489 : i32 to vector<16xi32>
      %add3A_491 = arith.addi %add3A_490, %iota3A : vector<16xi32>
      %shift_right_arithmetic3A_492 = arith.constant 2 : i32
      %shift_right_arithmetic3A_493 = vector.broadcast %shift_right_arithmetic3A_492 : i32 to vector<16xi32>
      %shift_right_arithmetic3A_494 = arith.shrsi %add3A_491, %shift_right_arithmetic3A_493 : vector<16xi32>
      %add3A_495 = vector.broadcast %mul3A_487 : i32 to vector<16xi32>
      %add3A_496 = arith.addi %add3A_495, %shift_right_arithmetic3A_494 : vector<16xi32>
      %gather3A_497 = tpu.vector_load_idx %arg12[%add3A_496] : memref<1024xf32, #tpu.memory_space<vmem>>[vector<16xi32>], vector<16xf32>,
      %mul3A_498 = arith.constant 4 : i32
      %mul3A_499 = arith.muli %select_n3A_469, %mul3A_498 : i32
      %add3A_500 = arith.constant 0 : i32
      %add3A_501 = arith.addi %mul3A_499, %add3A_500 : i32
      %mul3A_502 = arith.constant 256 : i32
      %mul3A_503 = arith.muli %add3A_501, %mul3A_502 : i32
      %mul3A_504 = arith.constant 16 : i32
      %mul3A_505 = arith.muli %select_n3A_485, %mul3A_504 : i32
      %add3A_506 = arith.addi %mul3A_503, %mul3A_505 : i32
      %swap3A_507 = arith.index_cast %add3A_506 : i32 to index
      %swap3A_508 = tpu.vector_load %arg18[%swap3A_507] {strides = array<i32>} : memref<16384xf32, #tpu.memory_space<vmem>>, vector<16xf32>,
      tpu.vector_store %arg18[%swap3A_507], %gather3A_497 {strides = array<i32>} : memref<16384xf32, #tpu.memory_space<vmem>>, vector<16xf32>,
      %mul3A_509 = arith.constant 4 : i32
      %mul3A_510 = arith.muli %select_n3A_469, %mul3A_509 : i32
      %add3A_511 = arith.constant 1 : i32
      %add3A_512 = arith.addi %mul3A_510, %add3A_511 : i32
      %mul3A_513 = arith.constant 256 : i32
      %mul3A_514 = arith.muli %add3A_512, %mul3A_513 : i32
      %mul3A_515 = arith.constant 16 : i32
      %mul3A_516 = arith.muli %select_n3A_485, %mul3A_515 : i32
      %add3A_517 = arith.addi %mul3A_514, %mul3A_516 : i32
      %swap3A_518 = arith.index_cast %add3A_517 : i32 to index
      %swap3A_519 = tpu.vector_load %arg18[%swap3A_518] {strides = array<i32>} : memref<16384xf32, #tpu.memory_space<vmem>>, vector<16xf32>,
      tpu.vector_store %arg18[%swap3A_518], %gather3A_497 {strides = array<i32>} : memref<16384xf32, #tpu.memory_space<vmem>>, vector<16xf32>,
      %mul3A_520 = arith.constant 4 : i32
      %mul3A_521 = arith.muli %select_n3A_469, %mul3A_520 : i32
      %add3A_522 = arith.constant 2 : i32
      %add3A_523 = arith.addi %mul3A_521, %add3A_522 : i32
      %mul3A_524 = arith.constant 256 : i32
      %mul3A_525 = arith.muli %add3A_523, %mul3A_524 : i32
      %mul3A_526 = arith.constant 16 : i32
      %mul3A_527 = arith.muli %select_n3A_485, %mul3A_526 : i32
      %add3A_528 = arith.addi %mul3A_525, %mul3A_527 : i32
      %swap3A_529 = arith.index_cast %add3A_528 : i32 to index
      %swap3A_530 = tpu.vector_load %arg18[%swap3A_529] {strides = array<i32>} : memref<16384xf32, #tpu.memory_space<vmem>>, vector<16xf32>,
      tpu.vector_store %arg18[%swap3A_529], %gather3A_497 {strides = array<i32>} : memref<16384xf32, #tpu.memory_space<vmem>>, vector<16xf32>,
      %mul3A_531 = arith.constant 4 : i32
      %mul3A_532 = arith.muli %select_n3A_469, %mul3A_531 : i32
      %add3A_533 = arith.constant 3 : i32
      %add3A_534 = arith.addi %mul3A_532, %add3A_533 : i32
      %mul3A_535 = arith.constant 256 : i32
      %mul3A_536 = arith.muli %add3A_534, %mul3A_535 : i32
      %mul3A_537 = arith.constant 16 : i32
      %mul3A_538 = arith.muli %select_n3A_485, %mul3A_537 : i32
      %add3A_539 = arith.addi %mul3A_536, %mul3A_538 : i32
      %swap3A_540 = arith.index_cast %add3A_539 : i32 to index
      %swap3A_541 = tpu.vector_load %arg18[%swap3A_540] {strides = array<i32>} : memref<16384xf32, #tpu.memory_space<vmem>>, vector<16xf32>,
      tpu.vector_store %arg18[%swap3A_540], %gather3A_497 {strides = array<i32>} : memref<16384xf32, #tpu.memory_space<vmem>>, vector<16xf32>,
    }
    %scan3A_140 = arith.constant 64 : i32
    "tpu.region"() ({
      %run_scoped3A = tpu.sem_alloc : memref<!tpu.dma_semaphore, #tpu.memory_space<semaphore_mem>>
      %dma_start3A = arith.constant 0 : i32
      %dma_start3A_141 = tpu.memref_slice %arg7[%add3A, %dma_start3A] : memref<32x16384xf32, #tpu.memory_space<hbm>> -> memref<1x16384xf32, #tpu.memory_space<hbm>>
      %dma_start3A_142 = tpu.memref_squeeze %dma_start3A_141 : memref<1x16384xf32, #tpu.memory_space<hbm>> -> memref<16384xf32, #tpu.memory_space<hbm>>
      %dma_start3A_143 = arith.constant 0 : i32
      %dma_start3A_144 = tpu.memref_slice %arg7[%add3A, %dma_start3A_143] : memref<32x16384xf32, #tpu.memory_space<hbm>> -> memref<1x16384xf32, #tpu.memory_space<hbm>>
      %dma_start3A_145 = tpu.memref_squeeze %dma_start3A_144 : memref<1x16384xf32, #tpu.memory_space<hbm>> -> memref<16384xf32, #tpu.memory_space<hbm>>
      tpu.enqueue_dma source(%arg18 : memref<16384xf32, #tpu.memory_space<vmem>>) target(%dma_start3A_145 : memref<16384xf32, #tpu.memory_space<hbm>>) target_semaphore(%run_scoped3A : memref<!tpu.dma_semaphore, #tpu.memory_space<semaphore_mem>>)
      %dma_wait3A = arith.constant 0 : i32
      %dma_wait3A_146 = tpu.memref_slice %arg7[%add3A, %dma_wait3A] : memref<32x16384xf32, #tpu.memory_space<hbm>> -> memref<1x16384xf32, #tpu.memory_space<hbm>>
      %dma_wait3A_147 = tpu.memref_squeeze %dma_wait3A_146 : memref<1x16384xf32, #tpu.memory_space<hbm>> -> memref<16384xf32, #tpu.memory_space<hbm>>
      %dma_wait3A_148 = arith.constant 0 : i32
      %dma_wait3A_149 = tpu.memref_slice %arg7[%add3A, %dma_wait3A_148] : memref<32x16384xf32, #tpu.memory_space<hbm>> -> memref<1x16384xf32, #tpu.memory_space<hbm>>
      %dma_wait3A_150 = tpu.memref_squeeze %dma_wait3A_149 : memref<1x16384xf32, #tpu.memory_space<hbm>> -> memref<16384xf32, #tpu.memory_space<hbm>>
      tpu.wait_dma2 semaphore(%run_scoped3A : memref<!tpu.dma_semaphore, #tpu.memory_space<semaphore_mem>>) src(%arg18 : memref<16384xf32, #tpu.memory_space<vmem>>) dst(%dma_wait3A_150 : memref<16384xf32, #tpu.memory_space<hbm>>)
      tpu.yield
    }) : () -> ()
    return
  }
}

module attributes {stable_mosaic.version = 14 : i64} {
  func.func @_tc_body(%arg0: i32, %arg1: memref<1x4096x256xf32, #tpu.memory_space<vmem>>, %arg2: memref<256x64xf32, #tpu.memory_space<vmem>>, %arg3: memref<1x64xf32, #tpu.memory_space<vmem>>, %arg4: memref<4104x64xf32, #tpu.memory_space<vmem>>) attributes {dimension_semantics = [#tpu.dimension_semantics<arbitrary>], iteration_bounds = array<i64: 8>, scalar_prefetch = 0 : i64, scratch_operands = 0 : i64, tpu.core_type = #tpu.core_type<tc>, window_params = [{transform_indices = @transform_0, window_bounds = array<i64: 1, 4096, 256>}, {pipeline_mode = #tpu.pipeline_mode<synchronous>, transform_indices = @transform_1, window_bounds = array<i64: 256, 64>}, {pipeline_mode = #tpu.pipeline_mode<synchronous>, transform_indices = @transform_2, window_bounds = array<i64: 1, 64>}, {transform_indices = @transform_3, window_bounds = array<i64: 4104, 64>}]} {
    %get3A = arith.constant 0 : index
    %get3A_0 = arith.constant 0 : index
    %get3A_1 = arith.constant 0 : index
    %get3A_2 = vector.load %arg1[%get3A, %get3A_0, %get3A_1] : memref<1x4096x256xf32, #tpu.memory_space<vmem>>, vector<1x4096x256xf32>
    %get3A_3 = vector.shape_cast %get3A_2 : vector<1x4096x256xf32> to vector<4096x256xf32>
    %get3A_4 = arith.constant 0 : index
    %get3A_5 = arith.constant 0 : index
    %get3A_6 = vector.load %arg2[%get3A_4, %get3A_5] : memref<256x64xf32, #tpu.memory_space<vmem>>, vector<256x64xf32>
    %dot_general3A = arith.constant dense<0.000000e+00> : vector<4096x64xf32>
    %dot_general3A_7 = tpu.matmul %get3A_3, %get3A_6, %dot_general3A {dimension_numbers = #tpu.dot_dimension_numbers<[1], [0], [0], [1], [0, 0, 1, 1], [], []>, transpose_lhs_hint = false} : vector<4096x256xf32>, vector<256x64xf32>, vector<4096x64xf32> -> vector<4096x64xf32>
    %get3A_8 = arith.constant 0 : index
    %get3A_9 = arith.constant 0 : index
    %get3A_10 = vector.load %arg3[%get3A_8, %get3A_9] : memref<1x64xf32, #tpu.memory_space<vmem>>, vector<1x64xf32>
    %add3A = vector.broadcast %get3A_10 : vector<1x64xf32> to vector<4096x64xf32>
    %add3A_11 = arith.addf %dot_general3A_7, %add3A : vector<4096x64xf32>
    %swap3A = arith.constant 0 : index
    %swap3A_12 = arith.constant 0 : index
    %swap3A_13 = vector.load %arg4[%swap3A, %swap3A_12] : memref<4104x64xf32, #tpu.memory_space<vmem>>, vector<4096x64xf32>
    tpu.vector_store %arg4[%swap3A, %swap3A_12], %add3A_11 {strides = array<i32>} : memref<4104x64xf32, #tpu.memory_space<vmem>>, vector<4096x64xf32>,
    %broadcast_in_dim3A = arith.constant 0.000000e+00 : f32
    %broadcast_in_dim3A_14 = vector.broadcast %broadcast_in_dim3A : f32 to vector<8x64xf32>
    %swap3A_15 = arith.constant 4096 : index
    %swap3A_16 = arith.constant 0 : index
    %swap3A_17 = vector.load %arg4[%swap3A_15, %swap3A_16] : memref<4104x64xf32, #tpu.memory_space<vmem>>, vector<8x64xf32>
    tpu.vector_store %arg4[%swap3A_15, %swap3A_16], %broadcast_in_dim3A_14 {strides = array<i32>} : memref<4104x64xf32, #tpu.memory_space<vmem>>, vector<8x64xf32>,
    return
  }
  func.func @transform_0(%arg0: i32) -> (i32, i32, i32) {
    %c0_i32 = arith.constant 0 : i32
    %c0_i32_0 = arith.constant 0 : i32
    %c0_i32_1 = arith.constant 0 : i32
    return %arg0, %c0_i32, %c0_i32_0 : i32, i32, i32
  }
  func.func @transform_1(%arg0: i32) -> (i32, i32) {
    %c0_i32 = arith.constant 0 : i32
    %c0_i32_0 = arith.constant 0 : i32
    %c0_i32_1 = arith.constant 0 : i32
    return %c0_i32, %c0_i32_0 : i32, i32
  }
  func.func @transform_2(%arg0: i32) -> (i32, i32) {
    %c0_i32 = arith.constant 0 : i32
    %c0_i32_0 = arith.constant 0 : i32
    %c0_i32_1 = arith.constant 0 : i32
    return %c0_i32, %c0_i32_0 : i32, i32
  }
  func.func @transform_3(%arg0: i32) -> (i32, i32) {
    %c0_i32 = arith.constant 0 : i32
    %c0_i32_0 = arith.constant 0 : i32
    return %arg0, %c0_i32 : i32, i32
  }
}

</mosaic_0001>

<sc_bundles>
// kernel: kernel.4.cloned.1.call-start
scs
__scs_entry_jumppad:
0x0: {  	(pc) =	sbr.rel $0x88, $3  }
0x1: {  	(tag) =	ssettag $0x0;
	lr =	simm.s32 $0x1  }
0x2: {  	[smem:$0x3F9A] =	sst lr;
	_ =	strace $0xD0000000  }
0x3: {  	_ = 	snop  }
0x4: {  	_ = 	snop  }
0x5: {  	_ = 	snop  }
0x6: {  	_ = 	snop  }
0x7: {  	_ = 	snop  }
__scs_overlays_trampoline_lowered:
0x8: {  	[smem:$0x3FA9] =	sst s0  }
0x9: {  	[smem:$0x3FAA] =	sst s1  }
0xa: {  	[smem:$0x3FAB] =	sst s2  }
0xb: {  	[smem:$0x3FAC] =	sst s3  }
0xc: {  	[smem:$0x3FAD] =	sst s4  }
0xd: {  	[smem:$0x3FAE] =	sst s5  }
0xe: {  	[smem:$0x3FAF] =	sst s6  }
0xf: {  	[smem:$0x3FB0] =	sst s7  }
0x10: {  	[smem:$0x3FB1] =	sst s8  }
0x11: {  	[smem:$0x3FB2] =	sst s9;
	s0 =	simm.s32 @!p0 $0x0  }
0x12: {  	s1 =	sld [smem:$0x3F98];
	s0 =	simm.s32 @p0 $0x1  }
0x13: {  	[smem:$0x3FB3] =	sst s0;
	s0 =	simm.s32 @!p1 $0x0  }
0x14: {  	s2 =	sld [smem:$0x3F97];
	s0 =	simm.s32 @p1 $0x1  }
0x15: {  	[smem:$0x3FB4] =	sst s0;
	s0 =	simm.s32 @!p2 $0x0  }
0x16: {  	s3 =	sld [smem:$0x3FDB];
	s0 =	simm.s32 @p2 $0x1  }
0x17: {  	s4 =	simm.s32 $0x1BF5;
	[smem:$0x3FB6] =	sst s0  }
0x18: {  	s0 =	sld [smem:$0x3F99];
	_ =	swait.ge [sflag:s4], $0x0  }
0x19: {  	s7 =	sld [smem:$0x3F9A]  }
0x1a: {  	s8 =	sadd.s32 $0xFFFFE003, lr  }
0x1b: {  	s9 =	sadd.s32 $0xFFFFFEF7, lr;
	s5 =	simm.s32 $0xFFFFFFFF;
	p2 =	slt.u32 s8, $0xFFFFF086  }
0x1c: {  	p1 =	slt.u32 s9, $0xF7A;
	s5 =	simm.s32 @!p2 $0x0  }
0x1d: {  	s5 =	simm.s32 @p1 $0x1;
	p0 =	seq.s32 s7, s2  }
0x1e: {  	s7 =	smul.u32 @!p0 $0xF7A, s2;
	p2 =	seq.s32 @!p0 s5, $0x0  }
0x1f: {  	s9 =	smul.u32 $0xF7A, s1;
	s8 =	simm.s32 @!p0 $0x1BF5;
	p2 =	por !p2, p0  }
0x20: {  	[sflag:s8] =	ssyncset.s32 @!p0 $0xFFFFF086;
	s6 =	sadd.s32 @!p0 s3, s7;
	s7 =	simm.s32 @!p0 $0x108  }
0x21: {  	s3 =	sadd.s32 s3, s9;
	s6 =	sadd.s32 @!p0 $0x88, s6;
	s7 =	simm.s32 @p2 $0x1082  }
0x22: {  	[simem:s7], [sflag:s8] =	dma.local @!p0 [hbm:s6], $0xF7A  }
0x23: {  	s9 =	sor.u32 $0xD0000000, s2;
	s6 =	simm.s32 $0x108;
	_ =	swait.ge @!p0 [sflag:s8], $0x0  }
0x24: {  	s3 =	sadd.s32 $0x88, s3;
	s6 =	simm.s32 @!p1 $0x1082;
	[sflag:s4] =	ssyncset.s32 $0xFFFFF086  }
0x25: {  	[simem:s6], [sflag:s4] =	dma.local [hbm:s3], $0xF7A  }
0x26: {  	[smem:$0x3F9A] =	sst s1;
	(tag) =	ssettag s2;
	_ =	strace s9  }
0x27: {  	s1 =	sld [smem:$0x3FAA]  }
0x28: {  	s2 =	sld [smem:$0x3FAB]  }
0x29: {  	s4 =	sld [smem:$0x3FAD]  }
0x2a: {  	p0 =	seq.s32 s5, $0x0;
	s5 =	sld [smem:$0x3FAE]  }
0x2b: {  	s6 =	sld [smem:$0x3FAF]  }
0x2c: {  	s7 =	sld [smem:$0x3FB0]  }
0x2d: {  	s3 =	simm.s32 $0x108;
	s8 =	sld [smem:$0x3FB1]  }
0x2e: {  	s3 =	simm.s32 @!p0 $0x1082;
	s9 =	sld [smem:$0x3FB2]  }
0x2f: {  	lr =	sadd.s32 s0, s3;
	s0 =	sld [smem:$0x3FA9]  }
0x30: {  	s3 =	sld [smem:$0x3FAC]  }
0x31: {  	[smem:$0x3FB5] =	sst s10  }
0x32: {  	s10 =	sld [smem:$0x3FB3];
	_ =	sdelay $0x3  }
0x33: {  	p0 =	seq.s32 s10, $0x1;
	s10 =	sld [smem:$0x3FB5];
	_ =	sdelay $0x3  }
0x34: {  	[smem:$0x3FB5] =	sst s10  }
0x35: {  	s10 =	sld [smem:$0x3FB4];
	_ =	sdelay $0x3  }
0x36: {  	p1 =	seq.s32 s10, $0x1;
	s10 =	sld [smem:$0x3FB5];
	_ =	sdelay $0x3  }
0x37: {  	[smem:$0x3FB5] =	sst s10  }
0x38: {  	s10 =	sld [smem:$0x3FB6]  }
0x39: {  	_ = 	snop;
	(pc) =	sbr.ind lr, $3  }
0x3a: {  	_ = 	snop  }
0x3b: {  	_ = 	snop  }
0x3c: {  	p2 =	seq.s32 s10, $0x1;
	s10 =	sld [smem:$0x3FB5]  }
0x3d: {  	_ =	shalt  }
0x3e: {  	_ =	shalt  }
0x3f: {  	_ =	shalt  }
0x40: {  	_ =	shalt  }
0x41: {  	_ =	shalt  }
0x42: {  	_ =	shalt  }
0x43: {  	_ =	shalt  }
0x44: {  	_ =	shalt  }
0x45: {  	_ =	shalt  }
0x46: {  	_ =	shalt  }
0x47: {  	_ =	shalt  }
0x48: {  	_ =	shalt  }
0x49: {  	_ =	shalt  }
0x4a: {  	_ =	shalt  }
0x4b: {  	_ =	shalt  }
0x4c: {  	_ =	shalt  }
0x4d: {  	_ =	shalt  }
0x4e: {  	_ =	shalt  }
0x4f: {  	_ =	shalt  }
0x50: {  	_ =	shalt  }
0x51: {  	_ =	shalt  }
0x52: {  	_ =	shalt  }
0x53: {  	_ =	shalt  }
0x54: {  	_ =	shalt  }
0x55: {  	_ =	shalt  }
0x56: {  	_ =	shalt  }
0x57: {  	_ =	shalt  }
0x58: {  	_ =	shalt  }
0x59: {  	_ =	shalt  }
0x5a: {  	_ =	shalt  }
0x5b: {  	_ =	shalt  }
0x5c: {  	_ =	shalt  }
0x5d: {  	_ =	shalt  }
0x5e: {  	_ =	shalt  }
0x5f: {  	_ =	shalt  }
0x60: {  	_ =	shalt  }
0x61: {  	_ =	shalt  }
0x62: {  	_ =	shalt  }
0x63: {  	_ =	shalt  }
0x64: {  	_ =	shalt  }
0x65: {  	_ =	shalt  }
0x66: {  	_ =	shalt  }
0x67: {  	_ =	shalt  }
0x68: {  	_ =	shalt  }
0x69: {  	_ =	shalt  }
0x6a: {  	_ =	shalt  }
0x6b: {  	_ =	shalt  }
0x6c: {  	_ =	shalt  }
0x6d: {  	_ =	shalt  }
0x6e: {  	_ =	shalt  }
0x6f: {  	_ =	shalt  }
0x70: {  	_ =	shalt  }
0x71: {  	_ =	shalt  }
0x72: {  	_ =	shalt  }
0x73: {  	_ =	shalt  }
0x74: {  	_ =	shalt  }
0x75: {  	_ =	shalt  }
0x76: {  	_ =	shalt  }
0x77: {  	_ =	shalt  }
0x78: {  	_ =	shalt  }
0x79: {  	_ =	shalt  }
0x7a: {  	_ =	shalt  }
0x7b: {  	_ =	shalt  }
0x7c: {  	_ =	shalt  }
0x7d: {  	_ =	shalt  }
0x7e: {  	_ =	shalt  }
0x7f: {  	_ =	shalt  }
0x80: {  	_ =	shalt  }
0x81: {  	_ =	shalt  }
0x82: {  	_ =	shalt  }
0x83: {  	_ =	shalt  }
0x84: {  	_ =	shalt  }
0x85: {  	_ =	shalt  }
0x86: {  	_ =	shalt  }
0x87: {  	_ =	shalt  }
.Lfunc_end0:
.L_simem_size_0:
called_computation_lowered:
.L_overlay_start_0:
0x88: {  	s2 =	sld [smem:$0x3FD9]  }
0x89: {  	s3 =	sld [smem:$0x3FFE];
	_ =	sdelay $0x1  }
0x8a: {  	s1 =	srdreg.scid  }
0x8b: {  	s0 =	sand.u32 $0x1, s1  }
0x8c: {  	s14 =	sshll.u32 s0, $0xA;
	s2 =	sadd.s32 s3, s2  }
0x8d: {  	s2 =	sadd.s32 s2, s14  }
0x8e: {  	[smem:$0x3FC1] =	sst s2  }
0x8f: {  	_ = 	snop  }
0x90: {  	s2 =	sld [smem:$0x3FD0];
	_ =	sdelay $0x2  }
0x91: {  	s15 =	simm.s32 $0xA;
	s4 =	simm.s32 $0x10  }
0x92: {  	[smem:s4], [sflag:s15] =	dma.local [hbm:s2], $0x1  }
0x93: {  	_ =	swait.eq [sflag:s15], $0x1  }
0x94: {  	[sflag:s15] =	ssyncset.done $0x0  }
0x95: {  	s16 =	sld [smem:$0x10];
	[sflag:s15] =	ssyncadd.s32 $0xFFFFFFFF  }
0x96: {  	s17 =	sld [smem:$0x11];
	(tm) =	ssettm $0x1  }
0x97: {  	s18 =	sld [smem:$0x3FFB];
	_ =	sdelay $0x3  }
0x98: {  	_ =	strace s18  }
0x99: {  	s4 =	sld [smem:$0x3FFC];
	_ =	sdelay $0x3  }
0x9a: {  	_ =	strace s4  }
0x9b: {  	s4 =	sld [smem:$0x3FFD];
	_ =	sdelay $0x3  }
0x9c: {  	_ =	strace s4  }
0x9d: {  	_ =	strace $0x8FFFFFFF  }
0x9e: {  	s19 =	sld [smem:$0x3FDB];
	_ =	sdelay $0x1  }
0x9f: {  	s5 =	simm.s32 $_scs_section_size  }
0xa0: {  	s6 =	simm.s32 $_size__tile_overlayer_lowered;
	s7 =	simm.s32 $_tile_overlayer_lowered  }
0xa1: {  	s22 =	simm.s32 $0x1BFF;
	s21 =	sshll.u32 s7, $0x1;
	s4 =	sadd.s32 s5, s19  }
0xa2: {  	s8 =	simm.s32 $0x0;
	s20 =	sshll.u32 s6, $0x1;
	s6 =	sadd.s32 s21, s4  }
0xa3: {  	[timem:s8], [sflag:s22] =	dma.local [hbm:s6], s20  }
0xa4: {  	_ =	swait.ge [sflag:s22], s20  }
0xa5: {  	s5 =	ssub.s32 $0x0, s20;
	[sflag:s22] =	ssyncset.done $0x0  }
0xa6: {  	[sflag:s22] =	ssyncadd.s32 s5;
	_ =	sdelay $0x1  }
0xa7: {  	s23 =	simm.s32 $0x1B8B  }
0xa8: {  	_ =	swait.ge [sflag:s23], $0x1  }
0xa9: {  	[sflag:s23] =	ssyncset.done $0x0  }
0xaa: {  	s25 =	simm.s32 $0x1B8E;
	s24 =	sld [smem:$0x3FFE];
	[sflag:s23] =	ssyncadd.s32 $0xFFFFFFFF  }
0xab: {  	s26 =	simm.s32 $execute0_lowered;
	[smem:$0x3FD2] =	sst s25  }
0xac: {  	s6 =	sshll.u32 s26, $0x1;
	_ =	strace $0x80000046;
	[dreg:$0x1] =	wrdreg $0xFFFFFFFF  }
0xad: {  	s28 =	simm.s32 $_size_execute0_lowered;
	s4 =	sadd.s32 s4, s6;
	[dreg:$0x0] =	wrdreg $0x0  }
0xae: {  	s6 =	sshll.u32 s28, $0x1;
	[dreg:$0x2] =	wrdreg s4  }
0xaf: {  	[dreg:$0x3] =	wrdreg s6  }
0xb0: {  	[dreg:$0x4] =	wrdreg $0xC0  }
0xb1: {  	_ =	task [dreg:s8], $0x5FFFF  }
0xb2: {  	[dreg:$0x1] =	wrdreg $0xFFFFFFFF  }
0xb3: {  	[dreg:$0x0] =	wrdreg $0x60  }
0xb4: {  	[dreg:$0x2] =	wrdreg s24  }
0xb5: {  	[dreg:$0x3] =	wrdreg s16  }
0xb6: {  	[dreg:$0x4] =	wrdreg s17  }
0xb7: {  	[dreg:$0x5] =	wrdreg $0x9  }
0xb8: {  	_ =	task.clear_ibuf [dreg:s8], $0x6FFFF;
	_ =	strace $0x90000046  }
0xb9: {  	s29 =	simm.s32 $0x9;
	_ =	strace $0x80000048  }
0xba: {  	_ =	swait.ge [sflag:s29], $0x1  }
0xbb: {  	[sflag:s29] =	ssyncadd.s32 $0xFFFFFFFF  }
0xbc: {  	_ =	strace $0x90000048  }
0xbd: {  	_ =	sfence  }
0xbe: {  	s30 =	sld [smem:$0x0];
	_ =	sdelay $0x2  }
0xbf: {  	s31 =	sshll.u32 s1, $0xD;
	s1 =	sshrl.u32 s1, $0x2  }
0xc0: {  	s3 =	sand.u32 $0x4000, s31;
	s1 =	sadd.s32 s1, s30  }
0xc1: {  	s0 =	sor.u32 s3, s0;
	s1 =	sshll.u32 s1, $0x11  }
0xc2: {  	s0 =	sor.u32 s1, s0  }
0xc3: {  	s0 =	sadd.s32 $0x8F2B, s0  }
0xc4: {  	[sflag:s0] =	ssyncadd.remote.s32 $0x1  }
0xc5: {  	_ =	sfence.sel $0xFFFF  }
0xc6: {  	[dreg:$0x0] =	wrdreg $0xFFFFFFFF;
	(pc) =	sbr.abs _section_cstart, $3  }
0xc7: {  	[dreg:$0x1] =	wrdreg $0xFFFFFFFF  }
0xc8: {  	_ =	task.clear_ibuf [dreg:s8], $0x2FFFF;
	_ =	strace $0x9FFFFFFF  }
0xc9: {  	(tm) =	ssettm $0x7FFFFFFF  }
tec
execute0_lowered:
.L_overlay_start_1:
0x0: {  	(tag) =	ssettag $0x1  }
0x1: {  	s5 =	rddreg [dreg:$0x0]  }
0x2: {  	s1 =	rddreg [dreg:$0x1]  }
0x3: {  	s9 =	rddreg [dreg:$0x2]  }
0x4: {  	s3 =	simm.s32 $0x0;
	s0 =	stileid.u32;
	s4 =	srdreg.scid  }
0x5: {  	s15 =	simm.s32 $0x80;
	s16 =	simm.s32 $0x1;
	s17 =	simm.s32 $0x3510  }
0x6: {  	s18 =	simm.s32 $0x2880;
	s19 =	simm.s32 $0x3910;
	s20 =	simm.s32 $0x15910  }
0x7: {  	s21 =	simm.s32 $0x16910;
	s22 =	simm.s32 $0x17910;
	s24 =	simm.s32 $0x0  }
0x8: {  	[smem:$0x7FF] =	sst s3;
	s6 =	sshrl.u32 s0, $0x1;
	s8 =	sand.u32 $0x1, s4  }
0x9: {  	v4 =	vlaneseq.u32;
	v6 =	vimm.s32 $0x1000;
	s10 =	sshll.u32 s0, $0x1;
	s4 =	sadd.s32 $0x1000, s5;
	s28 =	sadd.s32 $0x43200, s5  }
0xa: {  	v7 =	vimm.s32 $0x0;
	v12 =	vimm.f32 $0.0e+00;
	v9 =	vand.u32 $0x3, v4;
	_ =	strace $0x80000047;
	s7 =	sshll.u32 s6, $0x9;
	s10 =	sor.u32 s8, s10  }
0xb: {  	v8 =	vor.u32 $0x10, v4;
	v10 =	vor.u32 $0x20, v4;
	s8 =	ssub.s32 $0x2, s8;
	s12 =	smul.u32 $0x1008, s6;
	[dreg:$0x4] =	wrdreg s28;
	v9 =	vmul.u32 $0x3, v9  }
0xc: {  	v11 =	vor.u32 $0x30, v4;
	v13 =	vshrl.u32 v4, $0x2;
	v0 =	vmov s6;
	s30 =	smul.u32 $0x30000, s6;
	s7 =	sadd.s32 s7, s5;
	s11 =	sand.u32 $0x3, s10  }
0xd: {  	s13 =	sshrl.u32 s8, $0x1;
	v1 =	vor.u32 $0x8, v0;
	s10 =	sshll.u32 s10, $0xB;
	s14 =	sshll.u32 s11, $0x4;
	v3 =	vmov s12;
	v14 =	vadd.s32 $0x1, v9  }
0xe: {  	s13 =	ssub.s32 s8, s13;
	s29 =	sadd.s32 $0x1000, s12;
	s6 =	sadd.s32 $0x42200, s7;
	v15 =	vadd.s32 $0x2, v9;
	v16 =	vadd.s32 $0xC, v9;
	v17 =	vadd.s32 $0xD, v9  }
0xf: {  	s31 =	sshll.u32 s11, $0xE;
	s7 =	sadd.s32 $0x41200, s7;
	s9 =	sadd.s32 s9, s10;
	v18 =	vadd.s32 $0xE, v9;
	v19 =	vadd.s32 $0x18, v9;
	v20 =	vadd.s32 $0x19, v9  }
0x10: {  	s11 =	simm.s32 $0x2;
	s12 =	simm.s32 $0x1000;
	v21 =	vadd.s32 $0x1A, v9;
	v22 =	vadd.s32 $0x24, v9;
	v23 =	vadd.s32 $0x25, v9;
	s8 =	sor.u32 s30, s31  }
0x11: {  	v24 =	vadd.s32 $0x26, v9;
	v2 =	vmov s14;
	v5 =	vmov s29;
	s10 =	smax.u32 s13, $0x1;
	s13 =	simm.s32 $0x2000;
	s14 =	simm.s32 $0x2080  }
.LBB2_1:
0x12: {  	[tilespmem:s3], [sflag:$0x2] =	stream.linear.gather [hbm4b:s6+s3], $0x1000, $0x38;
	[tilespmem:$0x1C920] =	vst v63  }
0x13: {  	_ =	swait.ge [sflag:s11], $0x1000  }
0x14: {  	[sflag:s11] =	ssyncset.done $0x0  }
0x15: {  	[sflag:s11] =	ssyncadd.s32 $0xFFFFF000  }
0x16: {  	[tilespmem:s12], [sflag:$0x2] =	stream.linear.gather [hbm4b:s7+s3], $0x1000, $0x38;
	[tilespmem:$0x1C920] =	vst v63  }
0x17: {  	_ =	swait.ge [sflag:s11], $0x1000  }
0x18: {  	[sflag:s11] =	ssyncset.done $0x0  }
0x19: {  	s0 =	rddreg [dreg:$0x4];
	[sflag:s11] =	ssyncadd.s32 $0xFFFFF000  }
0x1a: {  	[tilespmem:s13], [sflag:$0x2] =	stream.linear.gather [hbm4b:s0+s3], $0x80, $0x38;
	[tilespmem:$0x1C920] =	vst v63  }
0x1b: {  	_ =	swait.ge [sflag:s11], $0x80  }
0x1c: {  	[sflag:s11] =	ssyncset.done $0x0  }
0x1d: {  	[sflag:s11] =	ssyncadd.s32 $0xFFFFFF80  }
0x1e: {  	v26 =	vld.idx.msk [tilespmem:v0+s13+$0x0], $0xffff  }
0x1f: {  	v25 =	vld.idx.msk [tilespmem:v1+s13+$0x0], $0xffff;
	[tilespmem:$0x2080] =	vst v6  }
0x20: {  	[tilespmem:$0x2090] =	vst v6  }
0x21: {  	[tilespmem:$0x20A0] =	vst v6  }
0x22: {  	[tilespmem:$0x20B0] =	vst v6  }
0x23: {  	[tilespmem:$0x20C0] =	vst v6  }
0x24: {  	[tilespmem:$0x20D0] =	vst v6  }
0x25: {  	[tilespmem:$0x20E0] =	vst v6  }
0x26: {  	[tilespmem:$0x20F0] =	vst v6  }
0x27: {  	[tilespmem:$0x2100] =	vst v6  }
0x28: {  	[tilespmem:$0x2110] =	vst v6  }
0x29: {  	[tilespmem:$0x2120] =	vst v6  }
0x2a: {  	[tilespmem:$0x2130] =	vst v6  }
0x2b: {  	[tilespmem:$0x2140] =	vst v6  }
0x2c: {  	[tilespmem:$0x2150] =	vst v6  }
0x2d: {  	[tilespmem:$0x2160] =	vst v6  }
0x2e: {  	[tilespmem:$0x2170] =	vst v6  }
0x2f: {  	[tilespmem:$0x2180] =	vst v6  }
0x30: {  	[tilespmem:$0x2190] =	vst v6  }
0x31: {  	[tilespmem:$0x21A0] =	vst v6  }
0x32: {  	[tilespmem:$0x21B0] =	vst v6  }
0x33: {  	[tilespmem:$0x21C0] =	vst v6  }
0x34: {  	[tilespmem:$0x21D0] =	vst v6  }
0x35: {  	[tilespmem:$0x21E0] =	vst v6  }
0x36: {  	[tilespmem:$0x21F0] =	vst v6  }
0x37: {  	[tilespmem:$0x2200] =	vst v6  }
0x38: {  	[tilespmem:$0x2210] =	vst v6  }
0x39: {  	[tilespmem:$0x2220] =	vst v6  }
0x3a: {  	[tilespmem:$0x2230] =	vst v6  }
0x3b: {  	[tilespmem:$0x2240] =	vst v6  }
0x3c: {  	[tilespmem:$0x2250] =	vst v6  }
0x3d: {  	[tilespmem:$0x2260] =	vst v6  }
0x3e: {  	[tilespmem:$0x2270] =	vst v6  }
0x3f: {  	[tilespmem:$0x2280] =	vst v6  }
0x40: {  	[tilespmem:$0x2290] =	vst v6  }
0x41: {  	[tilespmem:$0x22A0] =	vst v6  }
0x42: {  	[tilespmem:$0x22B0] =	vst v6  }
0x43: {  	[tilespmem:$0x22C0] =	vst v6  }
0x44: {  	[tilespmem:$0x22D0] =	vst v6  }
0x45: {  	[tilespmem:$0x22E0] =	vst v6  }
0x46: {  	[tilespmem:$0x22F0] =	vst v6  }
0x47: {  	[tilespmem:$0x2300] =	vst v6  }
0x48: {  	[tilespmem:$0x2310] =	vst v6  }
0x49: {  	[tilespmem:$0x2320] =	vst v6  }
0x4a: {  	[tilespmem:$0x2330] =	vst v6  }
0x4b: {  	[tilespmem:$0x2340] =	vst v6  }
0x4c: {  	[tilespmem:$0x2350] =	vst v6  }
0x4d: {  	[tilespmem:$0x2360] =	vst v6  }
0x4e: {  	[tilespmem:$0x2370] =	vst v6  }
0x4f: {  	[tilespmem:$0x2380] =	vst v6  }
0x50: {  	[tilespmem:$0x2390] =	vst v6  }
0x51: {  	[tilespmem:$0x23A0] =	vst v6  }
0x52: {  	[tilespmem:$0x23B0] =	vst v6  }
0x53: {  	[tilespmem:$0x23C0] =	vst v6  }
0x54: {  	[tilespmem:$0x23D0] =	vst v6  }
0x55: {  	[tilespmem:$0x23E0] =	vst v6  }
0x56: {  	[tilespmem:$0x23F0] =	vst v6  }
0x57: {  	[tilespmem:$0x2400] =	vst v6  }
0x58: {  	[tilespmem:$0x2410] =	vst v6  }
0x59: {  	[tilespmem:$0x2420] =	vst v6  }
0x5a: {  	[tilespmem:$0x2430] =	vst v6  }
0x5b: {  	[tilespmem:$0x2440] =	vst v6  }
0x5c: {  	[tilespmem:$0x2450] =	vst v6  }
0x5d: {  	[tilespmem:$0x2460] =	vst v6  }
0x5e: {  	[tilespmem:$0x2470] =	vst v6  }
0x5f: {  	[tilespmem:$0x2480] =	vst v6  }
0x60: {  	[tilespmem:$0x2490] =	vst v6  }
0x61: {  	[tilespmem:$0x24A0] =	vst v6  }
0x62: {  	[tilespmem:$0x24B0] =	vst v6  }
0x63: {  	[tilespmem:$0x24C0] =	vst v6  }
0x64: {  	[tilespmem:$0x24D0] =	vst v6  }
0x65: {  	[tilespmem:$0x24E0] =	vst v6  }
0x66: {  	[tilespmem:$0x24F0] =	vst v6  }
0x67: {  	[tilespmem:$0x2500] =	vst v6  }
0x68: {  	[tilespmem:$0x2510] =	vst v6  }
0x69: {  	[tilespmem:$0x2520] =	vst v6  }
0x6a: {  	[tilespmem:$0x2530] =	vst v6  }
0x6b: {  	[tilespmem:$0x2540] =	vst v6  }
0x6c: {  	[tilespmem:$0x2550] =	vst v6  }
0x6d: {  	[tilespmem:$0x2560] =	vst v6  }
0x6e: {  	[tilespmem:$0x2570] =	vst v6  }
0x6f: {  	[tilespmem:$0x2580] =	vst v6  }
0x70: {  	[tilespmem:$0x2590] =	vst v6  }
0x71: {  	[tilespmem:$0x25A0] =	vst v6  }
0x72: {  	[tilespmem:$0x25B0] =	vst v6  }
0x73: {  	[tilespmem:$0x25C0] =	vst v6  }
0x74: {  	[tilespmem:$0x25D0] =	vst v6  }
0x75: {  	[tilespmem:$0x25E0] =	vst v6  }
0x76: {  	[tilespmem:$0x25F0] =	vst v6  }
0x77: {  	[tilespmem:$0x2600] =	vst v6  }
0x78: {  	[tilespmem:$0x2610] =	vst v6  }
0x79: {  	[tilespmem:$0x2620] =	vst v6  }
0x7a: {  	[tilespmem:$0x2630] =	vst v6  }
0x7b: {  	[tilespmem:$0x2640] =	vst v6  }
0x7c: {  	[tilespmem:$0x2650] =	vst v6  }
0x7d: {  	[tilespmem:$0x2660] =	vst v6  }
0x7e: {  	[tilespmem:$0x2670] =	vst v6  }
0x7f: {  	[tilespmem:$0x2680] =	vst v6  }
0x80: {  	[tilespmem:$0x2690] =	vst v6  }
0x81: {  	[tilespmem:$0x26A0] =	vst v6  }
0x82: {  	[tilespmem:$0x26B0] =	vst v6  }
0x83: {  	[tilespmem:$0x26C0] =	vst v6  }
0x84: {  	[tilespmem:$0x26D0] =	vst v6  }
0x85: {  	[tilespmem:$0x26E0] =	vst v6  }
0x86: {  	[tilespmem:$0x26F0] =	vst v6  }
0x87: {  	[tilespmem:$0x2700] =	vst v6  }
0x88: {  	[tilespmem:$0x2710] =	vst v6  }
0x89: {  	[tilespmem:$0x2720] =	vst v6  }
0x8a: {  	[tilespmem:$0x2730] =	vst v6  }
0x8b: {  	[tilespmem:$0x2740] =	vst v6  }
0x8c: {  	[tilespmem:$0x2750] =	vst v6  }
0x8d: {  	[tilespmem:$0x2760] =	vst v6  }
0x8e: {  	[tilespmem:$0x2770] =	vst v6  }
0x8f: {  	[tilespmem:$0x2780] =	vst v6  }
0x90: {  	[tilespmem:$0x2790] =	vst v6  }
0x91: {  	[tilespmem:$0x27A0] =	vst v6  }
0x92: {  	[tilespmem:$0x27B0] =	vst v6  }
0x93: {  	[tilespmem:$0x27C0] =	vst v6  }
0x94: {  	[tilespmem:$0x27D0] =	vst v6  }
0x95: {  	[tilespmem:$0x27E0] =	vst v6  }
0x96: {  	[tilespmem:$0x27F0] =	vst v6  }
0x97: {  	[tilespmem:$0x2800] =	vst v6  }
0x98: {  	[tilespmem:$0x2810] =	vst v6  }
0x99: {  	[tilespmem:$0x2820] =	vst v6  }
0x9a: {  	[tilespmem:$0x2830] =	vst v6  }
0x9b: {  	[tilespmem:$0x2840] =	vst v6  }
0x9c: {  	[tilespmem:$0x2850] =	vst v6  }
0x9d: {  	[tilespmem:$0x2860] =	vst v6  }
0x9e: {  	s25 =	simm.s32 $0x20;
	s26 =	simm.s32 $0x0;
	[tilespmem:$0x2870] =	vst v6;
	v26 =	vadd.s32 v2, v26  }
.LBB2_2:
0x9f: {  	v27 =	vld [tilespmem:s25+$0xFFFFFFE0];
	_ =	sdelay $0x4  }
0xa0: {  	v28 =	vshra.s32 v27, $0x7  }
0xa1: {  	v28 =	vsub.s32 v28, v26  }
0xa2: {  	v27 =	vand.u32 $0x7F, v27;
	v29 =	vshll.u32 v28, $0x7  }
0xa3: {  	vm0 =	vlt.u32 v28, $0x10;
	v27 =	vor.u32 v27, v29  }
0xa4: {  	v27 =	vnsel vm0, $0x0, v27;
	_ =	sdelay $0x3  }
0xa5: {  	v54 =	vor.u32 s26, v4  }
0xa6: {  	[tilespmem:v27+s14+$0x0] =	vst.idx.msk vm0, v54  }
0xa7: {  	v27 =	vld [tilespmem:s25+$0xFFFFFFF0];
	_ =	sdelay $0x4  }
0xa8: {  	v55 =	vshra.s32 v27, $0x7  }
0xa9: {  	v28 =	vsub.s32 v55, v26  }
0xaa: {  	v27 =	vand.u32 $0x7F, v27;
	v56 =	vshll.u32 v28, $0x7  }
0xab: {  	vm13 =	vlt.u32 v28, $0x10;
	v27 =	vor.u32 v27, v56  }
0xac: {  	v27 =	vnsel vm13, $0x0, v27;
	_ =	sdelay $0x2  }
0xad: {  	s28 =	sadd.s32 $0x10, s26  }
0xae: {  	v57 =	vor.u32 s28, v4  }
0xaf: {  	[tilespmem:v27+s14+$0x0] =	vst.idx.msk vm13, v57  }
0xb0: {  	v27 =	vld [tilespmem:s25+$0x0];
	_ =	sdelay $0x4  }
0xb1: {  	v58 =	vshra.s32 v27, $0x7  }
0xb2: {  	v28 =	vsub.s32 v58, v26  }
0xb3: {  	v27 =	vand.u32 $0x7F, v27;
	v59 =	vshll.u32 v28, $0x7  }
0xb4: {  	vm14 =	vlt.u32 v28, $0x10;
	v27 =	vor.u32 v27, v59  }
0xb5: {  	v27 =	vnsel vm14, $0x0, v27;
	_ =	sdelay $0x2  }
0xb6: {  	s30 =	sadd.s32 $0x20, s26  }
0xb7: {  	v60 =	vor.u32 s30, v4  }
0xb8: {  	[tilespmem:v27+s14+$0x0] =	vst.idx.msk vm14, v60  }
0xb9: {  	v27 =	vld [tilespmem:s25+$0x10];
	_ =	sdelay $0x4  }
0xba: {  	v61 =	vshra.s32 v27, $0x7  }
0xbb: {  	v28 =	vsub.s32 v61, v26  }
0xbc: {  	v27 =	vand.u32 $0x7F, v27;
	v62 =	vshll.u32 v28, $0x7  }
0xbd: {  	vm15 =	vlt.u32 v28, $0x10;
	v27 =	vor.u32 v27, v62  }
0xbe: {  	p0 =	seq.s32 s26, $0xFC0;
	v27 =	vnsel vm15, $0x0, v27  }
.Ltmp0:
0xbf: {  	_ = 	snop;
	(pc) =	sbr.rel @!p0 .LBB2_2-.Ltmp0, $4  }
0xc0: {  	_ = 	snop  }
0xc1: {  	s31 =	sadd.s32 $0x30, s26  }
0xc2: {  	v63 =	vor.u32 s31, v4  }
0xc3: {  	s26 =	sadd.s32 $0x40, s26;
	s25 =	sadd.s32 $0x40, s25;
	[tilespmem:v27+s14+$0x0] =	vst.idx.msk vm15, v63  }
0xc4: {  	s28 =	simm.s32 $0x0  }
0xc5: {  	v26 =	vadd.s32 s28, v25  }
0xc6: {  	v27 =	vadd.s32 v4, v26;
	_ =	sdelay $0x4  }
0xc7: {  	v27 =	vld.idx.msk [tilespmem:v27+s14+$0x0], $0xffff;
	_ =	sdelay $0x4  }
0xc8: {  	vm0 =	vlt.s32 v27, $0xFFF  }
0xc9: {  	v28 =	vnsel vm0, $0xFFF, v27;
	_ =	sdelay $0x1  }
0xca: {  	vm9 =	vlt.s32 v27, $0x1000  }
0xcb: {  	v29 =	vsel vm9, $0x1, v7  }
0xcc: {  	(xrf0) =	vadd.scan.msk.s32 $0xffff, v29  }
0xcd: {  	v28 =	vld.idx.msk [tilespmem:v28+s12+$0x0], $0xffff;
	_ =	sdelay $0x3  }
0xce: {  	v29 =	vadd.s32 v8, v26  }
0xcf: {  	s26 =	simm.s32 $0x28A0;
	s29 =	simm.s32 $0xFFFFFFFF;
	v30, _, _ =	vpop (xrf0);
	v28 =	vnsel vm9, $0x0, v28  }
0xd0: {  	v27 =	vadd.s32 v3, v27;
	[tilespmem:s26+$0xFFFFFFE0] =	vst v28;
	v28 =	vadd.s32 s29, v30  }
0xd1: {  	s25 =	simm.s32 $0x3530;
	[tilespmem:s28+$0x2C80] =	vst.msk vm9, v27;
	v27 =	vnsel vm9, $0x400, v28  }
0xd2: {  	(v2sf) =	vpush v30, $0xF;
	[tilespmem:s25+$0xFFFFFFE0] =	vst v27  }
0xd3: {  	v27 =	vld.idx.msk [tilespmem:v29+s14+$0x0], $0xffff;
	_ =	sdelay $0x4  }
0xd4: {  	vm10 =	vlt.s32 v27, $0xFFF  }
0xd5: {  	v28 =	vnsel vm10, $0xFFF, v27;
	_ =	sdelay $0x1  }
0xd6: {  	vm11 =	vlt.s32 v27, $0x1000  }
0xd7: {  	v29 =	vsel vm11, $0x1, v7  }
0xd8: {  	(xrf0) =	vadd.scan.msk.s32 $0xffff, v29  }
0xd9: {  	v28 =	vld.idx.msk [tilespmem:v28+s12+$0x0], $0xffff;
	_ =	sdelay $0x2  }
0xda: {  	s23 =	spop (v2sf)  }
0xdb: {  	v29 =	vadd.s32 v10, v26;
	s28 =	sadd.s32 $0x0, s23  }
0xdc: {  	s29 =	sadd.s32 $0xFFFFFFFF, s28;
	v30, _, _ =	vpop (xrf0);
	v28 =	vnsel vm11, $0x0, v28  }
0xdd: {  	v27 =	vadd.s32 v3, v27;
	[tilespmem:s26+$0xFFFFFFF0] =	vst v28;
	v28 =	vadd.s32 s29, v30  }
0xde: {  	[tilespmem:s28+$0x2C80] =	vst.msk vm11, v27;
	v27 =	vnsel vm11, $0x400, v28  }
0xdf: {  	(v2sf) =	vpush v30, $0xF;
	[tilespmem:s25+$0xFFFFFFF0] =	vst v27  }
0xe0: {  	v27 =	vld.idx.msk [tilespmem:v29+s14+$0x0], $0xffff;
	_ =	sdelay $0x4  }
0xe1: {  	vm12 =	vlt.s32 v27, $0xFFF  }
0xe2: {  	v28 =	vnsel vm12, $0xFFF, v27;
	_ =	sdelay $0x1  }
0xe3: {  	vm13 =	vlt.s32 v27, $0x1000  }
0xe4: {  	v29 =	vsel vm13, $0x1, v7  }
0xe5: {  	(xrf0) =	vadd.scan.msk.s32 $0xffff, v29  }
0xe6: {  	v28 =	vld.idx.msk [tilespmem:v28+s12+$0x0], $0xffff;
	_ =	sdelay $0x2  }
0xe7: {  	s29 =	spop (v2sf)  }
0xe8: {  	v26 =	vadd.s32 v11, v26;
	s28 =	sadd.s32 s28, s29  }
0xe9: {  	s29 =	sadd.s32 $0xFFFFFFFF, s28;
	v29, _, _ =	vpop (xrf0);
	v28 =	vnsel vm13, $0x0, v28  }
0xea: {  	v27 =	vadd.s32 v3, v27;
	[tilespmem:s26+$0x0] =	vst v28;
	v28 =	vadd.s32 s29, v29  }
0xeb: {  	[tilespmem:s28+$0x2C80] =	vst.msk vm13, v27;
	v27 =	vnsel vm13, $0x400, v28  }
0xec: {  	[tilespmem:s25+$0x0] =	vst v27  }
0xed: {  	v27 =	vld.idx.msk [tilespmem:v26+s14+$0x0], $0xffff;
	_ =	sdelay $0x1  }
0xee: {  	(v2sf) =	vpush v29, $0xF;
	_ =	sdelay $0x2  }
0xef: {  	vm14 =	vlt.s32 v27, $0x1000  }
0xf0: {  	v26 =	vsel vm14, $0x1, v7  }
0xf1: {  	(xrf0) =	vadd.scan.msk.s32 $0xffff, v26  }
0xf2: {  	vm1 =	vlt.s32 v27, $0xFFF  }
0xf3: {  	v26 =	vnsel vm1, $0xFFF, v27;
	_ =	sdelay $0x3  }
0xf4: {  	v28, _, _ =	vpop (xrf0)  }
0xf5: {  	v29 =	vld.idx.msk [tilespmem:v26+s12+$0x0], $0xffff;
	(v2sf) =	vpush v28, $0xF;
	_ =	sdelay $0x1  }
0xf6: {  	s29 =	simm.s32 $0x80  }
0xf7: {  	s30 =	spop (v2sf);
	v26 =	vadd.s32 s29, v25  }
0xf8: {  	s30 =	sadd.s32 s28, s30;
	v30 =	vadd.s32 v4, v26  }
0xf9: {  	s28 =	sadd.s32 $0xFFFFFFFF, s30;
	v29 =	vnsel vm14, $0x0, v29  }
0xfa: {  	v27 =	vadd.s32 v3, v27;
	v28 =	vadd.s32 s28, v28;
	[tilespmem:s26+$0x10] =	vst v29  }
0xfb: {  	v28 =	vnsel vm14, $0x400, v28;
	[tilespmem:s30+$0x2C80] =	vst.msk vm14, v27  }
0xfc: {  	[tilespmem:s25+$0x10] =	vst v28  }
0xfd: {  	v27 =	vld.idx.msk [tilespmem:v30+s14+$0x0], $0xffff;
	_ =	sdelay $0x4  }
0xfe: {  	vm15 =	vlt.s32 v27, $0xFFF  }
0xff: {  	s31 =	simm.s32 $0x100;
	s26 =	simm.s32 $0x28E0;
	v28 =	vnsel vm15, $0xFFF, v27;
	s29 =	spop (v2sf)  }
.LBB2_4:
0x100: {  	s30 =	sadd.s32 s30, s29  }
0x101: {  	s25 =	sadd.s32 $0x40, s25;
	s29 =	smov.u32 s31;
	s28 =	sadd.s32 $0x80, s31  }
0x102: {  	p0 =	seq.s32 s31, $0x780;
	vm0 =	vlt.s32 v27, $0x1000  }
0x103: {  	v29 =	vsel vm0, $0x1, v7  }
0x104: {  	v28 =	vld.idx.msk [tilespmem:v28+s12+$0x0], $0xffff;
	(xrf0) =	vadd.scan.msk.s32 $0xffff, v29;
	_ =	sdelay $0x4  }
0x105: {  	v29 =	vadd.s32 v8, v26  }
0x106: {  	s31 =	sadd.s32 $0xFFFFFFFF, s30;
	v28 =	vnsel vm0, $0x0, v28;
	v30, _, _ =	vpop (xrf0)  }
0x107: {  	v27 =	vadd.s32 v3, v27;
	[tilespmem:s26+$0xFFFFFFE0] =	vst v28;
	v28 =	vadd.s32 s31, v30;
	(v2sf) =	vpush v30, $0xF  }
0x108: {  	[tilespmem:s30+$0x2C80] =	vst.msk vm0, v27;
	v27 =	vnsel vm0, $0x400, v28  }
0x109: {  	[tilespmem:s25+$0xFFFFFFE0] =	vst v27  }
0x10a: {  	v27 =	vld.idx.msk [tilespmem:v29+s14+$0x0], $0xffff;
	_ =	sdelay $0x5  }
0x10b: {  	vm0 =	vlt.s32 v27, $0xFFF  }
0x10c: {  	v28 =	vnsel vm0, $0xFFF, v27;
	_ =	sdelay $0x2  }
0x10d: {  	vm0 =	vlt.s32 v27, $0x1000  }
0x10e: {  	v29 =	vsel vm0, $0x1, v7  }
0x10f: {  	v28 =	vld.idx.msk [tilespmem:v28+s12+$0x0], $0xffff;
	s31 =	spop (v2sf);
	(xrf0) =	vadd.scan.msk.s32 $0xffff, v29;
	_ =	sdelay $0x4  }
0x110: {  	v29 =	vadd.s32 v10, v26;
	s30 =	sadd.s32 s30, s31  }
0x111: {  	s31 =	sadd.s32 $0xFFFFFFFF, s30;
	v28 =	vnsel vm0, $0x0, v28;
	v30, _, _ =	vpop (xrf0)  }
0x112: {  	v27 =	vadd.s32 v3, v27;
	[tilespmem:s26+$0xFFFFFFF0] =	vst v28;
	v28 =	vadd.s32 s31, v30;
	(v2sf) =	vpush v30, $0xF  }
0x113: {  	[tilespmem:s30+$0x2C80] =	vst.msk vm0, v27;
	v27 =	vnsel vm0, $0x400, v28  }
0x114: {  	[tilespmem:s25+$0xFFFFFFF0] =	vst v27  }
0x115: {  	v27 =	vld.idx.msk [tilespmem:v29+s14+$0x0], $0xffff;
	_ =	sdelay $0x5  }
0x116: {  	vm0 =	vlt.s32 v27, $0xFFF  }
0x117: {  	v28 =	vnsel vm0, $0xFFF, v27;
	_ =	sdelay $0x2  }
0x118: {  	vm0 =	vlt.s32 v27, $0x1000  }
0x119: {  	v29 =	vsel vm0, $0x1, v7  }
0x11a: {  	v28 =	vld.idx.msk [tilespmem:v28+s12+$0x0], $0xffff;
	s31 =	spop (v2sf);
	(xrf0) =	vadd.scan.msk.s32 $0xffff, v29;
	_ =	sdelay $0x4  }
0x11b: {  	v26 =	vadd.s32 v11, v26;
	s30 =	sadd.s32 s30, s31  }
0x11c: {  	s31 =	sadd.s32 $0xFFFFFFFF, s30;
	v28 =	vnsel vm0, $0x0, v28;
	v29, _, _ =	vpop (xrf0)  }
0x11d: {  	v27 =	vadd.s32 v3, v27;
	[tilespmem:s26+$0x0] =	vst v28;
	v28 =	vadd.s32 s31, v29;
	(v2sf) =	vpush v29, $0xF  }
0x11e: {  	[tilespmem:s30+$0x2C80] =	vst.msk vm0, v27;
	v27 =	vnsel vm0, $0x400, v28  }
0x11f: {  	[tilespmem:s25+$0x0] =	vst v27  }
0x120: {  	v27 =	vld.idx.msk [tilespmem:v26+s14+$0x0], $0xffff;
	_ =	sdelay $0x5  }
0x121: {  	vm0 =	vlt.s32 v27, $0xFFF;
	vm1 =	vlt.s32 v27, $0x1000  }
0x122: {  	v26 =	vnsel vm0, $0xFFF, v27;
	v28 =	vsel vm1, $0x1, v7  }
0x123: {  	(xrf0) =	vadd.scan.msk.s32 $0xffff, v28;
	_ =	sdelay $0x3  }
0x124: {  	v28 =	vld.idx.msk [tilespmem:v26+s12+$0x0], $0xffff;
	s31 =	spop (v2sf)  }
0x125: {  	s30 =	sadd.s32 s30, s31  }
0x126: {  	s31 =	sadd.s32 $0xFFFFFFFF, s30;
	v26, _, _ =	vpop (xrf0)  }
0x127: {  	v29 =	vadd.s32 s31, v26;
	(v2sf) =	vpush v26, $0xF  }
0x128: {  	v26 =	vadd.s32 s29, v25;
	v29 =	vnsel vm1, $0x400, v29  }
0x129: {  	v30 =	vadd.s32 v4, v26  }
0x12a: {  	v28 =	vnsel vm1, $0x0, v28  }
0x12b: {  	v27 =	vadd.s32 v3, v27;
	[tilespmem:s26+$0x10] =	vst v28  }
0x12c: {  	[tilespmem:s30+$0x2C80] =	vst.msk vm1, v27  }
0x12d: {  	[tilespmem:s25+$0x10] =	vst v29  }
0x12e: {  	v27 =	vld.idx.msk [tilespmem:v30+s14+$0x0], $0xffff;
	_ =	sdelay $0x3  }
.Ltmp1:
0x12f: {  	(pc) =	sbr.rel @!p0 .LBB2_4-.Ltmp1, $4  }
0x130: {  	_ = 	snop  }
0x131: {  	vm0 =	vlt.s32 v27, $0xFFF  }
0x132: {  	v28 =	vnsel vm0, $0xFFF, v27  }
0x133: {  	s31 =	smov.u32 s28;
	s26 =	sadd.s32 $0x40, s26;
	s29 =	spop (v2sf)  }
0x134: {  	_ = 	snop  }
0x135: {  	vm0 =	vlt.s32 v27, $0x1000  }
0x136: {  	v25 =	vsel vm0, $0x1, v7  }
0x137: {  	(xrf0) =	vadd.scan.msk.s32 $0xffff, v25  }
0x138: {  	v25 =	vld.idx.msk [tilespmem:v28+s12+$0x0], $0xffff;
	_ =	sdelay $0x3  }
0x139: {  	s28 =	sadd.s32 s30, s29;
	v34 =	vadd.s32 v8, v26  }
0x13a: {  	s29 =	sadd.s32 $0xFFFFFFFF, s28;
	v25 =	vnsel vm0, $0x0, v25;
	v29, _, _ =	vpop (xrf0)  }
0x13b: {  	[tilespmem:s26+$0xFFFFFFE0] =	vst v25;
	v25 =	vadd.s32 v3, v27;
	v27 =	vadd.s32 s29, v29  }
0x13c: {  	s25 =	sadd.s32 $0x40, s25;
	[tilespmem:s28+$0x2C80] =	vst.msk vm0, v25;
	v25 =	vnsel vm0, $0x400, v27  }
0x13d: {  	(v2sf) =	vpush v29, $0xF;
	[tilespmem:s25+$0xFFFFFFE0] =	vst v25  }
0x13e: {  	v25 =	vld.idx.msk [tilespmem:v34+s14+$0x0], $0xffff;
	_ =	sdelay $0x4  }
0x13f: {  	vm11 =	vlt.s32 v25, $0xFFF  }
0x140: {  	v27 =	vnsel vm11, $0xFFF, v25;
	_ =	sdelay $0x1  }
0x141: {  	vm12 =	vlt.s32 v25, $0x1000  }
0x142: {  	v35 =	vsel vm12, $0x1, v7  }
0x143: {  	(xrf0) =	vadd.scan.msk.s32 $0xffff, v35  }
0x144: {  	v27 =	vld.idx.msk [tilespmem:v27+s12+$0x0], $0xffff;
	_ =	sdelay $0x2  }
0x145: {  	s2 =	spop (v2sf)  }
0x146: {  	v36 =	vadd.s32 v10, v26;
	s28 =	sadd.s32 s28, s2  }
0x147: {  	v37, _, _ =	vpop (xrf0);
	s29 =	sadd.s32 $0xFFFFFFFF, s28;
	v27 =	vnsel vm12, $0x0, v27  }
0x148: {  	v25 =	vadd.s32 v3, v25;
	[tilespmem:s26+$0xFFFFFFF0] =	vst v27;
	v27 =	vadd.s32 s29, v37  }
0x149: {  	[tilespmem:s28+$0x2C80] =	vst.msk vm12, v25;
	v25 =	vnsel vm12, $0x400, v27  }
0x14a: {  	(v2sf) =	vpush v37, $0xF;
	[tilespmem:s25+$0xFFFFFFF0] =	vst v25  }
0x14b: {  	v25 =	vld.idx.msk [tilespmem:v36+s14+$0x0], $0xffff;
	_ =	sdelay $0x4  }
0x14c: {  	vm13 =	vlt.s32 v25, $0xFFF  }
0x14d: {  	v27 =	vnsel vm13, $0xFFF, v25;
	_ =	sdelay $0x1  }
0x14e: {  	vm14 =	vlt.s32 v25, $0x1000  }
0x14f: {  	v38 =	vsel vm14, $0x1, v7  }
0x150: {  	(xrf0) =	vadd.scan.msk.s32 $0xffff, v38  }
0x151: {  	v27 =	vld.idx.msk [tilespmem:v27+s12+$0x0], $0xffff;
	_ =	sdelay $0x2  }
0x152: {  	s5 =	spop (v2sf)  }
0x153: {  	v26 =	vadd.s32 v11, v26;
	s28 =	sadd.s32 s28, s5  }
0x154: {  	s29 =	sadd.s32 $0xFFFFFFFF, s28;
	v28, _, _ =	vpop (xrf0);
	v27 =	vnsel vm14, $0x0, v27  }
0x155: {  	v25 =	vadd.s32 v3, v25;
	[tilespmem:s26+$0x0] =	vst v27;
	v27 =	vadd.s32 s29, v28  }
0x156: {  	[tilespmem:s28+$0x2C80] =	vst.msk vm14, v25;
	v25 =	vnsel vm14, $0x400, v27  }
0x157: {  	[tilespmem:s25+$0x0] =	vst v25  }
0x158: {  	v25 =	vld.idx.msk [tilespmem:v26+s14+$0x0], $0xffff;
	_ =	sdelay $0x4  }
0x159: {  	vm15 =	vlt.s32 v25, $0x1000  }
0x15a: {  	v26 =	vsel vm15, $0x1, v7  }
0x15b: {  	(xrf0) =	vadd.scan.msk.s32 $0xffff, v26;
	_ =	sdelay $0x2  }
0x15c: {  	(v2sf) =	vpush v28, $0xF;
	_ =	sdelay $0x2  }
0x15d: {  	v26, _, _ =	vpop (xrf0)  }
0x15e: {  	(v2sf) =	vpush v26, $0xF;
	_ =	sdelay $0x1  }
0x15f: {  	vm1 =	vlt.s32 v25, $0xFFF  }
0x160: {  	v27 =	vnsel vm1, $0xFFF, v25;
	_ =	sdelay $0x4  }
0x161: {  	v27 =	vld.idx.msk [tilespmem:v27+s12+$0x0], $0xffff;
	_ =	sdelay $0x2  }
0x162: {  	s23 =	spop (v2sf)  }
0x163: {  	s28 =	sadd.s32 s28, s23  }
0x164: {  	s29 =	sadd.s32 $0xFFFFFFFF, s28;
	v27 =	vnsel vm15, $0x0, v27  }
0x165: {  	v25 =	vadd.s32 v3, v25;
	v26 =	vadd.s32 s29, v26;
	[tilespmem:s26+$0x10] =	vst v27  }
0x166: {  	v26 =	vnsel vm15, $0x400, v26;
	[tilespmem:s28+$0x2C80] =	vst.msk vm15, v25;
	s30 =	spop (v2sf)  }
0x167: {  	[tilespmem:s25+$0x10] =	vst v26;
	s31 =	sadd.s32 s28, s30  }
0x168: {  	[tilespmem:s31+$0x2C80] =	vst v5  }
0x169: {  	[tilespmem:s31+$0x2C90] =	vst v5  }
0x16a: {  	[tilespmem:s31+$0x2CA0] =	vst v5  }
0x16b: {  	[tilespmem:s31+$0x2CB0] =	vst v5  }
0x16c: {  	[tilespmem:s31+$0x2CC0] =	vst v5  }
0x16d: {  	[tilespmem:s31+$0x2CD0] =	vst v5  }
0x16e: {  	[tilespmem:s31+$0x2CE0] =	vst v5  }
0x16f: {  	[tilespmem:s31+$0x2CF0] =	vst v5  }
0x170: {  	v25 =	vld [tilespmem:$0x2C80]  }
0x171: {  	v26 =	vld [tilespmem:$0x2C90];
	[tilespmem:$0x13910] =	vst v12  }
0x172: {  	v27 =	vld [tilespmem:$0x2CA0];
	[tilespmem:$0x13920] =	vst v12  }
0x173: {  	v39 =	vld [tilespmem:$0x2CB0];
	[tilespmem:$0x13930] =	vst v12  }
0x174: {  	v40 =	vld [tilespmem:$0x2CC0];
	[tilespmem:$0x13940] =	vst v12  }
0x175: {  	v41 =	vld [tilespmem:$0x2D00];
	[tilespmem:$0x3110] =	vst v25  }
0x176: {  	v25 =	vld [tilespmem:$0x2CD0];
	[tilespmem:$0x3120] =	vst v26  }
0x177: {  	v26 =	vld [tilespmem:$0x2CE0];
	[tilespmem:$0x3130] =	vst v27  }
0x178: {  	v27 =	vld [tilespmem:$0x2CF0];
	[tilespmem:$0x3140] =	vst v39  }
0x179: {  	v42 =	vld [tilespmem:$0x2D10];
	[tilespmem:$0x3150] =	vst v40  }
0x17a: {  	v43 =	vld [tilespmem:$0x2D50];
	[tilespmem:$0x3190] =	vst v41  }
0x17b: {  	[tilespmem:$0x3160] =	vst v25;
	v25 =	vld [tilespmem:$0x2D20]  }
0x17c: {  	[tilespmem:$0x3170] =	vst v26;
	v26 =	vld [tilespmem:$0x2D30]  }
0x17d: {  	[tilespmem:$0x3180] =	vst v27;
	v27 =	vld [tilespmem:$0x2D40]  }
0x17e: {  	v44 =	vld [tilespmem:$0x2D60];
	[tilespmem:$0x31A0] =	vst v42  }
0x17f: {  	v45 =	vld [tilespmem:$0x2DA0];
	[tilespmem:$0x31E0] =	vst v43  }
0x180: {  	[tilespmem:$0x31B0] =	vst v25;
	v25 =	vld [tilespmem:$0x2D70]  }
0x181: {  	[tilespmem:$0x31C0] =	vst v26;
	v26 =	vld [tilespmem:$0x2D80]  }
0x182: {  	[tilespmem:$0x31D0] =	vst v27;
	v27 =	vld [tilespmem:$0x2D90]  }
0x183: {  	v46 =	vld [tilespmem:$0x2DB0];
	[tilespmem:$0x31F0] =	vst v44  }
0x184: {  	v47 =	vld [tilespmem:$0x2DF0];
	[tilespmem:$0x3230] =	vst v45  }
0x185: {  	[tilespmem:$0x3200] =	vst v25;
	v25 =	vld [tilespmem:$0x2DC0]  }
0x186: {  	[tilespmem:$0x3210] =	vst v26;
	v26 =	vld [tilespmem:$0x2DD0]  }
0x187: {  	[tilespmem:$0x3220] =	vst v27;
	v27 =	vld [tilespmem:$0x2DE0]  }
0x188: {  	v48 =	vld [tilespmem:$0x2E00];
	[tilespmem:$0x3240] =	vst v46  }
0x189: {  	v49 =	vld [tilespmem:$0x2E40];
	[tilespmem:$0x3280] =	vst v47  }
0x18a: {  	[tilespmem:$0x3250] =	vst v25;
	v25 =	vld [tilespmem:$0x2E10]  }
0x18b: {  	[tilespmem:$0x3260] =	vst v26;
	v26 =	vld [tilespmem:$0x2E20]  }
0x18c: {  	[tilespmem:$0x3270] =	vst v27;
	v27 =	vld [tilespmem:$0x2E30]  }
0x18d: {  	v50 =	vld [tilespmem:$0x2E50];
	[tilespmem:$0x3290] =	vst v48  }
0x18e: {  	v51 =	vld [tilespmem:$0x2E90];
	[tilespmem:$0x32D0] =	vst v49  }
0x18f: {  	[tilespmem:$0x32A0] =	vst v25;
	v25 =	vld [tilespmem:$0x2E60]  }
0x190: {  	[tilespmem:$0x32B0] =	vst v26;
	v26 =	vld [tilespmem:$0x2E70]  }
0x191: {  	[tilespmem:$0x32C0] =	vst v27;
	v27 =	vld [tilespmem:$0x2E80]  }
0x192: {  	v52 =	vld [tilespmem:$0x2EA0];
	[tilespmem:$0x32E0] =	vst v50  }
0x193: {  	v53 =	vld [tilespmem:$0x2EE0];
	[tilespmem:$0x3320] =	vst v51  }
0x194: {  	[tilespmem:$0x32F0] =	vst v25;
	v25 =	vld [tilespmem:$0x2EB0]  }
0x195: {  	[tilespmem:$0x3300] =	vst v26;
	v26 =	vld [tilespmem:$0x2EC0]  }
0x196: {  	[tilespmem:$0x3310] =	vst v27;
	v27 =	vld [tilespmem:$0x2ED0]  }
0x197: {  	v54 =	vld [tilespmem:$0x2EF0];
	[tilespmem:$0x3330] =	vst v52  }
0x198: {  	v55 =	vld [tilespmem:$0x2F30];
	[tilespmem:$0x3370] =	vst v53  }
0x199: {  	[tilespmem:$0x3340] =	vst v25;
	v25 =	vld [tilespmem:$0x2F00]  }
0x19a: {  	[tilespmem:$0x3350] =	vst v26;
	v26 =	vld [tilespmem:$0x2F10]  }
0x19b: {  	[tilespmem:$0x3360] =	vst v27;
	v27 =	vld [tilespmem:$0x2F20]  }
0x19c: {  	v56 =	vld [tilespmem:$0x2F40];
	[tilespmem:$0x3380] =	vst v54  }
0x19d: {  	v57 =	vld [tilespmem:$0x2F80];
	[tilespmem:$0x33C0] =	vst v55  }
0x19e: {  	[tilespmem:$0x3390] =	vst v25;
	v25 =	vld [tilespmem:$0x2F50]  }
0x19f: {  	[tilespmem:$0x33A0] =	vst v26;
	v26 =	vld [tilespmem:$0x2F60]  }
0x1a0: {  	[tilespmem:$0x33B0] =	vst v27;
	v27 =	vld [tilespmem:$0x2F70]  }
0x1a1: {  	v58 =	vld [tilespmem:$0x2F90];
	[tilespmem:$0x33D0] =	vst v56  }
0x1a2: {  	v59 =	vld [tilespmem:$0x2FD0];
	[tilespmem:$0x3410] =	vst v57  }
0x1a3: {  	[tilespmem:$0x33E0] =	vst v25;
	v25 =	vld [tilespmem:$0x2FA0]  }
0x1a4: {  	[tilespmem:$0x33F0] =	vst v26;
	v26 =	vld [tilespmem:$0x2FB0]  }
0x1a5: {  	[tilespmem:$0x3400] =	vst v27;
	v27 =	vld [tilespmem:$0x2FC0]  }
0x1a6: {  	v60 =	vld [tilespmem:$0x2FE0];
	[tilespmem:$0x3420] =	vst v58  }
0x1a7: {  	v61 =	vld [tilespmem:$0x3020];
	[tilespmem:$0x3460] =	vst v59  }
0x1a8: {  	[tilespmem:$0x3430] =	vst v25;
	v25 =	vld [tilespmem:$0x2FF0]  }
0x1a9: {  	[tilespmem:$0x3440] =	vst v26;
	v26 =	vld [tilespmem:$0x3000]  }
0x1aa: {  	[tilespmem:$0x3450] =	vst v27;
	v27 =	vld [tilespmem:$0x3010]  }
0x1ab: {  	v62 =	vld [tilespmem:$0x3030];
	[tilespmem:$0x3470] =	vst v60  }
0x1ac: {  	v63 =	vld [tilespmem:$0x3070];
	[tilespmem:$0x34B0] =	vst v61  }
0x1ad: {  	s25 =	sadd.s32 $0x7F, s31;
	[tilespmem:$0x3480] =	vst v25;
	v25 =	vld [tilespmem:$0x3040]  }
0x1ae: {  	s25 =	sshra.s32 s25, $0x7;
	[tilespmem:$0x3490] =	vst v26;
	v26 =	vld [tilespmem:$0x3050]  }
0x1af: {  	p0 =	sgt.s32 s25, $0x0;
	[tilespmem:$0x34A0] =	vst v27;
	v27 =	vld [tilespmem:$0x3060]  }
.Ltmp2:
0x1b0: {  	[tilespmem:$0x34C0] =	vst v62;
	(pc) =	sbr.rel @!p0 .LBB2_11-.Ltmp2, $4  }
0x1b1: {  	[tilespmem:$0x3500] =	vst v63  }
0x1b2: {  	[tilespmem:$0x34D0] =	vst v25  }
0x1b3: {  	[tilespmem:$0x34E0] =	vst v26  }
0x1b4: {  	[tilespmem:$0x34F0] =	vst v27  }
0x1b5: {  	p0 =	sne.s32 s25, $0x1  }
.Ltmp3:
0x1b6: {  	_ = 	snop;
	(pc) =	sbr.rel @!p0 .LBB2_8-.Ltmp3, $3  }
0x1b7: {  	_ =	sdelay $0x1  }
0x1b8: {  	s26 =	simm.s32 $0x3110;
	s28 =	simm.s32 $0x3910;
	s29 =	sadd.s32 $0xFFFFFFFF, s25  }
0x1b9: {  	[tilespmem:s28], [sflag:$0x1] =	stream.indirect.gather [hbm4b:s4+s15], $0x40, s26, s15, $0xb8;
	[tilespmem:$0x1C920] =	vst v63  }
.LBB2_7:
0x1ba: {  	p1 =	sne.s32 s29, $0x1  }
.Ltmp4:
0x1bb: {  	_ = 	snop;
	(pc) =	sbr.rel @p1 .LBB2_7-.Ltmp4, $4  }
0x1bc: {  	_ = 	snop  }
0x1bd: {  	s26 =	sadd.s32 $0x80, s26;
	s28 =	sadd.s32 $0x2000, s28  }
0x1be: {  	s29 =	sadd.s32 $0xFFFFFFFF, s29  }
0x1bf: {  	[tilespmem:s28], [sflag:$0x1] =	stream.indirect.gather [hbm4b:s4+s15], $0x40, s26, s15, $0xb8;
	[tilespmem:$0x1C920] =	vst v63  }
.LBB2_8:
.Ltmp5:
0x1c0: {  	(pc) =	sbr.rel @!p0 .LBB2_10-.Ltmp5, $3  }
0x1c1: {  	_ =	sdelay $0x1  }
0x1c2: {  	_ =	swait.ge [sflag:s16], $0x2000  }
0x1c3: {  	s25 =	sadd.s32 $0xFFFFFFFF, s25;
	[sflag:s16] =	ssyncset.done $0x0  }
.LBB2_9:
0x1c4: {  	p0 =	sne.s32 s25, $0x1;
	s25 =	sadd.s32 $0xFFFFFFFF, s25;
	[sflag:s16] =	ssyncadd.s32 $0xFFFFE000  }
.Ltmp6:
0x1c5: {  	(pc) =	sbr.rel @p0 .LBB2_9-.Ltmp6, $3  }
0x1c6: {  	_ =	sdelay $0x1  }
0x1c7: {  	_ =	swait.ge [sflag:s16], $0x2000  }
0x1c8: {  	[sflag:s16] =	ssyncset.done $0x0  }
.LBB2_10:
0x1c9: {  	[sflag:s16] =	ssyncadd.s32 $0xFFFFE000  }
.LBB2_11:
0x1ca: {  	s25 =	simm.s32 $0x0;
	s26 =	simm.s32 $0x0  }
.LBB2_12:
0x1cb: {  	s28 =	simm.s32 $0x0;
	s29 =	smov.u32 s25;
	s30 =	simm.s32 $0x0  }
.LBB2_13:
0x1cc: {  	v25 =	vor.u32 s29, v13;
	_ =	sdelay $0x4  }
0x1cd: {  	v26 =	vld.idx.msk [tilespmem:v25+s17+$0x0], $0xffff;
	_ =	sdelay $0x4  }
0x1ce: {  	v26 =	vshll.u32 v26, $0x6  }
0x1cf: {  	v27 =	vor.u32 v9, v26;
	_ =	sdelay $0x3  }
0x1d0: {  	v25 =	vld.idx.msk [tilespmem:v25+s18+$0x0], $0xffff  }
0x1d1: {  	v27 =	vld.idx.msk [tilespmem:v27+s19+$0x0], $0xffff;
	_ =	sdelay $0x2  }
0x1d2: {  	v28 =	vor.u32 v14, v26;
	_ =	sdelay $0x1  }
0x1d3: {  	s31 =	sand.u32 $0x400, s30;
	s0 =	sand.u32 $0x70, s28;
	v27 =	vmul.f32 v27, v25  }
0x1d4: {  	s0 =	sor.u32 s0, s31  }
0x1d5: {  	[tilespmem:s0+$0x15910] =	vst v27  }
0x1d6: {  	v27 =	vld.idx.msk [tilespmem:v28+s19+$0x0], $0xffff;
	_ =	sdelay $0x2  }
0x1d7: {  	v57 =	vor.u32 v15, v26;
	_ =	sdelay $0x1  }
0x1d8: {  	v27 =	vmul.f32 v27, v25  }
0x1d9: {  	s31 =	sadd.s32 $0x15910, s0  }
0x1da: {  	[tilespmem:s31+$0x1000] =	vst v27  }
0x1db: {  	v27 =	vld.idx.msk [tilespmem:v57+s19+$0x0], $0xffff;
	_ =	sdelay $0x2  }
0x1dc: {  	v58 =	vor.u32 v16, v26;
	_ =	sdelay $0x1  }
0x1dd: {  	v27 =	vmul.f32 v27, v25;
	_ =	sdelay $0x1  }
0x1de: {  	[tilespmem:s31+$0x2000] =	vst v27  }
0x1df: {  	v27 =	vld.idx.msk [tilespmem:v58+s19+$0x0], $0xffff;
	_ =	sdelay $0x2  }
0x1e0: {  	v59 =	vor.u32 v17, v26;
	_ =	sdelay $0x1  }
0x1e1: {  	v27 =	vmul.f32 v27, v25;
	_ =	sdelay $0x1  }
0x1e2: {  	[tilespmem:s31+$0x80] =	vst v27  }
0x1e3: {  	v27 =	vld.idx.msk [tilespmem:v59+s19+$0x0], $0xffff;
	_ =	sdelay $0x2  }
0x1e4: {  	v60 =	vor.u32 v18, v26;
	_ =	sdelay $0x1  }
0x1e5: {  	v27 =	vmul.f32 v27, v25;
	_ =	sdelay $0x1  }
0x1e6: {  	[tilespmem:s31+$0x1080] =	vst v27  }
0x1e7: {  	v27 =	vld.idx.msk [tilespmem:v60+s19+$0x0], $0xffff;
	_ =	sdelay $0x2  }
0x1e8: {  	v61 =	vor.u32 v19, v26;
	_ =	sdelay $0x1  }
0x1e9: {  	v27 =	vmul.f32 v27, v25;
	_ =	sdelay $0x1  }
0x1ea: {  	[tilespmem:s31+$0x2080] =	vst v27  }
0x1eb: {  	v27 =	vld.idx.msk [tilespmem:v61+s19+$0x0], $0xffff;
	_ =	sdelay $0x2  }
0x1ec: {  	v62 =	vor.u32 v20, v26;
	_ =	sdelay $0x1  }
0x1ed: {  	v27 =	vmul.f32 v27, v25;
	_ =	sdelay $0x1  }
0x1ee: {  	[tilespmem:s31+$0x100] =	vst v27  }
0x1ef: {  	v27 =	vld.idx.msk [tilespmem:v62+s19+$0x0], $0xffff;
	_ =	sdelay $0x2  }
0x1f0: {  	v63 =	vor.u32 v21, v26;
	_ =	sdelay $0x1  }
0x1f1: {  	v27 =	vmul.f32 v27, v25;
	_ =	sdelay $0x1  }
0x1f2: {  	[tilespmem:s31+$0x1100] =	vst v27  }
0x1f3: {  	v27 =	vld.idx.msk [tilespmem:v63+s19+$0x0], $0xffff;
	_ =	sdelay $0x2  }
0x1f4: {  	v32 =	vor.u32 v22, v26;
	_ =	sdelay $0x1  }
0x1f5: {  	v27 =	vmul.f32 v27, v25;
	_ =	sdelay $0x1  }
0x1f6: {  	[tilespmem:s31+$0x2100] =	vst v27  }
0x1f7: {  	v27 =	vld.idx.msk [tilespmem:v32+s19+$0x0], $0xffff;
	_ =	sdelay $0x2  }
0x1f8: {  	v33 =	vor.u32 v23, v26;
	_ =	sdelay $0x1  }
0x1f9: {  	v27 =	vmul.f32 v27, v25;
	_ =	sdelay $0x1  }
0x1fa: {  	[tilespmem:s31+$0x180] =	vst v27  }
0x1fb: {  	v27 =	vld.idx.msk [tilespmem:v33+s19+$0x0], $0xffff;
	_ =	sdelay $0x2  }
0x1fc: {  	v26 =	vor.u32 v24, v26;
	_ =	sdelay $0x1  }
0x1fd: {  	v27 =	vmul.f32 v27, v25;
	_ =	sdelay $0x1  }
0x1fe: {  	[tilespmem:s31+$0x1180] =	vst v27  }
0x1ff: {  	v26 =	vld.idx.msk [tilespmem:v26+s19+$0x0], $0xffff;
	_ =	sdelay $0x1  }
0x200: {  	s2 =	sadd.s32 $0x40, s29  }
0x201: {  	v27 =	vor.u32 s2, v13;
	_ =	sdelay $0x1  }
0x202: {  	v25 =	vmul.f32 v26, v25;
	_ =	sdelay $0x1  }
0x203: {  	[tilespmem:s31+$0x2180] =	vst v25  }
0x204: {  	v25 =	vld.idx.msk [tilespmem:v27+s17+$0x0], $0xffff;
	_ =	sdelay $0x4  }
0x205: {  	v25 =	vshll.u32 v25, $0x6  }
0x206: {  	v26 =	vor.u32 v9, v25;
	_ =	sdelay $0x3  }
0x207: {  	v27 =	vld.idx.msk [tilespmem:v27+s18+$0x0], $0xffff  }
0x208: {  	v26 =	vld.idx.msk [tilespmem:v26+s19+$0x0], $0xffff;
	_ =	sdelay $0x2  }
0x209: {  	v34 =	vor.u32 v14, v25;
	_ =	sdelay $0x1  }
0x20a: {  	v26 =	vmul.f32 v26, v27;
	_ =	sdelay $0x1  }
0x20b: {  	[tilespmem:s31+$0x200] =	vst v26  }
0x20c: {  	v26 =	vld.idx.msk [tilespmem:v34+s19+$0x0], $0xffff;
	_ =	sdelay $0x2  }
0x20d: {  	v35 =	vor.u32 v15, v25;
	_ =	sdelay $0x1  }
0x20e: {  	v26 =	vmul.f32 v26, v27;
	_ =	sdelay $0x1  }
0x20f: {  	[tilespmem:s31+$0x1200] =	vst v26  }
0x210: {  	v26 =	vld.idx.msk [tilespmem:v35+s19+$0x0], $0xffff;
	_ =	sdelay $0x2  }
0x211: {  	v36 =	vor.u32 v16, v25;
	_ =	sdelay $0x1  }
0x212: {  	v26 =	vmul.f32 v26, v27;
	_ =	sdelay $0x1  }
0x213: {  	[tilespmem:s31+$0x2200] =	vst v26  }
0x214: {  	v26 =	vld.idx.msk [tilespmem:v36+s19+$0x0], $0xffff;
	_ =	sdelay $0x2  }
0x215: {  	v37 =	vor.u32 v17, v25;
	_ =	sdelay $0x1  }
0x216: {  	v26 =	vmul.f32 v26, v27;
	_ =	sdelay $0x1  }
0x217: {  	[tilespmem:s31+$0x280] =	vst v26  }
0x218: {  	v26 =	vld.idx.msk [tilespmem:v37+s19+$0x0], $0xffff;
	_ =	sdelay $0x2  }
0x219: {  	v38 =	vor.u32 v18, v25;
	_ =	sdelay $0x1  }
0x21a: {  	v26 =	vmul.f32 v26, v27;
	_ =	sdelay $0x1  }
0x21b: {  	[tilespmem:s31+$0x1280] =	vst v26  }
0x21c: {  	v26 =	vld.idx.msk [tilespmem:v38+s19+$0x0], $0xffff;
	_ =	sdelay $0x2  }
0x21d: {  	v39 =	vor.u32 v19, v25;
	_ =	sdelay $0x1  }
0x21e: {  	v26 =	vmul.f32 v26, v27;
	_ =	sdelay $0x1  }
0x21f: {  	[tilespmem:s31+$0x2280] =	vst v26  }
0x220: {  	v26 =	vld.idx.msk [tilespmem:v39+s19+$0x0], $0xffff;
	_ =	sdelay $0x2  }
0x221: {  	v40 =	vor.u32 v20, v25;
	_ =	sdelay $0x1  }
0x222: {  	v26 =	vmul.f32 v26, v27;
	_ =	sdelay $0x1  }
0x223: {  	[tilespmem:s31+$0x300] =	vst v26  }
0x224: {  	v26 =	vld.idx.msk [tilespmem:v40+s19+$0x0], $0xffff;
	_ =	sdelay $0x2  }
0x225: {  	v41 =	vor.u32 v21, v25;
	_ =	sdelay $0x1  }
0x226: {  	v26 =	vmul.f32 v26, v27;
	_ =	sdelay $0x1  }
0x227: {  	[tilespmem:s31+$0x1300] =	vst v26  }
0x228: {  	v26 =	vld.idx.msk [tilespmem:v41+s19+$0x0], $0xffff;
	_ =	sdelay $0x2  }
0x229: {  	v42 =	vor.u32 v22, v25;
	_ =	sdelay $0x1  }
0x22a: {  	v26 =	vmul.f32 v26, v27;
	_ =	sdelay $0x1  }
0x22b: {  	[tilespmem:s31+$0x2300] =	vst v26  }
0x22c: {  	v26 =	vld.idx.msk [tilespmem:v42+s19+$0x0], $0xffff;
	_ =	sdelay $0x2  }
0x22d: {  	v43 =	vor.u32 v23, v25;
	_ =	sdelay $0x1  }
0x22e: {  	v26 =	vmul.f32 v26, v27;
	_ =	sdelay $0x1  }
0x22f: {  	[tilespmem:s31+$0x380] =	vst v26  }
0x230: {  	v26 =	vld.idx.msk [tilespmem:v43+s19+$0x0], $0xffff;
	_ =	sdelay $0x2  }
0x231: {  	v25 =	vor.u32 v24, v25;
	_ =	sdelay $0x1  }
0x232: {  	v26 =	vmul.f32 v26, v27;
	_ =	sdelay $0x1  }
0x233: {  	[tilespmem:s31+$0x1380] =	vst v26  }
0x234: {  	v25 =	vld.idx.msk [tilespmem:v25+s19+$0x0], $0xffff;
	_ =	sdelay $0x1  }
0x235: {  	s5 =	sadd.s32 $0x80, s29  }
0x236: {  	v26 =	vor.u32 s5, v13;
	_ =	sdelay $0x1  }
0x237: {  	v25 =	vmul.f32 v25, v27;
	_ =	sdelay $0x1  }
0x238: {  	[tilespmem:s31+$0x2380] =	vst v25  }
0x239: {  	v25 =	vld.idx.msk [tilespmem:v26+s17+$0x0], $0xffff;
	_ =	sdelay $0x4  }
0x23a: {  	v25 =	vshll.u32 v25, $0x6  }
0x23b: {  	v27 =	vor.u32 v9, v25;
	_ =	sdelay $0x3  }
0x23c: {  	v26 =	vld.idx.msk [tilespmem:v26+s18+$0x0], $0xffff  }
0x23d: {  	v27 =	vld.idx.msk [tilespmem:v27+s19+$0x0], $0xffff;
	_ =	sdelay $0x2  }
0x23e: {  	v44 =	vor.u32 v14, v25;
	_ =	sdelay $0x1  }
0x23f: {  	v27 =	vmul.f32 v27, v26;
	_ =	sdelay $0x1  }
0x240: {  	[tilespmem:s31+$0x800] =	vst v27  }
0x241: {  	v27 =	vld.idx.msk [tilespmem:v44+s19+$0x0], $0xffff;
	_ =	sdelay $0x2  }
0x242: {  	v45 =	vor.u32 v15, v25;
	_ =	sdelay $0x1  }
0x243: {  	v27 =	vmul.f32 v27, v26;
	_ =	sdelay $0x1  }
0x244: {  	[tilespmem:s31+$0x1800] =	vst v27  }
0x245: {  	v27 =	vld.idx.msk [tilespmem:v45+s19+$0x0], $0xffff;
	_ =	sdelay $0x2  }
0x246: {  	v46 =	vor.u32 v16, v25;
	_ =	sdelay $0x1  }
0x247: {  	v27 =	vmul.f32 v27, v26;
	_ =	sdelay $0x1  }
0x248: {  	[tilespmem:s31+$0x2800] =	vst v27  }
0x249: {  	v27 =	vld.idx.msk [tilespmem:v46+s19+$0x0], $0xffff;
	_ =	sdelay $0x2  }
0x24a: {  	v47 =	vor.u32 v17, v25;
	_ =	sdelay $0x1  }
0x24b: {  	v27 =	vmul.f32 v27, v26;
	_ =	sdelay $0x1  }
0x24c: {  	[tilespmem:s31+$0x880] =	vst v27  }
0x24d: {  	v27 =	vld.idx.msk [tilespmem:v47+s19+$0x0], $0xffff;
	_ =	sdelay $0x2  }
0x24e: {  	v48 =	vor.u32 v18, v25;
	_ =	sdelay $0x1  }
0x24f: {  	v27 =	vmul.f32 v27, v26;
	_ =	sdelay $0x1  }
0x250: {  	[tilespmem:s31+$0x1880] =	vst v27  }
0x251: {  	v27 =	vld.idx.msk [tilespmem:v48+s19+$0x0], $0xffff;
	_ =	sdelay $0x2  }
0x252: {  	v49 =	vor.u32 v19, v25;
	_ =	sdelay $0x1  }
0x253: {  	v27 =	vmul.f32 v27, v26;
	_ =	sdelay $0x1  }
0x254: {  	[tilespmem:s31+$0x2880] =	vst v27  }
0x255: {  	v27 =	vld.idx.msk [tilespmem:v49+s19+$0x0], $0xffff;
	_ =	sdelay $0x2  }
0x256: {  	v50 =	vor.u32 v20, v25;
	_ =	sdelay $0x1  }
0x257: {  	v27 =	vmul.f32 v27, v26;
	_ =	sdelay $0x1  }
0x258: {  	[tilespmem:s31+$0x900] =	vst v27  }
0x259: {  	v27 =	vld.idx.msk [tilespmem:v50+s19+$0x0], $0xffff;
	_ =	sdelay $0x2  }
0x25a: {  	v51 =	vor.u32 v21, v25;
	_ =	sdelay $0x1  }
0x25b: {  	v27 =	vmul.f32 v27, v26;
	_ =	sdelay $0x1  }
0x25c: {  	[tilespmem:s31+$0x1900] =	vst v27  }
0x25d: {  	v27 =	vld.idx.msk [tilespmem:v51+s19+$0x0], $0xffff;
	_ =	sdelay $0x2  }
0x25e: {  	v52 =	vor.u32 v22, v25;
	_ =	sdelay $0x1  }
0x25f: {  	v27 =	vmul.f32 v27, v26;
	_ =	sdelay $0x1  }
0x260: {  	[tilespmem:s31+$0x2900] =	vst v27  }
0x261: {  	v27 =	vld.idx.msk [tilespmem:v52+s19+$0x0], $0xffff;
	_ =	sdelay $0x2  }
0x262: {  	v53 =	vor.u32 v23, v25;
	_ =	sdelay $0x1  }
0x263: {  	v27 =	vmul.f32 v27, v26;
	_ =	sdelay $0x1  }
0x264: {  	[tilespmem:s31+$0x980] =	vst v27  }
0x265: {  	v27 =	vld.idx.msk [tilespmem:v53+s19+$0x0], $0xffff;
	_ =	sdelay $0x2  }
0x266: {  	v25 =	vor.u32 v24, v25;
	_ =	sdelay $0x1  }
0x267: {  	v27 =	vmul.f32 v27, v26;
	_ =	sdelay $0x1  }
0x268: {  	[tilespmem:s31+$0x1980] =	vst v27  }
0x269: {  	v25 =	vld.idx.msk [tilespmem:v25+s19+$0x0], $0xffff;
	_ =	sdelay $0x1  }
0x26a: {  	s23 =	sadd.s32 $0xC0, s29  }
0x26b: {  	v27 =	vor.u32 s23, v13;
	_ =	sdelay $0x1  }
0x26c: {  	v25 =	vmul.f32 v25, v26;
	_ =	sdelay $0x1  }
0x26d: {  	[tilespmem:s31+$0x2980] =	vst v25  }
0x26e: {  	v25 =	vld.idx.msk [tilespmem:v27+s17+$0x0], $0xffff;
	_ =	sdelay $0x4  }
0x26f: {  	v25 =	vshll.u32 v25, $0x6  }
0x270: {  	v26 =	vor.u32 v9, v25;
	_ =	sdelay $0x3  }
0x271: {  	v27 =	vld.idx.msk [tilespmem:v27+s18+$0x0], $0xffff  }
0x272: {  	v26 =	vld.idx.msk [tilespmem:v26+s19+$0x0], $0xffff;
	_ =	sdelay $0x2  }
0x273: {  	v54 =	vor.u32 v14, v25;
	_ =	sdelay $0x1  }
0x274: {  	v26 =	vmul.f32 v26, v27;
	_ =	sdelay $0x1  }
0x275: {  	[tilespmem:s31+$0xA00] =	vst v26  }
0x276: {  	v26 =	vld.idx.msk [tilespmem:v54+s19+$0x0], $0xffff;
	_ =	sdelay $0x2  }
0x277: {  	v55 =	vor.u32 v15, v25;
	_ =	sdelay $0x1  }
0x278: {  	v26 =	vmul.f32 v26, v27;
	_ =	sdelay $0x1  }
0x279: {  	[tilespmem:s31+$0x1A00] =	vst v26  }
0x27a: {  	v26 =	vld.idx.msk [tilespmem:v55+s19+$0x0], $0xffff;
	_ =	sdelay $0x2  }
0x27b: {  	v56 =	vor.u32 v16, v25;
	_ =	sdelay $0x1  }
0x27c: {  	v26 =	vmul.f32 v26, v27;
	_ =	sdelay $0x1  }
0x27d: {  	[tilespmem:s31+$0x2A00] =	vst v26  }
0x27e: {  	v26 =	vld.idx.msk [tilespmem:v56+s19+$0x0], $0xffff;
	_ =	sdelay $0x2  }
0x27f: {  	v57 =	vor.u32 v17, v25;
	_ =	sdelay $0x1  }
0x280: {  	v26 =	vmul.f32 v26, v27;
	_ =	sdelay $0x1  }
0x281: {  	[tilespmem:s31+$0xA80] =	vst v26  }
0x282: {  	v26 =	vld.idx.msk [tilespmem:v57+s19+$0x0], $0xffff;
	_ =	sdelay $0x2  }
0x283: {  	v58 =	vor.u32 v18, v25;
	_ =	sdelay $0x1  }
0x284: {  	v26 =	vmul.f32 v26, v27;
	_ =	sdelay $0x1  }
0x285: {  	[tilespmem:s31+$0x1A80] =	vst v26  }
0x286: {  	v26 =	vld.idx.msk [tilespmem:v58+s19+$0x0], $0xffff;
	_ =	sdelay $0x2  }
0x287: {  	v59 =	vor.u32 v19, v25;
	_ =	sdelay $0x1  }
0x288: {  	v26 =	vmul.f32 v26, v27;
	_ =	sdelay $0x1  }
0x289: {  	[tilespmem:s31+$0x2A80] =	vst v26  }
0x28a: {  	v26 =	vld.idx.msk [tilespmem:v59+s19+$0x0], $0xffff;
	_ =	sdelay $0x2  }
0x28b: {  	v60 =	vor.u32 v20, v25;
	_ =	sdelay $0x1  }
0x28c: {  	v26 =	vmul.f32 v26, v27;
	_ =	sdelay $0x1  }
0x28d: {  	[tilespmem:s31+$0xB00] =	vst v26  }
0x28e: {  	v26 =	vld.idx.msk [tilespmem:v60+s19+$0x0], $0xffff;
	_ =	sdelay $0x2  }
0x28f: {  	v61 =	vor.u32 v21, v25;
	_ =	sdelay $0x1  }
0x290: {  	v26 =	vmul.f32 v26, v27;
	_ =	sdelay $0x1  }
0x291: {  	[tilespmem:s31+$0x1B00] =	vst v26  }
0x292: {  	v26 =	vld.idx.msk [tilespmem:v61+s19+$0x0], $0xffff;
	_ =	sdelay $0x2  }
0x293: {  	v62 =	vor.u32 v22, v25;
	_ =	sdelay $0x1  }
0x294: {  	v26 =	vmul.f32 v26, v27;
	_ =	sdelay $0x1  }
0x295: {  	[tilespmem:s31+$0x2B00] =	vst v26  }
0x296: {  	v26 =	vld.idx.msk [tilespmem:v62+s19+$0x0], $0xffff;
	_ =	sdelay $0x2  }
0x297: {  	v63 =	vor.u32 v23, v25;
	_ =	sdelay $0x1  }
0x298: {  	v26 =	vmul.f32 v26, v27;
	_ =	sdelay $0x1  }
0x299: {  	[tilespmem:s31+$0xB80] =	vst v26  }
0x29a: {  	v26 =	vld.idx.msk [tilespmem:v63+s19+$0x0], $0xffff;
	_ =	sdelay $0x2  }
0x29b: {  	v25 =	vor.u32 v24, v25;
	_ =	sdelay $0x1  }
0x29c: {  	v26 =	vmul.f32 v26, v27;
	_ =	sdelay $0x1  }
0x29d: {  	[tilespmem:s31+$0x1B80] =	vst v26  }
0x29e: {  	v25 =	vld.idx.msk [tilespmem:v25+s19+$0x0], $0xffff;
	_ =	sdelay $0x1  }
0x29f: {  	p0 =	sne.s32 s30, $0x780  }
.Ltmp7:
0x2a0: {  	_ = 	snop;
	(pc) =	sbr.rel @p0 .LBB2_13-.Ltmp7, $3  }
0x2a1: {  	_ = 	snop  }
0x2a2: {  	v25 =	vmul.f32 v25, v27;
	_ =	sdelay $0x1  }
0x2a3: {  	s29 =	sadd.s32 $0x4, s29;
	s28 =	sadd.s32 $0x10, s28;
	s30 =	sadd.s32 $0x80, s30;
	[tilespmem:s31+$0x2B80] =	vst v25  }
0x2a4: {  	s0 =	sshll.u32 s26, $0xC  }
0x2a5: {  	s0 =	sadd.s32 s8, s0  }
0x2a6: {  	s0 =	sshrl.u32 s0, $0x3  }
0x2a7: {  	s28 =	simm.s32 $0x0;
	s0 =	sadd.s32 s1, s0  }
0x2a8: {  	[hbm4b:s0+s28] =	stream.linear.scatter [tilespmem:s20], [sflag:$0x2], $0x1000, $0x38;
	[tilespmem:$0x1C920] =	vst v63  }
0x2a9: {  	_ =	swait.ge [sflag:s11], $0x1000  }
0x2aa: {  	[sflag:s11] =	ssyncset.done $0x0  }
0x2ab: {  	s29 =	sadd.s32 $0x2000, s0;
	[sflag:s11] =	ssyncadd.s32 $0xFFFFF000  }
0x2ac: {  	[hbm4b:s29+s28] =	stream.linear.scatter [tilespmem:s21], [sflag:$0x2], $0x1000, $0x38;
	[tilespmem:$0x1C920] =	vst v63  }
0x2ad: {  	s26 =	sadd.s32 $0x1, s26;
	_ =	swait.ge [sflag:s11], $0x1000  }
0x2ae: {  	p0 =	sne.s32 s26, $0x4;
	[sflag:s11] =	ssyncset.done $0x0  }
.Ltmp8:
0x2af: {  	s0 =	sadd.s32 $0x4000, s0;
	[sflag:s11] =	ssyncadd.s32 $0xFFFFF000;
	(pc) =	sbr.rel @p0 .LBB2_12-.Ltmp8, $4  }
0x2b0: {  	[hbm4b:s0+s28] =	stream.linear.scatter [tilespmem:s22], [sflag:$0x2], $0x1000, $0x38;
	[tilespmem:$0x1C920] =	vst v63  }
0x2b1: {  	_ =	swait.ge [sflag:s11], $0x1000  }
0x2b2: {  	[sflag:s11] =	ssyncset.done $0x0  }
0x2b3: {  	s25 =	sadd.s32 $0x100, s25;
	[sflag:s11] =	ssyncadd.s32 $0xFFFFF000  }
0x2b4: {  	s0 =	sand.u32 $0xC0, s28  }
0x2b5: {  	s25 =	simm.s32 $0x0;
	v25 =	vor.u32 s0, v4  }
0x2b6: {  	s31 =	sand.u32 $0xFFFFFFC0, s25;
	v25 =	vshrl.u32 v25, $0x2  }
0x2b7: {  	v25 =	vor.u32 s31, v25;
	_ =	sdelay $0x4  }
0x2b8: {  	v25 =	vld.idx.msk [tilespmem:v25+s18+$0x0], $0xffff  }
0x2b9: {  	s26 =	simm.s32 $0x0;
	s23 =	sor.u32 $0x10, s0  }
0x2ba: {  	s26 =	sand.u32 $0x3FFFFC00, s26;
	v26 =	vor.u32 s23, v4  }
0x2bb: {  	s26 =	sadd.s32 $0x18920, s26;
	v26 =	vshrl.u32 v26, $0x2  }
0x2bc: {  	s29 =	sor.u32 s0, s26;
	v26 =	vor.u32 s31, v26  }
0x2bd: {  	[tilespmem:s29+$0x300] =	vst v25  }
0x2be: {  	[tilespmem:s29+$0x200] =	vst v25  }
0x2bf: {  	[tilespmem:s29+$0x0] =	vst v25  }
0x2c0: {  	[tilespmem:s29+$0x100] =	vst v25  }
0x2c1: {  	v25 =	vld.idx.msk [tilespmem:v26+s18+$0x0], $0xffff  }
0x2c2: {  	s29 =	sor.u32 $0x20, s0  }
0x2c3: {  	v26 =	vor.u32 s29, v4  }
0x2c4: {  	v26 =	vshrl.u32 v26, $0x2  }
0x2c5: {  	s25 =	sor.u32 s23, s26;
	v26 =	vor.u32 s31, v26  }
0x2c6: {  	[tilespmem:s25+$0x0] =	vst v25  }
0x2c7: {  	[tilespmem:s25+$0x100] =	vst v25  }
0x2c8: {  	[tilespmem:s25+$0x200] =	vst v25  }
0x2c9: {  	[tilespmem:s25+$0x300] =	vst v25  }
0x2ca: {  	v26 =	vld.idx.msk [tilespmem:v26+s18+$0x0], $0xffff;
	_ =	sdelay $0x1  }
0x2cb: {  	s25 =	sor.u32 $0x30, s0  }
0x2cc: {  	v25 =	vor.u32 s25, v4  }
0x2cd: {  	s30 =	sadd.s32 s29, s26;
	v25 =	vshrl.u32 v25, $0x2  }
0x2ce: {  	s29 =	simm.s32 $0x1;
	v25 =	vor.u32 s31, v25;
	[tilespmem:s30+$0x300] =	vst v26  }
.LBB2_16:
0x2cf: {  	p0 =	sne.s32 s29, $0x3F  }
0x2d0: {  	[tilespmem:s30+$0x0] =	vst v26;
	s28 =	sadd.s32 $0x40, s28;
	s0 =	smov.u32 s29;
	s29 =	sadd.s32 $0x1, s29  }
0x2d1: {  	[tilespmem:s30+$0x100] =	vst v26  }
0x2d2: {  	[tilespmem:s30+$0x200] =	vst v26  }
0x2d3: {  	v26 =	vld.idx.msk [tilespmem:v25+s18+$0x0], $0xffff;
	_ =	sdelay $0x1  }
0x2d4: {  	s31 =	sand.u32 $0xC0, s28  }
0x2d5: {  	s2 =	sshll.u32 s0, $0x4;
	s23 =	sor.u32 $0x10, s31;
	s30 =	sor.u32 $0x20, s31;
	v25 =	vor.u32 s31, v4  }
0x2d6: {  	s2 =	sand.u32 $0xFFFFFFC0, s2;
	s5 =	sor.u32 $0x30, s31;
	v27 =	vor.u32 s23, v4;
	v28 =	vor.u32 s30, v4;
	v25 =	vshrl.u32 v25, $0x2  }
0x2d7: {  	s26 =	sadd.s32 s25, s26;
	s25 =	smov.u32 s5;
	v29 =	vor.u32 s2, v25;
	v25 =	vshrl.u32 v27, $0x2;
	v27 =	vshrl.u32 v28, $0x2  }
0x2d8: {  	v28 =	vor.u32 s2, v25;
	v27 =	vor.u32 s2, v27;
	v25 =	vor.u32 s25, v4;
	[tilespmem:s26+$0x0] =	vst v26  }
0x2d9: {  	v25 =	vshrl.u32 v25, $0x2;
	[tilespmem:s26+$0x300] =	vst v26  }
0x2da: {  	v25 =	vor.u32 s2, v25;
	[tilespmem:s26+$0x200] =	vst v26  }
0x2db: {  	[tilespmem:s26+$0x100] =	vst v26  }
0x2dc: {  	v26 =	vld.idx.msk [tilespmem:v29+s18+$0x0], $0xffff;
	_ =	sdelay $0x1  }
0x2dd: {  	s0 =	sshll.u32 s0, $0x8  }
0x2de: {  	s0 =	sand.u32 $0x3FFFFC00, s0  }
0x2df: {  	s26 =	sadd.s32 $0x18920, s0  }
0x2e0: {  	s0 =	sor.u32 s31, s26  }
0x2e1: {  	[tilespmem:s0+$0x300] =	vst v26  }
0x2e2: {  	[tilespmem:s0+$0x200] =	vst v26  }
0x2e3: {  	[tilespmem:s0+$0x0] =	vst v26  }
0x2e4: {  	[tilespmem:s0+$0x100] =	vst v26  }
0x2e5: {  	v26 =	vld.idx.msk [tilespmem:v28+s18+$0x0], $0xffff;
	_ =	sdelay $0x4  }
0x2e6: {  	s0 =	sor.u32 s23, s26  }
0x2e7: {  	[tilespmem:s0+$0x0] =	vst v26  }
0x2e8: {  	[tilespmem:s0+$0x100] =	vst v26  }
0x2e9: {  	[tilespmem:s0+$0x200] =	vst v26  }
0x2ea: {  	[tilespmem:s0+$0x300] =	vst v26  }
0x2eb: {  	v26 =	vld.idx.msk [tilespmem:v27+s18+$0x0], $0xffff;
	_ =	sdelay $0x1  }
.Ltmp9:
0x2ec: {  	(pc) =	sbr.rel @p0 .LBB2_16-.Ltmp9, $3  }
0x2ed: {  	_ =	sdelay $0x1  }
0x2ee: {  	s30 =	sadd.s32 s30, s26  }
0x2ef: {  	[tilespmem:s30+$0x300] =	vst v26  }
0x2f0: {  	_ = 	snop  }
0x2f1: {  	[tilespmem:s30+$0x0] =	vst v26  }
0x2f2: {  	[tilespmem:s30+$0x100] =	vst v26  }
0x2f3: {  	[tilespmem:s30+$0x200] =	vst v26  }
0x2f4: {  	v25 =	vld.idx.msk [tilespmem:v25+s18+$0x0], $0xffff;
	_ =	sdelay $0x3  }
0x2f5: {  	s0 =	sadd.s32 s25, s26  }
0x2f6: {  	[tilespmem:s0+$0x0] =	vst v25  }
0x2f7: {  	s24 =	sadd.s32 $0x1, s24;
	[tilespmem:s0+$0x300] =	vst v25  }
0x2f8: {  	p0 =	sne.s32 s24, s10;
	[tilespmem:s0+$0x200] =	vst v25  }
.Ltmp10:
0x2f9: {  	s31 =	simm.s32 $0x18920;
	[tilespmem:s0+$0x100] =	vst v25;
	(pc) =	sbr.rel @p0 .LBB2_1-.Ltmp10, $4  }
0x2fa: {  	[hbm4b:s9+s3] =	stream.linear.scatter [tilespmem:s31], [sflag:$0x2], $0x4000, $0x38;
	[tilespmem:$0x1C920] =	vst v63  }
0x2fb: {  	_ =	swait.ge [sflag:s11], $0x4000  }
0x2fc: {  	[sflag:s11] =	ssyncset.done $0x0  }
0x2fd: {  	[sflag:s11] =	ssyncadd.s32 $0xFFFFC000  }
0x2fe: {  	_ =	sfence.sel $0x180000  }
0x2ff: {  	[bflag:$0x0] =	sbarrier.arrive $0xFFFF  }
0x300: {  	_ =	strace $0x90000047  }
0x301: {  	s0 =	stileid.u32;
	[bflag:$0x2] =	sbarrier.arrive $0xFFFF  }
0x302: {  	p0 =	sne.s32 s0, $0x0;
	s0 =	rddreg [dreg:$0x3]  }
0x303: {  	s0 =	sadd.s32 @!p0 $0x100000, s0  }
0x304: {  	[sflag:s0] =	ssyncadd.tile.s32 @!p0 $0x1;
	_ =	shalt  }
.Lfunc_end2:
_tile_overlayer_lowered:
.L_overlay_start_2:
0x305: {  	(tag) =	ssettag $0x2  }
0x306: {  	s0 =	rddreg [dreg:$0x0];
	s2 =	stileid.u32  }
0x307: {  	s1 =	rddreg [dreg:$0x1];
	p0 =	sne.s32 s2, $0x0  }
0x308: {  	s3 =	rddreg [dreg:$0x2];
	[bflag:$0x3] =	sbarrier.arrive $0xFFFF;
	s2 =	simm.s32 @!p0 $0x1C02  }
0x309: {  	[timem:s3], [sflag:s2] =	dma.local @!p0 [hbm:s0], s1  }
0x30a: {  	s0 =	simm.s32 @!p0 $0x2  }
0x30b: {  	_ =	swait.ge @!p0 [sflag:s0], s1  }
0x30c: {  	s1 =	ssub.s32 @!p0 $0x0, s1;
	[sflag:s0] =	ssyncset.done @!p0 $0x0  }
0x30d: {  	[sflag:s0] =	ssyncadd.s32 @!p0 s1  }
0x30e: {  	[bflag:$0x3] =	sbarrier.arrive $0xFFFF  }
0x30f: {  	_ =	shalt  }

</sc_bundles>
